<compile_context>
chip_gen: v7x
topology: tpu7x:2x2x1
jax: 0.10.2.dev20260603
libtpu: 0.0.44.dev20260713+nightly
codegen_flags: <defaults>
</compile_context>

<pallas_src>
import functools

import jax
import jax.numpy as jnp
from jax import lax
from jax.experimental import pallas as pl
from jax.experimental.pallas import tpu as pltpu
from jax.experimental.pallas import tpu_sc as plsc

N = 10000
E = 320000
F = 128
H = 64

NC = 2
NS = 16
NW = NC * NS

NP = 10240
CHUNK = 128
EP = 327680
NBC = EP // CHUNK
NBW = NBC // NW
NBUF = 8
ROWS_PER_TILE = NP // NS

_MESH = plsc.VectorSubcoreMesh(
    core_axis_name="c", subcore_axis_name="s", num_cores=NC, num_subcores=NS
)


def _hist_body(col_hbm, zz_hbm, deg_out, cidx_v, ones_v, acc):
    cid = lax.axis_index("c")
    sid = lax.axis_index("s")
    wid = sid * NC + cid
    for l in range(CHUNK // 16):
        ones_v[pl.ds(l * 16, 16)] = jnp.ones((16,), jnp.float32)
    pltpu.sync_copy(
        zz_hbm.at[pl.ds(sid * ROWS_PER_TILE, ROWS_PER_TILE)],
        acc.at[pl.ds(sid * ROWS_PER_TILE, ROWS_PER_TILE)],
    )
    pltpu.sync_copy(col_hbm.at[pl.ds(wid * NBW, NBW)], cidx_v)
    plsc.subcore_barrier()

    def body(j, carry):
        pltpu.sync_copy(ones_v, acc.at[cidx_v.at[j]], add=True)
        return carry

    lax.fori_loop(0, NBW, body, 0)
    plsc.subcore_barrier()
    pltpu.sync_copy(
        acc.at[pl.ds(sid * ROWS_PER_TILE, ROWS_PER_TILE)],
        deg_out.at[cid, pl.ds(sid * ROWS_PER_TILE, ROWS_PER_TILE)],
    )


@functools.partial(
    pl.kernel,
    out_type=jax.ShapeDtypeStruct((NC, NP), jnp.float32),
    mesh=_MESH,
    scratch_types=[
        pltpu.VMEM((NBW, CHUNK), jnp.int32),
        pltpu.VMEM((CHUNK,), jnp.float32),
        pltpu.VMEM_SHARED((NP,), jnp.float32),
    ],
    compiler_params=pltpu.CompilerParams(use_tc_tiling_on_sc=False),
    name="gcn_degree_hist",
)
def _sc_degree(col_hbm, zz_hbm, deg_out, cidx_v, ones_v, acc):
    _hist_body(col_hbm, zz_hbm, deg_out, cidx_v, ones_v, acc)


def _agg_body(y_hbm, row_hbm, col_hbm, out_hbm,
              ridx_v, cidx_v, ebuf, sems, acc):
    cid = lax.axis_index("c")
    sid = lax.axis_index("s")
    def zbody(r, carry):
        for l in range(H // 16):
            ebuf[0, r, pl.ds(l * 16, 16)] = jnp.zeros((16,), jnp.float32)
        return carry

    lax.fori_loop(0, CHUNK, zbody, 0)
    for t in range(ROWS_PER_TILE // CHUNK):
        pltpu.sync_copy(
            ebuf.at[0],
            acc.at[pl.ds(sid * ROWS_PER_TILE + t * CHUNK, CHUNK)],
        )
    plsc.subcore_barrier()

    wid = sid * NC + cid
    pltpu.sync_copy(row_hbm.at[pl.ds(wid * NBW, NBW)], ridx_v)
    pltpu.sync_copy(col_hbm.at[pl.ds(wid * NBW, NBW)], cidx_v)

    for b in range(NBUF):
        pltpu.async_copy(y_hbm.at[ridx_v.at[b]], ebuf.at[b], sems[b])

    def body(i, carry):
        for b in range(NBUF):
            j = i * NBUF + b
            pltpu.make_async_copy(
                y_hbm.at[ridx_v.at[j]], ebuf.at[b], sems[b]
            ).wait()
            pltpu.sync_copy(ebuf.at[b], acc.at[cidx_v.at[j]], add=True)
            nxt = j + NBUF

            @pl.when(nxt < NBW)
            def _():
                pltpu.async_copy(y_hbm.at[ridx_v.at[nxt]], ebuf.at[b],
                                 sems[b])

        return carry

    lax.fori_loop(0, NBW // NBUF, body, 0)
    plsc.subcore_barrier()
    pltpu.sync_copy(
        acc.at[pl.ds(sid * ROWS_PER_TILE, ROWS_PER_TILE)],
        out_hbm.at[cid, pl.ds(sid * ROWS_PER_TILE, ROWS_PER_TILE)],
    )


@functools.partial(
    pl.kernel,
    out_type=jax.ShapeDtypeStruct((NC, NP, H), jnp.float32),
    mesh=_MESH,
    scratch_types=[
        pltpu.VMEM((NBW, CHUNK), jnp.int32),
        pltpu.VMEM((NBW, CHUNK), jnp.int32),
        pltpu.VMEM((NBUF, CHUNK, H), jnp.float32),
        [pltpu.SemaphoreType.DMA] * NBUF,
        pltpu.VMEM_SHARED((NP, H), jnp.float32),
    ],
    compiler_params=pltpu.CompilerParams(use_tc_tiling_on_sc=False),
    name="gcn_edge_agg",
)
def _sc_edge_agg(y_hbm, row_hbm, col_hbm, out_hbm,
                 ridx_v, cidx_v, ebuf, sems, acc):
    _agg_body(y_hbm, row_hbm, col_hbm, out_hbm,
              ridx_v, cidx_v, ebuf, sems, acc)


BL = 2048


def _mm1_body(x_ref, w_ref, xw_out):
    xw_out[...] = jnp.dot(x_ref[...], w_ref[...],
                          preferred_element_type=jnp.float32)


def _scale_body(deg_ref, xw_ref, dinv_out, s_out):
    d = deg_ref[0] + deg_ref[1] + 1.0
    dinv = jnp.where(d > 0, lax.rsqrt(d), 0.0)
    dinv_out[...] = dinv
    s_out[...] = xw_ref[...] * dinv


def _mid_body(p_ref, s_ref, dinv_ref, b_ref, w_ref, out_ref):
    dinv = dinv_ref[...]
    h = dinv * (p_ref[0] + p_ref[1] + s_ref[...]) + b_ref[...]
    h = jnp.maximum(h, 0.0)
    out_ref[...] = (
        jnp.dot(h, w_ref[...], preferred_element_type=jnp.float32) * dinv
    )


def _head_body(p_ref, s_ref, dinv_ref, b_ref, wo_ref, bo_ref, out_ref):
    dinv = dinv_ref[...]
    h = dinv * (p_ref[0] + p_ref[1] + s_ref[...]) + b_ref[...]
    h = jnp.maximum(h, 0.0)
    out_ref[...] = (
        jnp.dot(h, wo_ref[...], preferred_element_type=jnp.float32) + bo_ref[...]
    )


def _node_spec(width):
    return pl.BlockSpec((BL, width), lambda i: (i, 0))


def _pair_spec(width):
    return pl.BlockSpec((NC, BL, width), lambda i: (0, i, 0))


def _full_spec(shape):
    return pl.BlockSpec(shape, lambda i: (0,) * len(shape))


def _tc_mm1(xp, w1t):
    return pl.pallas_call(
        _mm1_body,
        grid=(NP // BL,),
        in_specs=[_node_spec(F), _full_spec((F, H))],
        out_specs=_node_spec(H),
        out_shape=jax.ShapeDtypeStruct((NP, H), jnp.float32),
    )(xp, w1t)


def _tc_scale(deg, xw):
    return pl.pallas_call(
        _scale_body,
        grid=(NP // BL,),
        in_specs=[_pair_spec(1), _node_spec(H)],
        out_specs=[_node_spec(1), _node_spec(H)],
        out_shape=[
            jax.ShapeDtypeStruct((NP, 1), jnp.float32),
            jax.ShapeDtypeStruct((NP, H), jnp.float32),
        ],
    )(deg, xw)


def _tc_mid(p, s, dinv, b, w2t):
    return pl.pallas_call(
        _mid_body,
        grid=(NP // BL,),
        in_specs=[
            _pair_spec(H),
            _node_spec(H),
            _node_spec(1),
            _full_spec((1, H)),
            _full_spec((H, H)),
        ],
        out_specs=_node_spec(H),
        out_shape=jax.ShapeDtypeStruct((NP, H), jnp.float32),
    )(p, s, dinv, b, w2t)


def _tc_head(p, s, dinv, b, wot, bo):
    return pl.pallas_call(
        _head_body,
        grid=(NP // BL,),
        in_specs=[
            _pair_spec(H),
            _node_spec(H),
            _node_spec(1),
            _full_spec((1, H)),
            _full_spec((H, 1)),
            _full_spec((1, 1)),
        ],
        out_specs=_node_spec(1),
        out_shape=jax.ShapeDtypeStruct((NP, 1), jnp.float32),
    )(p, s, dinv, b, wot, bo)


def kernel(x, edge_index, W1, b1, W2, b2, Wo, bo):
    xp = jnp.pad(x, ((0, NP - N), (0, 0)))
    trash = N + jnp.arange(EP - E, dtype=jnp.int32) % (NP - N)
    pad = jnp.stack([trash, trash])
    ei = jnp.concatenate([edge_index.astype(jnp.int32), pad], axis=1)
    row2d = ei[0].reshape(NBC, CHUNK)
    col2d = ei[1].reshape(NBC, CHUNK)
    zz1 = jnp.zeros((NP,), jnp.float32)

    deg = _sc_degree(col2d, zz1)
    xw = _tc_mm1(xp, W1.T)
    dinv, s1 = _tc_scale(deg.reshape(NC, NP, 1), xw)
    p1 = _sc_edge_agg(s1, row2d, col2d)
    s2 = _tc_mid(p1, s1, dinv, b1.reshape(1, H), W2.T)
    p2 = _sc_edge_agg(s2, row2d, col2d)
    scores = _tc_head(p2, s2, dinv, b2.reshape(1, H), Wo.T, bo.reshape(1, 1))
    return scores[:N, 0]

# --- scband reference (transcript-rebuilt; emitter-appended) ---
"""Pipeline reference for scband-vrpgnn-44942537786041 (READ-ONLY COPY).

The authoritative reference and input builder live on the scoring server;
editing this copy changes nothing except your own understanding.
"""

import jax, jax.numpy as jnp
import numpy as np

N_NODES = 10000
N_EDGES = 320000
IN_FEAT = 128
HID = 64


def setup_inputs(seed: int = 0) -> dict:
    key = jax.random.key(seed)
    ks = jax.random.split(key, 8)
    x = jax.random.normal(ks[0], (N_NODES, IN_FEAT), dtype=jnp.float32)
    edge_index = jax.random.randint(ks[1], (2, N_EDGES), 0, N_NODES, dtype=jnp.int32)
    # GCNConv params (PyG: lin has no bias; separate additive bias param)
    W1 = jax.random.normal(ks[2], (HID, IN_FEAT), dtype=jnp.float32) * (1.0 / np.sqrt(IN_FEAT))
    b1 = jnp.zeros((HID,), dtype=jnp.float32)
    W2 = jax.random.normal(ks[3], (HID, HID), dtype=jnp.float32) * (1.0 / np.sqrt(HID))
    b2 = jnp.zeros((HID,), dtype=jnp.float32)
    Wo = jax.random.normal(ks[4], (1, HID), dtype=jnp.float32) * (1.0 / np.sqrt(HID))
    bo = jnp.zeros((1,), dtype=jnp.float32)
    return {"x": x, "edge_index": edge_index, "W1": W1, "b1": b1, "W2": W2, "b2": b2, "Wo": Wo, "bo": bo}


def _gcn_conv(x, edge_index, W, b):
    n = x.shape[0]
    row = edge_index[0]
    col = edge_index[1]
    # add self-loops (PyG default add_self_loops=True)
    loop = jnp.arange(n, dtype=row.dtype)
    row = jnp.concatenate([row, loop])
    col = jnp.concatenate([col, loop])
    # linear transform (no bias inside lin)
    xw = x @ W.T
    # symmetric normalization: deg computed over destination (col)
    ones = jnp.ones(row.shape[0], dtype=x.dtype)
    deg = jax.ops.segment_sum(ones, col, num_segments=n)
    deg_inv_sqrt = jnp.where(deg > 0, deg ** -0.5, 0.0)
    norm = deg_inv_sqrt[row] * deg_inv_sqrt[col]
    # message + scatter-add aggregation at destination nodes
    msgs = xw[row] * norm[:, None]
    out = jax.ops.segment_sum(msgs, col, num_segments=n)
    return out + b


def reference(x, edge_index, W1, b1, W2, b2, Wo, bo):
    h = _gcn_conv(x, edge_index, W1, b1)
    h = jax.nn.relu(h)
    h = _gcn_conv(h, edge_index, W2, b2)
    h = jax.nn.relu(h)
    scores = (h @ Wo.T + bo).squeeze(-1)
    return scores

if __name__ == "__main__":
    import jax
    _d = setup_inputs()
    print(jax.jit(kernel)(*tuple(_d.values())))

</pallas_src>

<mosaic_0001>
#map = affine_map<(d0, d1) -> (0, 0)>
#map1 = affine_map<(d0, d1) -> (0)>
module attributes {stable_mosaic.version = 14 : i64} {
  func.func @gcn_degree_hist(%arg0: i32, %arg1: i32, %arg2: memref<2560x128xi32, #tpu.memory_space<hbm>>, %arg3: memref<10240xf32, #tpu.memory_space<hbm>>, %arg4: memref<2x10240xf32, #tpu.memory_space<hbm>>, %arg5: memref<80x128xi32, #tpu.memory_space<vmem>>, %arg6: memref<128xf32, #tpu.memory_space<vmem>>, %arg7: memref<10240xf32, #tpu.memory_space<vmem_shared>>) attributes {dimension_semantics = [#tpu.dimension_semantics<core_parallel>, #tpu.dimension_semantics<subcore_parallel>], iteration_bounds = array<i64: 2, 16>, scalar_prefetch = 0 : i64, scratch_operands = 3 : i64, tpu.core_type = #tpu.core_type<sc_vector_subcore>, window_params = [{transform_indices = #map}, {transform_indices = #map1}, {transform_indices = #map}]} {
    %mul3A = arith.constant 2 : i32
    %mul3A_0 = arith.muli %arg1, %mul3A : i32
    %add3A = arith.addi %mul3A_0, %arg0 : i32
    %broadcast_in_dim3A = arith.constant 1.000000e+00 : f32
    %broadcast_in_dim3A_1 = vector.broadcast %broadcast_in_dim3A : f32 to vector<16xf32>
    %swap3A = arith.constant 0 : index
    %swap3A_2 = tpu.vector_load %arg6[%swap3A] {strides = array<i32>} : memref<128xf32, #tpu.memory_space<vmem>>, vector<16xf32>,
    %swap3A_3 = vector.shape_cast %swap3A_2 : vector<16xf32> to vector<16xf32>
    %swap3A_4 = vector.shape_cast %broadcast_in_dim3A_1 : vector<16xf32> to vector<16xf32>
    tpu.vector_store %arg6[%swap3A], %swap3A_4 {strides = array<i32>} : memref<128xf32, #tpu.memory_space<vmem>>, vector<16xf32>,
    %broadcast_in_dim3A_5 = arith.constant 1.000000e+00 : f32
    %broadcast_in_dim3A_6 = vector.broadcast %broadcast_in_dim3A_5 : f32 to vector<16xf32>
    %swap3A_7 = arith.constant 16 : index
    %swap3A_8 = tpu.vector_load %arg6[%swap3A_7] {strides = array<i32>} : memref<128xf32, #tpu.memory_space<vmem>>, vector<16xf32>,
    %swap3A_9 = vector.shape_cast %swap3A_8 : vector<16xf32> to vector<16xf32>
    %swap3A_10 = vector.shape_cast %broadcast_in_dim3A_6 : vector<16xf32> to vector<16xf32>
    tpu.vector_store %arg6[%swap3A_7], %swap3A_10 {strides = array<i32>} : memref<128xf32, #tpu.memory_space<vmem>>, vector<16xf32>,
    %broadcast_in_dim3A_11 = arith.constant 1.000000e+00 : f32
    %broadcast_in_dim3A_12 = vector.broadcast %broadcast_in_dim3A_11 : f32 to vector<16xf32>
    %swap3A_13 = arith.constant 32 : index
    %swap3A_14 = tpu.vector_load %arg6[%swap3A_13] {strides = array<i32>} : memref<128xf32, #tpu.memory_space<vmem>>, vector<16xf32>,
    %swap3A_15 = vector.shape_cast %swap3A_14 : vector<16xf32> to vector<16xf32>
    %swap3A_16 = vector.shape_cast %broadcast_in_dim3A_12 : vector<16xf32> to vector<16xf32>
    tpu.vector_store %arg6[%swap3A_13], %swap3A_16 {strides = array<i32>} : memref<128xf32, #tpu.memory_space<vmem>>, vector<16xf32>,
    %broadcast_in_dim3A_17 = arith.constant 1.000000e+00 : f32
    %broadcast_in_dim3A_18 = vector.broadcast %broadcast_in_dim3A_17 : f32 to vector<16xf32>
    %swap3A_19 = arith.constant 48 : index
    %swap3A_20 = tpu.vector_load %arg6[%swap3A_19] {strides = array<i32>} : memref<128xf32, #tpu.memory_space<vmem>>, vector<16xf32>,
    %swap3A_21 = vector.shape_cast %swap3A_20 : vector<16xf32> to vector<16xf32>
    %swap3A_22 = vector.shape_cast %broadcast_in_dim3A_18 : vector<16xf32> to vector<16xf32>
    tpu.vector_store %arg6[%swap3A_19], %swap3A_22 {strides = array<i32>} : memref<128xf32, #tpu.memory_space<vmem>>, vector<16xf32>,
    %broadcast_in_dim3A_23 = arith.constant 1.000000e+00 : f32
    %broadcast_in_dim3A_24 = vector.broadcast %broadcast_in_dim3A_23 : f32 to vector<16xf32>
    %swap3A_25 = arith.constant 64 : index
    %swap3A_26 = tpu.vector_load %arg6[%swap3A_25] {strides = array<i32>} : memref<128xf32, #tpu.memory_space<vmem>>, vector<16xf32>,
    %swap3A_27 = vector.shape_cast %swap3A_26 : vector<16xf32> to vector<16xf32>
    %swap3A_28 = vector.shape_cast %broadcast_in_dim3A_24 : vector<16xf32> to vector<16xf32>
    tpu.vector_store %arg6[%swap3A_25], %swap3A_28 {strides = array<i32>} : memref<128xf32, #tpu.memory_space<vmem>>, vector<16xf32>,
    %broadcast_in_dim3A_29 = arith.constant 1.000000e+00 : f32
    %broadcast_in_dim3A_30 = vector.broadcast %broadcast_in_dim3A_29 : f32 to vector<16xf32>
    %swap3A_31 = arith.constant 80 : index
    %swap3A_32 = tpu.vector_load %arg6[%swap3A_31] {strides = array<i32>} : memref<128xf32, #tpu.memory_space<vmem>>, vector<16xf32>,
    %swap3A_33 = vector.shape_cast %swap3A_32 : vector<16xf32> to vector<16xf32>
    %swap3A_34 = vector.shape_cast %broadcast_in_dim3A_30 : vector<16xf32> to vector<16xf32>
    tpu.vector_store %arg6[%swap3A_31], %swap3A_34 {strides = array<i32>} : memref<128xf32, #tpu.memory_space<vmem>>, vector<16xf32>,
    %broadcast_in_dim3A_35 = arith.constant 1.000000e+00 : f32
    %broadcast_in_dim3A_36 = vector.broadcast %broadcast_in_dim3A_35 : f32 to vector<16xf32>
    %swap3A_37 = arith.constant 96 : index
    %swap3A_38 = tpu.vector_load %arg6[%swap3A_37] {strides = array<i32>} : memref<128xf32, #tpu.memory_space<vmem>>, vector<16xf32>,
    %swap3A_39 = vector.shape_cast %swap3A_38 : vector<16xf32> to vector<16xf32>
    %swap3A_40 = vector.shape_cast %broadcast_in_dim3A_36 : vector<16xf32> to vector<16xf32>
    tpu.vector_store %arg6[%swap3A_37], %swap3A_40 {strides = array<i32>} : memref<128xf32, #tpu.memory_space<vmem>>, vector<16xf32>,
    %broadcast_in_dim3A_41 = arith.constant 1.000000e+00 : f32
    %broadcast_in_dim3A_42 = vector.broadcast %broadcast_in_dim3A_41 : f32 to vector<16xf32>
    %swap3A_43 = arith.constant 112 : index
    %swap3A_44 = tpu.vector_load %arg6[%swap3A_43] {strides = array<i32>} : memref<128xf32, #tpu.memory_space<vmem>>, vector<16xf32>,
    %swap3A_45 = vector.shape_cast %swap3A_44 : vector<16xf32> to vector<16xf32>
    %swap3A_46 = vector.shape_cast %broadcast_in_dim3A_42 : vector<16xf32> to vector<16xf32>
    tpu.vector_store %arg6[%swap3A_43], %swap3A_46 {strides = array<i32>} : memref<128xf32, #tpu.memory_space<vmem>>, vector<16xf32>,
    %mul3A_47 = arith.constant 640 : i32
    %mul3A_48 = arith.muli %arg1, %mul3A_47 : i32
    %mul3A_49 = arith.constant 640 : i32
    %mul3A_50 = arith.muli %arg1, %mul3A_49 : i32
    "tpu.region"() ({
      %run_scoped3A = tpu.sem_alloc : memref<!tpu.dma_semaphore, #tpu.memory_space<semaphore_mem>>
      %dma_start3A = tpu.memref_slice %arg7[%mul3A_50] : memref<10240xf32, #tpu.memory_space<vmem_shared>> -> memref<640xf32, #tpu.memory_space<vmem_shared>>
      %dma_start3A_63 = tpu.memref_slice %arg3[%mul3A_48] : memref<10240xf32, #tpu.memory_space<hbm>> -> memref<640xf32, #tpu.memory_space<hbm>>
      tpu.enqueue_dma source(%dma_start3A_63 : memref<640xf32, #tpu.memory_space<hbm>>) target(%dma_start3A : memref<640xf32, #tpu.memory_space<vmem_shared>>) target_semaphore(%run_scoped3A : memref<!tpu.dma_semaphore, #tpu.memory_space<semaphore_mem>>)
      %dma_wait3A = tpu.memref_slice %arg7[%mul3A_50] : memref<10240xf32, #tpu.memory_space<vmem_shared>> -> memref<640xf32, #tpu.memory_space<vmem_shared>>
      %dma_wait3A_64 = tpu.memref_slice %arg3[%mul3A_48] : memref<10240xf32, #tpu.memory_space<hbm>> -> memref<640xf32, #tpu.memory_space<hbm>>
      tpu.wait_dma2 semaphore(%run_scoped3A : memref<!tpu.dma_semaphore, #tpu.memory_space<semaphore_mem>>) src(%dma_wait3A_64 : memref<640xf32, #tpu.memory_space<hbm>>) dst(%dma_wait3A : memref<640xf32, #tpu.memory_space<vmem_shared>>)
      tpu.yield
    }) : () -> ()
    %mul3A_51 = arith.constant 80 : i32
    %mul3A_52 = arith.muli %add3A, %mul3A_51 : i32
    "tpu.region"() ({
      %run_scoped3A = tpu.sem_alloc : memref<!tpu.dma_semaphore, #tpu.memory_space<semaphore_mem>>
      %dma_start3A = arith.constant 0 : i32
      %dma_start3A_63 = tpu.memref_slice %arg2[%mul3A_52, %dma_start3A] : memref<2560x128xi32, #tpu.memory_space<hbm>> -> memref<80x128xi32, #tpu.memory_space<hbm>>
      %dma_start3A_64 = arith.constant 0 : i32
      %dma_start3A_65 = tpu.memref_slice %arg2[%mul3A_52, %dma_start3A_64] : memref<2560x128xi32, #tpu.memory_space<hbm>> -> memref<80x128xi32, #tpu.memory_space<hbm>>
      tpu.enqueue_dma source(%dma_start3A_65 : memref<80x128xi32, #tpu.memory_space<hbm>>) target(%arg5 : memref<80x128xi32, #tpu.memory_space<vmem>>) target_semaphore(%run_scoped3A : memref<!tpu.dma_semaphore, #tpu.memory_space<semaphore_mem>>)
      %dma_wait3A = arith.constant 0 : i32
      %dma_wait3A_66 = tpu.memref_slice %arg2[%mul3A_52, %dma_wait3A] : memref<2560x128xi32, #tpu.memory_space<hbm>> -> memref<80x128xi32, #tpu.memory_space<hbm>>
      %dma_wait3A_67 = arith.constant 0 : i32
      %dma_wait3A_68 = tpu.memref_slice %arg2[%mul3A_52, %dma_wait3A_67] : memref<2560x128xi32, #tpu.memory_space<hbm>> -> memref<80x128xi32, #tpu.memory_space<hbm>>
      tpu.wait_dma2 semaphore(%run_scoped3A : memref<!tpu.dma_semaphore, #tpu.memory_space<semaphore_mem>>) src(%dma_wait3A_68 : memref<80x128xi32, #tpu.memory_space<hbm>>) dst(%arg5 : memref<80x128xi32, #tpu.memory_space<vmem>>)
      tpu.yield
    }) : () -> ()
    %barrier3A = arith.constant 0 : index
    tpu.barrier barrier_id(%barrier3A)
    %scan3A = arith.constant 0 : i32
    %scan3A_53 = arith.constant 0 : i32
    %scan3A_54 = arith.constant 80 : i32
    %scan3A_55 = arith.addi %scan3A_53, %scan3A_54 : i32
    %scan3A_56 = arith.constant 1 : i32
    scf.for %scan3A_63 = %scan3A_53 to %scan3A_55 step %scan3A_56  : i32 {
      "tpu.region"() ({
        %run_scoped3A = tpu.sem_alloc : memref<!tpu.dma_semaphore, #tpu.memory_space<semaphore_mem>>
        %dma_start3A = arith.constant 0 : i32
        %dma_start3A_64 = tpu.memref_slice %arg5[%scan3A_63, %dma_start3A] : memref<80x128xi32, #tpu.memory_space<vmem>> -> memref<1x128xi32, #tpu.memory_space<vmem>>
        %dma_start3A_65 = tpu.memref_squeeze %dma_start3A_64 : memref<1x128xi32, #tpu.memory_space<vmem>> -> memref<128xi32, #tpu.memory_space<vmem>>
        %dma_start3A_66 = arith.constant 0 : i32
        %dma_start3A_67 = tpu.memref_slice %arg7[%dma_start3A_66] : memref<10240xf32, #tpu.memory_space<vmem_shared>> -> memref<10240xf32, #tpu.memory_space<vmem_shared>>
        tpu.enqueue_indirect_dma source(%arg6 : memref<128xf32, #tpu.memory_space<vmem>>) target(%dma_start3A_67 : memref<10240xf32, #tpu.memory_space<vmem_shared>>) offsets(%dma_start3A_65 : memref<128xi32, #tpu.memory_space<vmem>>) semaphore(%run_scoped3A : memref<!tpu.dma_semaphore, #tpu.memory_space<semaphore_mem>>) {add = true}
        %dma_wait3A = arith.constant 0 : i32
        %dma_wait3A_68 = tpu.memref_slice %arg5[%scan3A_63, %dma_wait3A] : memref<80x128xi32, #tpu.memory_space<vmem>> -> memref<1x128xi32, #tpu.memory_space<vmem>>
        %dma_wait3A_69 = tpu.memref_squeeze %dma_wait3A_68 : memref<1x128xi32, #tpu.memory_space<vmem>> -> memref<128xi32, #tpu.memory_space<vmem>>
        %dma_wait3A_70 = arith.constant 0 : i32
        %dma_wait3A_71 = tpu.memref_slice %arg7[%dma_wait3A_70] : memref<10240xf32, #tpu.memory_space<vmem_shared>> -> memref<10240xf32, #tpu.memory_space<vmem_shared>>
        tpu.wait_indirect_dma semaphore(%run_scoped3A : memref<!tpu.dma_semaphore, #tpu.memory_space<semaphore_mem>>) src(%arg6 : memref<128xf32, #tpu.memory_space<vmem>>) dst(%dma_wait3A_71 : memref<10240xf32, #tpu.memory_space<vmem_shared>>)
        tpu.yield
      }) : () -> ()
    }
    %scan3A_57 = arith.constant 80 : i32
    %barrier3A_58 = arith.constant 0 : index
    tpu.barrier barrier_id(%barrier3A_58)
    %mul3A_59 = arith.constant 640 : i32
    %mul3A_60 = arith.muli %arg1, %mul3A_59 : i32
    %mul3A_61 = arith.constant 640 : i32
    %mul3A_62 = arith.muli %arg1, %mul3A_61 : i32
    "tpu.region"() ({
      %run_scoped3A = tpu.sem_alloc : memref<!tpu.dma_semaphore, #tpu.memory_space<semaphore_mem>>
      %dma_start3A = tpu.memref_slice %arg4[%arg0, %mul3A_62] : memref<2x10240xf32, #tpu.memory_space<hbm>> -> memref<1x640xf32, #tpu.memory_space<hbm>>
      %dma_start3A_63 = tpu.memref_squeeze %dma_start3A : memref<1x640xf32, #tpu.memory_space<hbm>> -> memref<640xf32, #tpu.memory_space<hbm>>
      %dma_start3A_64 = tpu.memref_slice %arg7[%mul3A_60] : memref<10240xf32, #tpu.memory_space<vmem_shared>> -> memref<640xf32, #tpu.memory_space<vmem_shared>>
      tpu.enqueue_dma source(%dma_start3A_64 : memref<640xf32, #tpu.memory_space<vmem_shared>>) target(%dma_start3A_63 : memref<640xf32, #tpu.memory_space<hbm>>) target_semaphore(%run_scoped3A : memref<!tpu.dma_semaphore, #tpu.memory_space<semaphore_mem>>)
      %dma_wait3A = tpu.memref_slice %arg4[%arg0, %mul3A_62] : memref<2x10240xf32, #tpu.memory_space<hbm>> -> memref<1x640xf32, #tpu.memory_space<hbm>>
      %dma_wait3A_65 = tpu.memref_squeeze %dma_wait3A : memref<1x640xf32, #tpu.memory_space<hbm>> -> memref<640xf32, #tpu.memory_space<hbm>>
      %dma_wait3A_66 = tpu.memref_slice %arg7[%mul3A_60] : memref<10240xf32, #tpu.memory_space<vmem_shared>> -> memref<640xf32, #tpu.memory_space<vmem_shared>>
      tpu.wait_dma2 semaphore(%run_scoped3A : memref<!tpu.dma_semaphore, #tpu.memory_space<semaphore_mem>>) src(%dma_wait3A_66 : memref<640xf32, #tpu.memory_space<vmem_shared>>) dst(%dma_wait3A_65 : memref<640xf32, #tpu.memory_space<hbm>>)
      tpu.yield
    }) : () -> ()
    return
  }
}

#map = affine_map<(d0, d1) -> (0, 0)>
#map1 = affine_map<(d0, d1) -> (0, 0, 0)>
module attributes {stable_mosaic.version = 14 : i64} {
  func.func @gcn_edge_agg(%arg0: i32, %arg1: i32, %arg2: memref<10240x64xf32, #tpu.memory_space<hbm>>, %arg3: memref<2560x128xi32, #tpu.memory_space<hbm>>, %arg4: memref<2560x128xi32, #tpu.memory_space<hbm>>, %arg5: memref<2x10240x64xf32, #tpu.memory_space<hbm>>, %arg6: memref<80x128xi32, #tpu.memory_space<vmem>>, %arg7: memref<80x128xi32, #tpu.memory_space<vmem>>, %arg8: memref<8x128x64xf32, #tpu.memory_space<vmem>>, %arg9: memref<!tpu.dma_semaphore, #tpu.memory_space<semaphore_mem>>, %arg10: memref<!tpu.dma_semaphore, #tpu.memory_space<semaphore_mem>>, %arg11: memref<!tpu.dma_semaphore, #tpu.memory_space<semaphore_mem>>, %arg12: memref<!tpu.dma_semaphore, #tpu.memory_space<semaphore_mem>>, %arg13: memref<!tpu.dma_semaphore, #tpu.memory_space<semaphore_mem>>, %arg14: memref<!tpu.dma_semaphore, #tpu.memory_space<semaphore_mem>>, %arg15: memref<!tpu.dma_semaphore, #tpu.memory_space<semaphore_mem>>, %arg16: memref<!tpu.dma_semaphore, #tpu.memory_space<semaphore_mem>>, %arg17: memref<10240x64xf32, #tpu.memory_space<vmem_shared>>) attributes {dimension_semantics = [#tpu.dimension_semantics<core_parallel>, #tpu.dimension_semantics<subcore_parallel>], iteration_bounds = array<i64: 2, 16>, scalar_prefetch = 0 : i64, scratch_operands = 12 : i64, tpu.core_type = #tpu.core_type<sc_vector_subcore>, window_params = [{transform_indices = #map}, {transform_indices = #map}, {transform_indices = #map}, {transform_indices = #map1}]} {
    %scan3A = arith.constant 0 : i32
    %scan3A_0 = arith.constant 0 : i32
    %scan3A_1 = arith.constant 128 : i32
    %scan3A_2 = arith.addi %scan3A_0, %scan3A_1 : i32
    %scan3A_3 = arith.constant 1 : i32
    scf.for %scan3A_140 = %scan3A_0 to %scan3A_2 step %scan3A_3  : i32 {
      %broadcast_in_dim3A = arith.constant 0.000000e+00 : f32
      %broadcast_in_dim3A_141 = vector.broadcast %broadcast_in_dim3A : f32 to vector<16xf32>
      %swap3A = arith.constant 0 : i32
      %swap3A_142 = arith.index_cast %swap3A : i32 to index
      %swap3A_143 = arith.index_cast %scan3A_140 : i32 to index
      %swap3A_144 = arith.constant 0 : index
      %swap3A_145 = tpu.vector_load %arg8[%swap3A_142, %swap3A_143, %swap3A_144] {strides = array<i32>} : memref<8x128x64xf32, #tpu.memory_space<vmem>>, vector<1x1x16xf32>,
      %swap3A_146 = vector.shape_cast %swap3A_145 : vector<1x1x16xf32> to vector<16xf32>
      %swap3A_147 = vector.shape_cast %broadcast_in_dim3A_141 : vector<16xf32> to vector<1x1x16xf32>
      tpu.vector_store %arg8[%swap3A_142, %swap3A_143, %swap3A_144], %swap3A_147 {strides = array<i32>} : memref<8x128x64xf32, #tpu.memory_space<vmem>>, vector<1x1x16xf32>,
      %broadcast_in_dim3A_148 = arith.constant 0.000000e+00 : f32
      %broadcast_in_dim3A_149 = vector.broadcast %broadcast_in_dim3A_148 : f32 to vector<16xf32>
      %swap3A_150 = arith.constant 0 : i32
      %swap3A_151 = arith.index_cast %swap3A_150 : i32 to index
      %swap3A_152 = arith.index_cast %scan3A_140 : i32 to index
      %swap3A_153 = arith.constant 16 : index
      %swap3A_154 = tpu.vector_load %arg8[%swap3A_151, %swap3A_152, %swap3A_153] {strides = array<i32>} : memref<8x128x64xf32, #tpu.memory_space<vmem>>, vector<1x1x16xf32>,
      %swap3A_155 = vector.shape_cast %swap3A_154 : vector<1x1x16xf32> to vector<16xf32>
      %swap3A_156 = vector.shape_cast %broadcast_in_dim3A_149 : vector<16xf32> to vector<1x1x16xf32>
      tpu.vector_store %arg8[%swap3A_151, %swap3A_152, %swap3A_153], %swap3A_156 {strides = array<i32>} : memref<8x128x64xf32, #tpu.memory_space<vmem>>, vector<1x1x16xf32>,
      %broadcast_in_dim3A_157 = arith.constant 0.000000e+00 : f32
      %broadcast_in_dim3A_158 = vector.broadcast %broadcast_in_dim3A_157 : f32 to vector<16xf32>
      %swap3A_159 = arith.constant 0 : i32
      %swap3A_160 = arith.index_cast %swap3A_159 : i32 to index
      %swap3A_161 = arith.index_cast %scan3A_140 : i32 to index
      %swap3A_162 = arith.constant 32 : index
      %swap3A_163 = tpu.vector_load %arg8[%swap3A_160, %swap3A_161, %swap3A_162] {strides = array<i32>} : memref<8x128x64xf32, #tpu.memory_space<vmem>>, vector<1x1x16xf32>,
      %swap3A_164 = vector.shape_cast %swap3A_163 : vector<1x1x16xf32> to vector<16xf32>
      %swap3A_165 = vector.shape_cast %broadcast_in_dim3A_158 : vector<16xf32> to vector<1x1x16xf32>
      tpu.vector_store %arg8[%swap3A_160, %swap3A_161, %swap3A_162], %swap3A_165 {strides = array<i32>} : memref<8x128x64xf32, #tpu.memory_space<vmem>>, vector<1x1x16xf32>,
      %broadcast_in_dim3A_166 = arith.constant 0.000000e+00 : f32
      %broadcast_in_dim3A_167 = vector.broadcast %broadcast_in_dim3A_166 : f32 to vector<16xf32>
      %swap3A_168 = arith.constant 0 : i32
      %swap3A_169 = arith.index_cast %swap3A_168 : i32 to index
      %swap3A_170 = arith.index_cast %scan3A_140 : i32 to index
      %swap3A_171 = arith.constant 48 : index
      %swap3A_172 = tpu.vector_load %arg8[%swap3A_169, %swap3A_170, %swap3A_171] {strides = array<i32>} : memref<8x128x64xf32, #tpu.memory_space<vmem>>, vector<1x1x16xf32>,
      %swap3A_173 = vector.shape_cast %swap3A_172 : vector<1x1x16xf32> to vector<16xf32>
      %swap3A_174 = vector.shape_cast %broadcast_in_dim3A_167 : vector<16xf32> to vector<1x1x16xf32>
      tpu.vector_store %arg8[%swap3A_169, %swap3A_170, %swap3A_171], %swap3A_174 {strides = array<i32>} : memref<8x128x64xf32, #tpu.memory_space<vmem>>, vector<1x1x16xf32>,
    }
    %scan3A_4 = arith.constant 128 : i32
    %mul3A = arith.constant 640 : i32
    %mul3A_5 = arith.muli %arg1, %mul3A : i32
    %add3A = arith.constant 0 : i32
    %add3A_6 = arith.addi %mul3A_5, %add3A : i32
    %run_scoped3A = arith.constant 0 : i32
    "tpu.region"() ({
      %run_scoped3A_140 = tpu.sem_alloc : memref<!tpu.dma_semaphore, #tpu.memory_space<semaphore_mem>>
      %dma_start3A_141 = arith.constant 0 : i32
      %dma_start3A_142 = arith.constant 0 : i32
      %dma_start3A_143 = tpu.memref_slice %arg8[%run_scoped3A, %dma_start3A_141, %dma_start3A_142] : memref<8x128x64xf32, #tpu.memory_space<vmem>> -> memref<1x128x64xf32, #tpu.memory_space<vmem>>
      %dma_start3A_144 = tpu.memref_squeeze %dma_start3A_143 : memref<1x128x64xf32, #tpu.memory_space<vmem>> -> memref<128x64xf32, #tpu.memory_space<vmem>>
      %dma_start3A_145 = arith.constant 0 : i32
      %dma_start3A_146 = tpu.memref_slice %arg17[%add3A_6, %dma_start3A_145] : memref<10240x64xf32, #tpu.memory_space<vmem_shared>> -> memref<128x64xf32, #tpu.memory_space<vmem_shared>>
      %dma_start3A_147 = arith.constant 0 : i32
      %dma_start3A_148 = tpu.memref_slice %arg17[%add3A_6, %dma_start3A_147] : memref<10240x64xf32, #tpu.memory_space<vmem_shared>> -> memref<128x64xf32, #tpu.memory_space<vmem_shared>>
      %dma_start3A_149 = arith.constant 0 : i32
      %dma_start3A_150 = arith.constant 0 : i32
      %dma_start3A_151 = tpu.memref_slice %arg8[%run_scoped3A, %dma_start3A_149, %dma_start3A_150] : memref<8x128x64xf32, #tpu.memory_space<vmem>> -> memref<1x128x64xf32, #tpu.memory_space<vmem>>
      %dma_start3A_152 = tpu.memref_squeeze %dma_start3A_151 : memref<1x128x64xf32, #tpu.memory_space<vmem>> -> memref<128x64xf32, #tpu.memory_space<vmem>>
      tpu.enqueue_dma source(%dma_start3A_152 : memref<128x64xf32, #tpu.memory_space<vmem>>) target(%dma_start3A_148 : memref<128x64xf32, #tpu.memory_space<vmem_shared>>) target_semaphore(%run_scoped3A_140 : memref<!tpu.dma_semaphore, #tpu.memory_space<semaphore_mem>>)
      %dma_wait3A = arith.constant 0 : i32
      %dma_wait3A_153 = arith.constant 0 : i32
      %dma_wait3A_154 = tpu.memref_slice %arg8[%run_scoped3A, %dma_wait3A, %dma_wait3A_153] : memref<8x128x64xf32, #tpu.memory_space<vmem>> -> memref<1x128x64xf32, #tpu.memory_space<vmem>>
      %dma_wait3A_155 = tpu.memref_squeeze %dma_wait3A_154 : memref<1x128x64xf32, #tpu.memory_space<vmem>> -> memref<128x64xf32, #tpu.memory_space<vmem>>
      %dma_wait3A_156 = arith.constant 0 : i32
      %dma_wait3A_157 = tpu.memref_slice %arg17[%add3A_6, %dma_wait3A_156] : memref<10240x64xf32, #tpu.memory_space<vmem_shared>> -> memref<128x64xf32, #tpu.memory_space<vmem_shared>>
      %dma_wait3A_158 = arith.constant 0 : i32
      %dma_wait3A_159 = tpu.memref_slice %arg17[%add3A_6, %dma_wait3A_158] : memref<10240x64xf32, #tpu.memory_space<vmem_shared>> -> memref<128x64xf32, #tpu.memory_space<vmem_shared>>
      %dma_wait3A_160 = arith.constant 0 : i32
      %dma_wait3A_161 = arith.constant 0 : i32
      %dma_wait3A_162 = tpu.memref_slice %arg8[%run_scoped3A, %dma_wait3A_160, %dma_wait3A_161] : memref<8x128x64xf32, #tpu.memory_space<vmem>> -> memref<1x128x64xf32, #tpu.memory_space<vmem>>
      %dma_wait3A_163 = tpu.memref_squeeze %dma_wait3A_162 : memref<1x128x64xf32, #tpu.memory_space<vmem>> -> memref<128x64xf32, #tpu.memory_space<vmem>>
      tpu.wait_dma2 semaphore(%run_scoped3A_140 : memref<!tpu.dma_semaphore, #tpu.memory_space<semaphore_mem>>) src(%dma_wait3A_163 : memref<128x64xf32, #tpu.memory_space<vmem>>) dst(%dma_wait3A_159 : memref<128x64xf32, #tpu.memory_space<vmem_shared>>)
      tpu.yield
    }) : () -> ()
    %mul3A_7 = arith.constant 640 : i32
    %mul3A_8 = arith.muli %arg1, %mul3A_7 : i32
    %add3A_9 = arith.constant 128 : i32
    %add3A_10 = arith.addi %mul3A_8, %add3A_9 : i32
    %run_scoped3A_11 = arith.constant 0 : i32
    "tpu.region"() ({
      %run_scoped3A_140 = tpu.sem_alloc : memref<!tpu.dma_semaphore, #tpu.memory_space<semaphore_mem>>
      %dma_start3A_141 = arith.constant 0 : i32
      %dma_start3A_142 = arith.constant 0 : i32
      %dma_start3A_143 = tpu.memref_slice %arg8[%run_scoped3A_11, %dma_start3A_141, %dma_start3A_142] : memref<8x128x64xf32, #tpu.memory_space<vmem>> -> memref<1x128x64xf32, #tpu.memory_space<vmem>>
      %dma_start3A_144 = tpu.memref_squeeze %dma_start3A_143 : memref<1x128x64xf32, #tpu.memory_space<vmem>> -> memref<128x64xf32, #tpu.memory_space<vmem>>
      %dma_start3A_145 = arith.constant 0 : i32
      %dma_start3A_146 = tpu.memref_slice %arg17[%add3A_10, %dma_start3A_145] : memref<10240x64xf32, #tpu.memory_space<vmem_shared>> -> memref<128x64xf32, #tpu.memory_space<vmem_shared>>
      %dma_start3A_147 = arith.constant 0 : i32
      %dma_start3A_148 = tpu.memref_slice %arg17[%add3A_10, %dma_start3A_147] : memref<10240x64xf32, #tpu.memory_space<vmem_shared>> -> memref<128x64xf32, #tpu.memory_space<vmem_shared>>
      %dma_start3A_149 = arith.constant 0 : i32
      %dma_start3A_150 = arith.constant 0 : i32
      %dma_start3A_151 = tpu.memref_slice %arg8[%run_scoped3A_11, %dma_start3A_149, %dma_start3A_150] : memref<8x128x64xf32, #tpu.memory_space<vmem>> -> memref<1x128x64xf32, #tpu.memory_space<vmem>>
      %dma_start3A_152 = tpu.memref_squeeze %dma_start3A_151 : memref<1x128x64xf32, #tpu.memory_space<vmem>> -> memref<128x64xf32, #tpu.memory_space<vmem>>
      tpu.enqueue_dma source(%dma_start3A_152 : memref<128x64xf32, #tpu.memory_space<vmem>>) target(%dma_start3A_148 : memref<128x64xf32, #tpu.memory_space<vmem_shared>>) target_semaphore(%run_scoped3A_140 : memref<!tpu.dma_semaphore, #tpu.memory_space<semaphore_mem>>)
      %dma_wait3A = arith.constant 0 : i32
      %dma_wait3A_153 = arith.constant 0 : i32
      %dma_wait3A_154 = tpu.memref_slice %arg8[%run_scoped3A_11, %dma_wait3A, %dma_wait3A_153] : memref<8x128x64xf32, #tpu.memory_space<vmem>> -> memref<1x128x64xf32, #tpu.memory_space<vmem>>
      %dma_wait3A_155 = tpu.memref_squeeze %dma_wait3A_154 : memref<1x128x64xf32, #tpu.memory_space<vmem>> -> memref<128x64xf32, #tpu.memory_space<vmem>>
      %dma_wait3A_156 = arith.constant 0 : i32
      %dma_wait3A_157 = tpu.memref_slice %arg17[%add3A_10, %dma_wait3A_156] : memref<10240x64xf32, #tpu.memory_space<vmem_shared>> -> memref<128x64xf32, #tpu.memory_space<vmem_shared>>
      %dma_wait3A_158 = arith.constant 0 : i32
      %dma_wait3A_159 = tpu.memref_slice %arg17[%add3A_10, %dma_wait3A_158] : memref<10240x64xf32, #tpu.memory_space<vmem_shared>> -> memref<128x64xf32, #tpu.memory_space<vmem_shared>>
      %dma_wait3A_160 = arith.constant 0 : i32
      %dma_wait3A_161 = arith.constant 0 : i32
      %dma_wait3A_162 = tpu.memref_slice %arg8[%run_scoped3A_11, %dma_wait3A_160, %dma_wait3A_161] : memref<8x128x64xf32, #tpu.memory_space<vmem>> -> memref<1x128x64xf32, #tpu.memory_space<vmem>>
      %dma_wait3A_163 = tpu.memref_squeeze %dma_wait3A_162 : memref<1x128x64xf32, #tpu.memory_space<vmem>> -> memref<128x64xf32, #tpu.memory_space<vmem>>
      tpu.wait_dma2 semaphore(%run_scoped3A_140 : memref<!tpu.dma_semaphore, #tpu.memory_space<semaphore_mem>>) src(%dma_wait3A_163 : memref<128x64xf32, #tpu.memory_space<vmem>>) dst(%dma_wait3A_159 : memref<128x64xf32, #tpu.memory_space<vmem_shared>>)
      tpu.yield
    }) : () -> ()
    %mul3A_12 = arith.constant 640 : i32
    %mul3A_13 = arith.muli %arg1, %mul3A_12 : i32
    %add3A_14 = arith.constant 256 : i32
    %add3A_15 = arith.addi %mul3A_13, %add3A_14 : i32
    %run_scoped3A_16 = arith.constant 0 : i32
    "tpu.region"() ({
      %run_scoped3A_140 = tpu.sem_alloc : memref<!tpu.dma_semaphore, #tpu.memory_space<semaphore_mem>>
      %dma_start3A_141 = arith.constant 0 : i32
      %dma_start3A_142 = arith.constant 0 : i32
      %dma_start3A_143 = tpu.memref_slice %arg8[%run_scoped3A_16, %dma_start3A_141, %dma_start3A_142] : memref<8x128x64xf32, #tpu.memory_space<vmem>> -> memref<1x128x64xf32, #tpu.memory_space<vmem>>
      %dma_start3A_144 = tpu.memref_squeeze %dma_start3A_143 : memref<1x128x64xf32, #tpu.memory_space<vmem>> -> memref<128x64xf32, #tpu.memory_space<vmem>>
      %dma_start3A_145 = arith.constant 0 : i32
      %dma_start3A_146 = tpu.memref_slice %arg17[%add3A_15, %dma_start3A_145] : memref<10240x64xf32, #tpu.memory_space<vmem_shared>> -> memref<128x64xf32, #tpu.memory_space<vmem_shared>>
      %dma_start3A_147 = arith.constant 0 : i32
      %dma_start3A_148 = tpu.memref_slice %arg17[%add3A_15, %dma_start3A_147] : memref<10240x64xf32, #tpu.memory_space<vmem_shared>> -> memref<128x64xf32, #tpu.memory_space<vmem_shared>>
      %dma_start3A_149 = arith.constant 0 : i32
      %dma_start3A_150 = arith.constant 0 : i32
      %dma_start3A_151 = tpu.memref_slice %arg8[%run_scoped3A_16, %dma_start3A_149, %dma_start3A_150] : memref<8x128x64xf32, #tpu.memory_space<vmem>> -> memref<1x128x64xf32, #tpu.memory_space<vmem>>
      %dma_start3A_152 = tpu.memref_squeeze %dma_start3A_151 : memref<1x128x64xf32, #tpu.memory_space<vmem>> -> memref<128x64xf32, #tpu.memory_space<vmem>>
      tpu.enqueue_dma source(%dma_start3A_152 : memref<128x64xf32, #tpu.memory_space<vmem>>) target(%dma_start3A_148 : memref<128x64xf32, #tpu.memory_space<vmem_shared>>) target_semaphore(%run_scoped3A_140 : memref<!tpu.dma_semaphore, #tpu.memory_space<semaphore_mem>>)
      %dma_wait3A = arith.constant 0 : i32
      %dma_wait3A_153 = arith.constant 0 : i32
      %dma_wait3A_154 = tpu.memref_slice %arg8[%run_scoped3A_16, %dma_wait3A, %dma_wait3A_153] : memref<8x128x64xf32, #tpu.memory_space<vmem>> -> memref<1x128x64xf32, #tpu.memory_space<vmem>>
      %dma_wait3A_155 = tpu.memref_squeeze %dma_wait3A_154 : memref<1x128x64xf32, #tpu.memory_space<vmem>> -> memref<128x64xf32, #tpu.memory_space<vmem>>
      %dma_wait3A_156 = arith.constant 0 : i32
      %dma_wait3A_157 = tpu.memref_slice %arg17[%add3A_15, %dma_wait3A_156] : memref<10240x64xf32, #tpu.memory_space<vmem_shared>> -> memref<128x64xf32, #tpu.memory_space<vmem_shared>>
      %dma_wait3A_158 = arith.constant 0 : i32
      %dma_wait3A_159 = tpu.memref_slice %arg17[%add3A_15, %dma_wait3A_158] : memref<10240x64xf32, #tpu.memory_space<vmem_shared>> -> memref<128x64xf32, #tpu.memory_space<vmem_shared>>
      %dma_wait3A_160 = arith.constant 0 : i32
      %dma_wait3A_161 = arith.constant 0 : i32
      %dma_wait3A_162 = tpu.memref_slice %arg8[%run_scoped3A_16, %dma_wait3A_160, %dma_wait3A_161] : memref<8x128x64xf32, #tpu.memory_space<vmem>> -> memref<1x128x64xf32, #tpu.memory_space<vmem>>
      %dma_wait3A_163 = tpu.memref_squeeze %dma_wait3A_162 : memref<1x128x64xf32, #tpu.memory_space<vmem>> -> memref<128x64xf32, #tpu.memory_space<vmem>>
      tpu.wait_dma2 semaphore(%run_scoped3A_140 : memref<!tpu.dma_semaphore, #tpu.memory_space<semaphore_mem>>) src(%dma_wait3A_163 : memref<128x64xf32, #tpu.memory_space<vmem>>) dst(%dma_wait3A_159 : memref<128x64xf32, #tpu.memory_space<vmem_shared>>)
      tpu.yield
    }) : () -> ()
    %mul3A_17 = arith.constant 640 : i32
    %mul3A_18 = arith.muli %arg1, %mul3A_17 : i32
    %add3A_19 = arith.constant 384 : i32
    %add3A_20 = arith.addi %mul3A_18, %add3A_19 : i32
    %run_scoped3A_21 = arith.constant 0 : i32
    "tpu.region"() ({
      %run_scoped3A_140 = tpu.sem_alloc : memref<!tpu.dma_semaphore, #tpu.memory_space<semaphore_mem>>
      %dma_start3A_141 = arith.constant 0 : i32
      %dma_start3A_142 = arith.constant 0 : i32
      %dma_start3A_143 = tpu.memref_slice %arg8[%run_scoped3A_21, %dma_start3A_141, %dma_start3A_142] : memref<8x128x64xf32, #tpu.memory_space<vmem>> -> memref<1x128x64xf32, #tpu.memory_space<vmem>>
      %dma_start3A_144 = tpu.memref_squeeze %dma_start3A_143 : memref<1x128x64xf32, #tpu.memory_space<vmem>> -> memref<128x64xf32, #tpu.memory_space<vmem>>
      %dma_start3A_145 = arith.constant 0 : i32
      %dma_start3A_146 = tpu.memref_slice %arg17[%add3A_20, %dma_start3A_145] : memref<10240x64xf32, #tpu.memory_space<vmem_shared>> -> memref<128x64xf32, #tpu.memory_space<vmem_shared>>
      %dma_start3A_147 = arith.constant 0 : i32
      %dma_start3A_148 = tpu.memref_slice %arg17[%add3A_20, %dma_start3A_147] : memref<10240x64xf32, #tpu.memory_space<vmem_shared>> -> memref<128x64xf32, #tpu.memory_space<vmem_shared>>
      %dma_start3A_149 = arith.constant 0 : i32
      %dma_start3A_150 = arith.constant 0 : i32
      %dma_start3A_151 = tpu.memref_slice %arg8[%run_scoped3A_21, %dma_start3A_149, %dma_start3A_150] : memref<8x128x64xf32, #tpu.memory_space<vmem>> -> memref<1x128x64xf32, #tpu.memory_space<vmem>>
      %dma_start3A_152 = tpu.memref_squeeze %dma_start3A_151 : memref<1x128x64xf32, #tpu.memory_space<vmem>> -> memref<128x64xf32, #tpu.memory_space<vmem>>
      tpu.enqueue_dma source(%dma_start3A_152 : memref<128x64xf32, #tpu.memory_space<vmem>>) target(%dma_start3A_148 : memref<128x64xf32, #tpu.memory_space<vmem_shared>>) target_semaphore(%run_scoped3A_140 : memref<!tpu.dma_semaphore, #tpu.memory_space<semaphore_mem>>)
      %dma_wait3A = arith.constant 0 : i32
      %dma_wait3A_153 = arith.constant 0 : i32
      %dma_wait3A_154 = tpu.memref_slice %arg8[%run_scoped3A_21, %dma_wait3A, %dma_wait3A_153] : memref<8x128x64xf32, #tpu.memory_space<vmem>> -> memref<1x128x64xf32, #tpu.memory_space<vmem>>
      %dma_wait3A_155 = tpu.memref_squeeze %dma_wait3A_154 : memref<1x128x64xf32, #tpu.memory_space<vmem>> -> memref<128x64xf32, #tpu.memory_space<vmem>>
      %dma_wait3A_156 = arith.constant 0 : i32
      %dma_wait3A_157 = tpu.memref_slice %arg17[%add3A_20, %dma_wait3A_156] : memref<10240x64xf32, #tpu.memory_space<vmem_shared>> -> memref<128x64xf32, #tpu.memory_space<vmem_shared>>
      %dma_wait3A_158 = arith.constant 0 : i32
      %dma_wait3A_159 = tpu.memref_slice %arg17[%add3A_20, %dma_wait3A_158] : memref<10240x64xf32, #tpu.memory_space<vmem_shared>> -> memref<128x64xf32, #tpu.memory_space<vmem_shared>>
      %dma_wait3A_160 = arith.constant 0 : i32
      %dma_wait3A_161 = arith.constant 0 : i32
      %dma_wait3A_162 = tpu.memref_slice %arg8[%run_scoped3A_21, %dma_wait3A_160, %dma_wait3A_161] : memref<8x128x64xf32, #tpu.memory_space<vmem>> -> memref<1x128x64xf32, #tpu.memory_space<vmem>>
      %dma_wait3A_163 = tpu.memref_squeeze %dma_wait3A_162 : memref<1x128x64xf32, #tpu.memory_space<vmem>> -> memref<128x64xf32, #tpu.memory_space<vmem>>
      tpu.wait_dma2 semaphore(%run_scoped3A_140 : memref<!tpu.dma_semaphore, #tpu.memory_space<semaphore_mem>>) src(%dma_wait3A_163 : memref<128x64xf32, #tpu.memory_space<vmem>>) dst(%dma_wait3A_159 : memref<128x64xf32, #tpu.memory_space<vmem_shared>>)
      tpu.yield
    }) : () -> ()
    %mul3A_22 = arith.constant 640 : i32
    %mul3A_23 = arith.muli %arg1, %mul3A_22 : i32
    %add3A_24 = arith.constant 512 : i32
    %add3A_25 = arith.addi %mul3A_23, %add3A_24 : i32
    %run_scoped3A_26 = arith.constant 0 : i32
    "tpu.region"() ({
      %run_scoped3A_140 = tpu.sem_alloc : memref<!tpu.dma_semaphore, #tpu.memory_space<semaphore_mem>>
      %dma_start3A_141 = arith.constant 0 : i32
      %dma_start3A_142 = arith.constant 0 : i32
      %dma_start3A_143 = tpu.memref_slice %arg8[%run_scoped3A_26, %dma_start3A_141, %dma_start3A_142] : memref<8x128x64xf32, #tpu.memory_space<vmem>> -> memref<1x128x64xf32, #tpu.memory_space<vmem>>
      %dma_start3A_144 = tpu.memref_squeeze %dma_start3A_143 : memref<1x128x64xf32, #tpu.memory_space<vmem>> -> memref<128x64xf32, #tpu.memory_space<vmem>>
      %dma_start3A_145 = arith.constant 0 : i32
      %dma_start3A_146 = tpu.memref_slice %arg17[%add3A_25, %dma_start3A_145] : memref<10240x64xf32, #tpu.memory_space<vmem_shared>> -> memref<128x64xf32, #tpu.memory_space<vmem_shared>>
      %dma_start3A_147 = arith.constant 0 : i32
      %dma_start3A_148 = tpu.memref_slice %arg17[%add3A_25, %dma_start3A_147] : memref<10240x64xf32, #tpu.memory_space<vmem_shared>> -> memref<128x64xf32, #tpu.memory_space<vmem_shared>>
      %dma_start3A_149 = arith.constant 0 : i32
      %dma_start3A_150 = arith.constant 0 : i32
      %dma_start3A_151 = tpu.memref_slice %arg8[%run_scoped3A_26, %dma_start3A_149, %dma_start3A_150] : memref<8x128x64xf32, #tpu.memory_space<vmem>> -> memref<1x128x64xf32, #tpu.memory_space<vmem>>
      %dma_start3A_152 = tpu.memref_squeeze %dma_start3A_151 : memref<1x128x64xf32, #tpu.memory_space<vmem>> -> memref<128x64xf32, #tpu.memory_space<vmem>>
      tpu.enqueue_dma source(%dma_start3A_152 : memref<128x64xf32, #tpu.memory_space<vmem>>) target(%dma_start3A_148 : memref<128x64xf32, #tpu.memory_space<vmem_shared>>) target_semaphore(%run_scoped3A_140 : memref<!tpu.dma_semaphore, #tpu.memory_space<semaphore_mem>>)
      %dma_wait3A = arith.constant 0 : i32
      %dma_wait3A_153 = arith.constant 0 : i32
      %dma_wait3A_154 = tpu.memref_slice %arg8[%run_scoped3A_26, %dma_wait3A, %dma_wait3A_153] : memref<8x128x64xf32, #tpu.memory_space<vmem>> -> memref<1x128x64xf32, #tpu.memory_space<vmem>>
      %dma_wait3A_155 = tpu.memref_squeeze %dma_wait3A_154 : memref<1x128x64xf32, #tpu.memory_space<vmem>> -> memref<128x64xf32, #tpu.memory_space<vmem>>
      %dma_wait3A_156 = arith.constant 0 : i32
      %dma_wait3A_157 = tpu.memref_slice %arg17[%add3A_25, %dma_wait3A_156] : memref<10240x64xf32, #tpu.memory_space<vmem_shared>> -> memref<128x64xf32, #tpu.memory_space<vmem_shared>>
      %dma_wait3A_158 = arith.constant 0 : i32
      %dma_wait3A_159 = tpu.memref_slice %arg17[%add3A_25, %dma_wait3A_158] : memref<10240x64xf32, #tpu.memory_space<vmem_shared>> -> memref<128x64xf32, #tpu.memory_space<vmem_shared>>
      %dma_wait3A_160 = arith.constant 0 : i32
      %dma_wait3A_161 = arith.constant 0 : i32
      %dma_wait3A_162 = tpu.memref_slice %arg8[%run_scoped3A_26, %dma_wait3A_160, %dma_wait3A_161] : memref<8x128x64xf32, #tpu.memory_space<vmem>> -> memref<1x128x64xf32, #tpu.memory_space<vmem>>
      %dma_wait3A_163 = tpu.memref_squeeze %dma_wait3A_162 : memref<1x128x64xf32, #tpu.memory_space<vmem>> -> memref<128x64xf32, #tpu.memory_space<vmem>>
      tpu.wait_dma2 semaphore(%run_scoped3A_140 : memref<!tpu.dma_semaphore, #tpu.memory_space<semaphore_mem>>) src(%dma_wait3A_163 : memref<128x64xf32, #tpu.memory_space<vmem>>) dst(%dma_wait3A_159 : memref<128x64xf32, #tpu.memory_space<vmem_shared>>)
      tpu.yield
    }) : () -> ()
    %barrier3A = arith.constant 0 : index
    tpu.barrier barrier_id(%barrier3A)
    %mul3A_27 = arith.constant 2 : i32
    %mul3A_28 = arith.muli %arg1, %mul3A_27 : i32
    %add3A_29 = arith.addi %mul3A_28, %arg0 : i32
    %mul3A_30 = arith.constant 80 : i32
    %mul3A_31 = arith.muli %add3A_29, %mul3A_30 : i32
    "tpu.region"() ({
      %run_scoped3A_140 = tpu.sem_alloc : memref<!tpu.dma_semaphore, #tpu.memory_space<semaphore_mem>>
      %dma_start3A_141 = arith.constant 0 : i32
      %dma_start3A_142 = tpu.memref_slice %arg3[%mul3A_31, %dma_start3A_141] : memref<2560x128xi32, #tpu.memory_space<hbm>> -> memref<80x128xi32, #tpu.memory_space<hbm>>
      %dma_start3A_143 = arith.constant 0 : i32
      %dma_start3A_144 = tpu.memref_slice %arg3[%mul3A_31, %dma_start3A_143] : memref<2560x128xi32, #tpu.memory_space<hbm>> -> memref<80x128xi32, #tpu.memory_space<hbm>>
      tpu.enqueue_dma source(%dma_start3A_144 : memref<80x128xi32, #tpu.memory_space<hbm>>) target(%arg6 : memref<80x128xi32, #tpu.memory_space<vmem>>) target_semaphore(%run_scoped3A_140 : memref<!tpu.dma_semaphore, #tpu.memory_space<semaphore_mem>>)
      %dma_wait3A = arith.constant 0 : i32
      %dma_wait3A_145 = tpu.memref_slice %arg3[%mul3A_31, %dma_wait3A] : memref<2560x128xi32, #tpu.memory_space<hbm>> -> memref<80x128xi32, #tpu.memory_space<hbm>>
      %dma_wait3A_146 = arith.constant 0 : i32
      %dma_wait3A_147 = tpu.memref_slice %arg3[%mul3A_31, %dma_wait3A_146] : memref<2560x128xi32, #tpu.memory_space<hbm>> -> memref<80x128xi32, #tpu.memory_space<hbm>>
      tpu.wait_dma2 semaphore(%run_scoped3A_140 : memref<!tpu.dma_semaphore, #tpu.memory_space<semaphore_mem>>) src(%dma_wait3A_147 : memref<80x128xi32, #tpu.memory_space<hbm>>) dst(%arg6 : memref<80x128xi32, #tpu.memory_space<vmem>>)
      tpu.yield
    }) : () -> ()
    %mul3A_32 = arith.constant 80 : i32
    %mul3A_33 = arith.muli %add3A_29, %mul3A_32 : i32
    "tpu.region"() ({
      %run_scoped3A_140 = tpu.sem_alloc : memref<!tpu.dma_semaphore, #tpu.memory_space<semaphore_mem>>
      %dma_start3A_141 = arith.constant 0 : i32
      %dma_start3A_142 = tpu.memref_slice %arg4[%mul3A_33, %dma_start3A_141] : memref<2560x128xi32, #tpu.memory_space<hbm>> -> memref<80x128xi32, #tpu.memory_space<hbm>>
      %dma_start3A_143 = arith.constant 0 : i32
      %dma_start3A_144 = tpu.memref_slice %arg4[%mul3A_33, %dma_start3A_143] : memref<2560x128xi32, #tpu.memory_space<hbm>> -> memref<80x128xi32, #tpu.memory_space<hbm>>
      tpu.enqueue_dma source(%dma_start3A_144 : memref<80x128xi32, #tpu.memory_space<hbm>>) target(%arg7 : memref<80x128xi32, #tpu.memory_space<vmem>>) target_semaphore(%run_scoped3A_140 : memref<!tpu.dma_semaphore, #tpu.memory_space<semaphore_mem>>)
      %dma_wait3A = arith.constant 0 : i32
      %dma_wait3A_145 = tpu.memref_slice %arg4[%mul3A_33, %dma_wait3A] : memref<2560x128xi32, #tpu.memory_space<hbm>> -> memref<80x128xi32, #tpu.memory_space<hbm>>
      %dma_wait3A_146 = arith.constant 0 : i32
      %dma_wait3A_147 = tpu.memref_slice %arg4[%mul3A_33, %dma_wait3A_146] : memref<2560x128xi32, #tpu.memory_space<hbm>> -> memref<80x128xi32, #tpu.memory_space<hbm>>
      tpu.wait_dma2 semaphore(%run_scoped3A_140 : memref<!tpu.dma_semaphore, #tpu.memory_space<semaphore_mem>>) src(%dma_wait3A_147 : memref<80x128xi32, #tpu.memory_space<hbm>>) dst(%arg7 : memref<80x128xi32, #tpu.memory_space<vmem>>)
      tpu.yield
    }) : () -> ()
    %dma_start3A = arith.constant 0 : i32
    %dma_start3A_34 = arith.constant 0 : i32
    %dma_start3A_35 = arith.constant 0 : i32
    %dma_start3A_36 = arith.constant 0 : i32
    %dma_start3A_37 = tpu.memref_slice %arg8[%dma_start3A_34, %dma_start3A_35, %dma_start3A_36] : memref<8x128x64xf32, #tpu.memory_space<vmem>> -> memref<1x128x64xf32, #tpu.memory_space<vmem>>
    %dma_start3A_38 = tpu.memref_squeeze %dma_start3A_37 : memref<1x128x64xf32, #tpu.memory_space<vmem>> -> memref<128x64xf32, #tpu.memory_space<vmem>>
    %dma_start3A_39 = arith.constant 0 : i32
    %dma_start3A_40 = tpu.memref_slice %arg6[%dma_start3A, %dma_start3A_39] : memref<80x128xi32, #tpu.memory_space<vmem>> -> memref<1x128xi32, #tpu.memory_space<vmem>>
    %dma_start3A_41 = tpu.memref_squeeze %dma_start3A_40 : memref<1x128xi32, #tpu.memory_space<vmem>> -> memref<128xi32, #tpu.memory_space<vmem>>
    %dma_start3A_42 = arith.constant 0 : i32
    %dma_start3A_43 = arith.constant 0 : i32
    %dma_start3A_44 = tpu.memref_slice %arg2[%dma_start3A_42, %dma_start3A_43] : memref<10240x64xf32, #tpu.memory_space<hbm>> -> memref<10240x64xf32, #tpu.memory_space<hbm>>
    tpu.enqueue_indirect_dma source(%dma_start3A_44 : memref<10240x64xf32, #tpu.memory_space<hbm>>) target(%dma_start3A_38 : memref<128x64xf32, #tpu.memory_space<vmem>>) offsets(%dma_start3A_41 : memref<128xi32, #tpu.memory_space<vmem>>) semaphore(%arg9 : memref<!tpu.dma_semaphore, #tpu.memory_space<semaphore_mem>>)
    %dma_start3A_45 = arith.constant 1 : i32
    %dma_start3A_46 = arith.constant 1 : i32
    %dma_start3A_47 = arith.constant 0 : i32
    %dma_start3A_48 = arith.constant 0 : i32
    %dma_start3A_49 = tpu.memref_slice %arg8[%dma_start3A_46, %dma_start3A_47, %dma_start3A_48] : memref<8x128x64xf32, #tpu.memory_space<vmem>> -> memref<1x128x64xf32, #tpu.memory_space<vmem>>
    %dma_start3A_50 = tpu.memref_squeeze %dma_start3A_49 : memref<1x128x64xf32, #tpu.memory_space<vmem>> -> memref<128x64xf32, #tpu.memory_space<vmem>>
    %dma_start3A_51 = arith.constant 0 : i32
    %dma_start3A_52 = tpu.memref_slice %arg6[%dma_start3A_45, %dma_start3A_51] : memref<80x128xi32, #tpu.memory_space<vmem>> -> memref<1x128xi32, #tpu.memory_space<vmem>>
    %dma_start3A_53 = tpu.memref_squeeze %dma_start3A_52 : memref<1x128xi32, #tpu.memory_space<vmem>> -> memref<128xi32, #tpu.memory_space<vmem>>
    %dma_start3A_54 = arith.constant 0 : i32
    %dma_start3A_55 = arith.constant 0 : i32
    %dma_start3A_56 = tpu.memref_slice %arg2[%dma_start3A_54, %dma_start3A_55] : memref<10240x64xf32, #tpu.memory_space<hbm>> -> memref<10240x64xf32, #tpu.memory_space<hbm>>
    tpu.enqueue_indirect_dma source(%dma_start3A_56 : memref<10240x64xf32, #tpu.memory_space<hbm>>) target(%dma_start3A_50 : memref<128x64xf32, #tpu.memory_space<vmem>>) offsets(%dma_start3A_53 : memref<128xi32, #tpu.memory_space<vmem>>) semaphore(%arg10 : memref<!tpu.dma_semaphore, #tpu.memory_space<semaphore_mem>>)
    %dma_start3A_57 = arith.constant 2 : i32
    %dma_start3A_58 = arith.constant 2 : i32
    %dma_start3A_59 = arith.constant 0 : i32
    %dma_start3A_60 = arith.constant 0 : i32
    %dma_start3A_61 = tpu.memref_slice %arg8[%dma_start3A_58, %dma_start3A_59, %dma_start3A_60] : memref<8x128x64xf32, #tpu.memory_space<vmem>> -> memref<1x128x64xf32, #tpu.memory_space<vmem>>
    %dma_start3A_62 = tpu.memref_squeeze %dma_start3A_61 : memref<1x128x64xf32, #tpu.memory_space<vmem>> -> memref<128x64xf32, #tpu.memory_space<vmem>>
    %dma_start3A_63 = arith.constant 0 : i32
    %dma_start3A_64 = tpu.memref_slice %arg6[%dma_start3A_57, %dma_start3A_63] : memref<80x128xi32, #tpu.memory_space<vmem>> -> memref<1x128xi32, #tpu.memory_space<vmem>>
    %dma_start3A_65 = tpu.memref_squeeze %dma_start3A_64 : memref<1x128xi32, #tpu.memory_space<vmem>> -> memref<128xi32, #tpu.memory_space<vmem>>
    %dma_start3A_66 = arith.constant 0 : i32
    %dma_start3A_67 = arith.constant 0 : i32
    %dma_start3A_68 = tpu.memref_slice %arg2[%dma_start3A_66, %dma_start3A_67] : memref<10240x64xf32, #tpu.memory_space<hbm>> -> memref<10240x64xf32, #tpu.memory_space<hbm>>
    tpu.enqueue_indirect_dma source(%dma_start3A_68 : memref<10240x64xf32, #tpu.memory_space<hbm>>) target(%dma_start3A_62 : memref<128x64xf32, #tpu.memory_space<vmem>>) offsets(%dma_start3A_65 : memref<128xi32, #tpu.memory_space<vmem>>) semaphore(%arg11 : memref<!tpu.dma_semaphore, #tpu.memory_space<semaphore_mem>>)
    %dma_start3A_69 = arith.constant 3 : i32
    %dma_start3A_70 = arith.constant 3 : i32
    %dma_start3A_71 = arith.constant 0 : i32
    %dma_start3A_72 = arith.constant 0 : i32
    %dma_start3A_73 = tpu.memref_slice %arg8[%dma_start3A_70, %dma_start3A_71, %dma_start3A_72] : memref<8x128x64xf32, #tpu.memory_space<vmem>> -> memref<1x128x64xf32, #tpu.memory_space<vmem>>
    %dma_start3A_74 = tpu.memref_squeeze %dma_start3A_73 : memref<1x128x64xf32, #tpu.memory_space<vmem>> -> memref<128x64xf32, #tpu.memory_space<vmem>>
    %dma_start3A_75 = arith.constant 0 : i32
    %dma_start3A_76 = tpu.memref_slice %arg6[%dma_start3A_69, %dma_start3A_75] : memref<80x128xi32, #tpu.memory_space<vmem>> -> memref<1x128xi32, #tpu.memory_space<vmem>>
    %dma_start3A_77 = tpu.memref_squeeze %dma_start3A_76 : memref<1x128xi32, #tpu.memory_space<vmem>> -> memref<128xi32, #tpu.memory_space<vmem>>
    %dma_start3A_78 = arith.constant 0 : i32
    %dma_start3A_79 = arith.constant 0 : i32
    %dma_start3A_80 = tpu.memref_slice %arg2[%dma_start3A_78, %dma_start3A_79] : memref<10240x64xf32, #tpu.memory_space<hbm>> -> memref<10240x64xf32, #tpu.memory_space<hbm>>
    tpu.enqueue_indirect_dma source(%dma_start3A_80 : memref<10240x64xf32, #tpu.memory_space<hbm>>) target(%dma_start3A_74 : memref<128x64xf32, #tpu.memory_space<vmem>>) offsets(%dma_start3A_77 : memref<128xi32, #tpu.memory_space<vmem>>) semaphore(%arg12 : memref<!tpu.dma_semaphore, #tpu.memory_space<semaphore_mem>>)
    %dma_start3A_81 = arith.constant 4 : i32
    %dma_start3A_82 = arith.constant 4 : i32
    %dma_start3A_83 = arith.constant 0 : i32
    %dma_start3A_84 = arith.constant 0 : i32
    %dma_start3A_85 = tpu.memref_slice %arg8[%dma_start3A_82, %dma_start3A_83, %dma_start3A_84] : memref<8x128x64xf32, #tpu.memory_space<vmem>> -> memref<1x128x64xf32, #tpu.memory_space<vmem>>
    %dma_start3A_86 = tpu.memref_squeeze %dma_start3A_85 : memref<1x128x64xf32, #tpu.memory_space<vmem>> -> memref<128x64xf32, #tpu.memory_space<vmem>>
    %dma_start3A_87 = arith.constant 0 : i32
    %dma_start3A_88 = tpu.memref_slice %arg6[%dma_start3A_81, %dma_start3A_87] : memref<80x128xi32, #tpu.memory_space<vmem>> -> memref<1x128xi32, #tpu.memory_space<vmem>>
    %dma_start3A_89 = tpu.memref_squeeze %dma_start3A_88 : memref<1x128xi32, #tpu.memory_space<vmem>> -> memref<128xi32, #tpu.memory_space<vmem>>
    %dma_start3A_90 = arith.constant 0 : i32
    %dma_start3A_91 = arith.constant 0 : i32
    %dma_start3A_92 = tpu.memref_slice %arg2[%dma_start3A_90, %dma_start3A_91] : memref<10240x64xf32, #tpu.memory_space<hbm>> -> memref<10240x64xf32, #tpu.memory_space<hbm>>
    tpu.enqueue_indirect_dma source(%dma_start3A_92 : memref<10240x64xf32, #tpu.memory_space<hbm>>) target(%dma_start3A_86 : memref<128x64xf32, #tpu.memory_space<vmem>>) offsets(%dma_start3A_89 : memref<128xi32, #tpu.memory_space<vmem>>) semaphore(%arg13 : memref<!tpu.dma_semaphore, #tpu.memory_space<semaphore_mem>>)
    %dma_start3A_93 = arith.constant 5 : i32
    %dma_start3A_94 = arith.constant 5 : i32
    %dma_start3A_95 = arith.constant 0 : i32
    %dma_start3A_96 = arith.constant 0 : i32
    %dma_start3A_97 = tpu.memref_slice %arg8[%dma_start3A_94, %dma_start3A_95, %dma_start3A_96] : memref<8x128x64xf32, #tpu.memory_space<vmem>> -> memref<1x128x64xf32, #tpu.memory_space<vmem>>
    %dma_start3A_98 = tpu.memref_squeeze %dma_start3A_97 : memref<1x128x64xf32, #tpu.memory_space<vmem>> -> memref<128x64xf32, #tpu.memory_space<vmem>>
    %dma_start3A_99 = arith.constant 0 : i32
    %dma_start3A_100 = tpu.memref_slice %arg6[%dma_start3A_93, %dma_start3A_99] : memref<80x128xi32, #tpu.memory_space<vmem>> -> memref<1x128xi32, #tpu.memory_space<vmem>>
    %dma_start3A_101 = tpu.memref_squeeze %dma_start3A_100 : memref<1x128xi32, #tpu.memory_space<vmem>> -> memref<128xi32, #tpu.memory_space<vmem>>
    %dma_start3A_102 = arith.constant 0 : i32
    %dma_start3A_103 = arith.constant 0 : i32
    %dma_start3A_104 = tpu.memref_slice %arg2[%dma_start3A_102, %dma_start3A_103] : memref<10240x64xf32, #tpu.memory_space<hbm>> -> memref<10240x64xf32, #tpu.memory_space<hbm>>
    tpu.enqueue_indirect_dma source(%dma_start3A_104 : memref<10240x64xf32, #tpu.memory_space<hbm>>) target(%dma_start3A_98 : memref<128x64xf32, #tpu.memory_space<vmem>>) offsets(%dma_start3A_101 : memref<128xi32, #tpu.memory_space<vmem>>) semaphore(%arg14 : memref<!tpu.dma_semaphore, #tpu.memory_space<semaphore_mem>>)
    %dma_start3A_105 = arith.constant 6 : i32
    %dma_start3A_106 = arith.constant 6 : i32
    %dma_start3A_107 = arith.constant 0 : i32
    %dma_start3A_108 = arith.constant 0 : i32
    %dma_start3A_109 = tpu.memref_slice %arg8[%dma_start3A_106, %dma_start3A_107, %dma_start3A_108] : memref<8x128x64xf32, #tpu.memory_space<vmem>> -> memref<1x128x64xf32, #tpu.memory_space<vmem>>
    %dma_start3A_110 = tpu.memref_squeeze %dma_start3A_109 : memref<1x128x64xf32, #tpu.memory_space<vmem>> -> memref<128x64xf32, #tpu.memory_space<vmem>>
    %dma_start3A_111 = arith.constant 0 : i32
    %dma_start3A_112 = tpu.memref_slice %arg6[%dma_start3A_105, %dma_start3A_111] : memref<80x128xi32, #tpu.memory_space<vmem>> -> memref<1x128xi32, #tpu.memory_space<vmem>>
    %dma_start3A_113 = tpu.memref_squeeze %dma_start3A_112 : memref<1x128xi32, #tpu.memory_space<vmem>> -> memref<128xi32, #tpu.memory_space<vmem>>
    %dma_start3A_114 = arith.constant 0 : i32
    %dma_start3A_115 = arith.constant 0 : i32
    %dma_start3A_116 = tpu.memref_slice %arg2[%dma_start3A_114, %dma_start3A_115] : memref<10240x64xf32, #tpu.memory_space<hbm>> -> memref<10240x64xf32, #tpu.memory_space<hbm>>
    tpu.enqueue_indirect_dma source(%dma_start3A_116 : memref<10240x64xf32, #tpu.memory_space<hbm>>) target(%dma_start3A_110 : memref<128x64xf32, #tpu.memory_space<vmem>>) offsets(%dma_start3A_113 : memref<128xi32, #tpu.memory_space<vmem>>) semaphore(%arg15 : memref<!tpu.dma_semaphore, #tpu.memory_space<semaphore_mem>>)
    %dma_start3A_117 = arith.constant 7 : i32
    %dma_start3A_118 = arith.constant 7 : i32
    %dma_start3A_119 = arith.constant 0 : i32
    %dma_start3A_120 = arith.constant 0 : i32
    %dma_start3A_121 = tpu.memref_slice %arg8[%dma_start3A_118, %dma_start3A_119, %dma_start3A_120] : memref<8x128x64xf32, #tpu.memory_space<vmem>> -> memref<1x128x64xf32, #tpu.memory_space<vmem>>
    %dma_start3A_122 = tpu.memref_squeeze %dma_start3A_121 : memref<1x128x64xf32, #tpu.memory_space<vmem>> -> memref<128x64xf32, #tpu.memory_space<vmem>>
    %dma_start3A_123 = arith.constant 0 : i32
    %dma_start3A_124 = tpu.memref_slice %arg6[%dma_start3A_117, %dma_start3A_123] : memref<80x128xi32, #tpu.memory_space<vmem>> -> memref<1x128xi32, #tpu.memory_space<vmem>>
    %dma_start3A_125 = tpu.memref_squeeze %dma_start3A_124 : memref<1x128xi32, #tpu.memory_space<vmem>> -> memref<128xi32, #tpu.memory_space<vmem>>
    %dma_start3A_126 = arith.constant 0 : i32
    %dma_start3A_127 = arith.constant 0 : i32
    %dma_start3A_128 = tpu.memref_slice %arg2[%dma_start3A_126, %dma_start3A_127] : memref<10240x64xf32, #tpu.memory_space<hbm>> -> memref<10240x64xf32, #tpu.memory_space<hbm>>
    tpu.enqueue_indirect_dma source(%dma_start3A_128 : memref<10240x64xf32, #tpu.memory_space<hbm>>) target(%dma_start3A_122 : memref<128x64xf32, #tpu.memory_space<vmem>>) offsets(%dma_start3A_125 : memref<128xi32, #tpu.memory_space<vmem>>) semaphore(%arg16 : memref<!tpu.dma_semaphore, #tpu.memory_space<semaphore_mem>>)
    %scan3A_129 = arith.constant 0 : i32
    %scan3A_130 = arith.constant 0 : i32
    %scan3A_131 = arith.constant 10 : i32
    %scan3A_132 = arith.addi %scan3A_130, %scan3A_131 : i32
    %scan3A_133 = arith.constant 1 : i32
    scf.for %scan3A_140 = %scan3A_130 to %scan3A_132 step %scan3A_133  : i32 {
      %mul3A_141 = arith.constant 8 : i32
      %mul3A_142 = arith.muli %scan3A_140, %mul3A_141 : i32
      %add3A_143 = arith.constant 0 : i32
      %add3A_144 = arith.addi %mul3A_142, %add3A_143 : i32
      %dma_wait3A = arith.constant 0 : i32
      %dma_wait3A_145 = arith.constant 0 : i32
      %dma_wait3A_146 = arith.constant 0 : i32
      %dma_wait3A_147 = tpu.memref_slice %arg8[%dma_wait3A, %dma_wait3A_145, %dma_wait3A_146] : memref<8x128x64xf32, #tpu.memory_space<vmem>> -> memref<1x128x64xf32, #tpu.memory_space<vmem>>
      %dma_wait3A_148 = tpu.memref_squeeze %dma_wait3A_147 : memref<1x128x64xf32, #tpu.memory_space<vmem>> -> memref<128x64xf32, #tpu.memory_space<vmem>>
      %dma_wait3A_149 = arith.constant 0 : i32
      %dma_wait3A_150 = tpu.memref_slice %arg6[%add3A_144, %dma_wait3A_149] : memref<80x128xi32, #tpu.memory_space<vmem>> -> memref<1x128xi32, #tpu.memory_space<vmem>>
      %dma_wait3A_151 = tpu.memref_squeeze %dma_wait3A_150 : memref<1x128xi32, #tpu.memory_space<vmem>> -> memref<128xi32, #tpu.memory_space<vmem>>
      %dma_wait3A_152 = arith.constant 0 : i32
      %dma_wait3A_153 = arith.constant 0 : i32
      %dma_wait3A_154 = tpu.memref_slice %arg2[%dma_wait3A_152, %dma_wait3A_153] : memref<10240x64xf32, #tpu.memory_space<hbm>> -> memref<10240x64xf32, #tpu.memory_space<hbm>>
      tpu.wait_indirect_dma semaphore(%arg9 : memref<!tpu.dma_semaphore, #tpu.memory_space<semaphore_mem>>) src(%dma_wait3A_154 : memref<10240x64xf32, #tpu.memory_space<hbm>>) dst(%dma_wait3A_148 : memref<128x64xf32, #tpu.memory_space<vmem>>)
      %run_scoped3A_155 = arith.constant 0 : i32
      "tpu.region"() ({
        %run_scoped3A_321 = tpu.sem_alloc : memref<!tpu.dma_semaphore, #tpu.memory_space<semaphore_mem>>
        %dma_start3A_322 = arith.constant 0 : i32
        %dma_start3A_323 = arith.constant 0 : i32
        %dma_start3A_324 = tpu.memref_slice %arg8[%run_scoped3A_155, %dma_start3A_322, %dma_start3A_323] : memref<8x128x64xf32, #tpu.memory_space<vmem>> -> memref<1x128x64xf32, #tpu.memory_space<vmem>>
        %dma_start3A_325 = tpu.memref_squeeze %dma_start3A_324 : memref<1x128x64xf32, #tpu.memory_space<vmem>> -> memref<128x64xf32, #tpu.memory_space<vmem>>
        %dma_start3A_326 = arith.constant 0 : i32
        %dma_start3A_327 = tpu.memref_slice %arg7[%add3A_144, %dma_start3A_326] : memref<80x128xi32, #tpu.memory_space<vmem>> -> memref<1x128xi32, #tpu.memory_space<vmem>>
        %dma_start3A_328 = tpu.memref_squeeze %dma_start3A_327 : memref<1x128xi32, #tpu.memory_space<vmem>> -> memref<128xi32, #tpu.memory_space<vmem>>
        %dma_start3A_329 = arith.constant 0 : i32
        %dma_start3A_330 = arith.constant 0 : i32
        %dma_start3A_331 = tpu.memref_slice %arg17[%dma_start3A_329, %dma_start3A_330] : memref<10240x64xf32, #tpu.memory_space<vmem_shared>> -> memref<10240x64xf32, #tpu.memory_space<vmem_shared>>
        tpu.enqueue_indirect_dma source(%dma_start3A_325 : memref<128x64xf32, #tpu.memory_space<vmem>>) target(%dma_start3A_331 : memref<10240x64xf32, #tpu.memory_space<vmem_shared>>) offsets(%dma_start3A_328 : memref<128xi32, #tpu.memory_space<vmem>>) semaphore(%run_scoped3A_321 : memref<!tpu.dma_semaphore, #tpu.memory_space<semaphore_mem>>) {add = true}
        %dma_wait3A_332 = arith.constant 0 : i32
        %dma_wait3A_333 = arith.constant 0 : i32
        %dma_wait3A_334 = tpu.memref_slice %arg8[%run_scoped3A_155, %dma_wait3A_332, %dma_wait3A_333] : memref<8x128x64xf32, #tpu.memory_space<vmem>> -> memref<1x128x64xf32, #tpu.memory_space<vmem>>
        %dma_wait3A_335 = tpu.memref_squeeze %dma_wait3A_334 : memref<1x128x64xf32, #tpu.memory_space<vmem>> -> memref<128x64xf32, #tpu.memory_space<vmem>>
        %dma_wait3A_336 = arith.constant 0 : i32
        %dma_wait3A_337 = tpu.memref_slice %arg7[%add3A_144, %dma_wait3A_336] : memref<80x128xi32, #tpu.memory_space<vmem>> -> memref<1x128xi32, #tpu.memory_space<vmem>>
        %dma_wait3A_338 = tpu.memref_squeeze %dma_wait3A_337 : memref<1x128xi32, #tpu.memory_space<vmem>> -> memref<128xi32, #tpu.memory_space<vmem>>
        %dma_wait3A_339 = arith.constant 0 : i32
        %dma_wait3A_340 = arith.constant 0 : i32
        %dma_wait3A_341 = tpu.memref_slice %arg17[%dma_wait3A_339, %dma_wait3A_340] : memref<10240x64xf32, #tpu.memory_space<vmem_shared>> -> memref<10240x64xf32, #tpu.memory_space<vmem_shared>>
        tpu.wait_indirect_dma semaphore(%run_scoped3A_321 : memref<!tpu.dma_semaphore, #tpu.memory_space<semaphore_mem>>) src(%dma_wait3A_335 : memref<128x64xf32, #tpu.memory_space<vmem>>) dst(%dma_wait3A_341 : memref<10240x64xf32, #tpu.memory_space<vmem_shared>>)
        tpu.yield
      }) : () -> ()
      %add3A_156 = arith.constant 8 : i32
      %add3A_157 = arith.addi %add3A_144, %add3A_156 : i32
      %lt3A = arith.constant 80 : i32
      %lt3A_158 = arith.cmpi slt, %add3A_157, %lt3A : i32
      %convert_element_type3A = arith.extui %lt3A_158 : i1 to i32
      %cond3A = arith.constant 0 : i32
      %cond3A_159 = arith.cmpi ne, %convert_element_type3A, %cond3A : i32
      scf.if %cond3A_159 {
        %dma_start3A_321 = arith.constant 0 : i32
        %dma_start3A_322 = arith.constant 0 : i32
        %dma_start3A_323 = arith.constant 0 : i32
        %dma_start3A_324 = tpu.memref_slice %arg8[%dma_start3A_321, %dma_start3A_322, %dma_start3A_323] : memref<8x128x64xf32, #tpu.memory_space<vmem>> -> memref<1x128x64xf32, #tpu.memory_space<vmem>>
        %dma_start3A_325 = tpu.memref_squeeze %dma_start3A_324 : memref<1x128x64xf32, #tpu.memory_space<vmem>> -> memref<128x64xf32, #tpu.memory_space<vmem>>
        %dma_start3A_326 = arith.constant 0 : i32
        %dma_start3A_327 = tpu.memref_slice %arg6[%add3A_157, %dma_start3A_326] : memref<80x128xi32, #tpu.memory_space<vmem>> -> memref<1x128xi32, #tpu.memory_space<vmem>>
        %dma_start3A_328 = tpu.memref_squeeze %dma_start3A_327 : memref<1x128xi32, #tpu.memory_space<vmem>> -> memref<128xi32, #tpu.memory_space<vmem>>
        %dma_start3A_329 = arith.constant 0 : i32
        %dma_start3A_330 = arith.constant 0 : i32
        %dma_start3A_331 = tpu.memref_slice %arg2[%dma_start3A_329, %dma_start3A_330] : memref<10240x64xf32, #tpu.memory_space<hbm>> -> memref<10240x64xf32, #tpu.memory_space<hbm>>
        tpu.enqueue_indirect_dma source(%dma_start3A_331 : memref<10240x64xf32, #tpu.memory_space<hbm>>) target(%dma_start3A_325 : memref<128x64xf32, #tpu.memory_space<vmem>>) offsets(%dma_start3A_328 : memref<128xi32, #tpu.memory_space<vmem>>) semaphore(%arg9 : memref<!tpu.dma_semaphore, #tpu.memory_space<semaphore_mem>>)
      } else {
      }
      %mul3A_160 = arith.constant 8 : i32
      %mul3A_161 = arith.muli %scan3A_140, %mul3A_160 : i32
      %add3A_162 = arith.constant 1 : i32
      %add3A_163 = arith.addi %mul3A_161, %add3A_162 : i32
      %dma_wait3A_164 = arith.constant 1 : i32
      %dma_wait3A_165 = arith.constant 0 : i32
      %dma_wait3A_166 = arith.constant 0 : i32
      %dma_wait3A_167 = tpu.memref_slice %arg8[%dma_wait3A_164, %dma_wait3A_165, %dma_wait3A_166] : memref<8x128x64xf32, #tpu.memory_space<vmem>> -> memref<1x128x64xf32, #tpu.memory_space<vmem>>
      %dma_wait3A_168 = tpu.memref_squeeze %dma_wait3A_167 : memref<1x128x64xf32, #tpu.memory_space<vmem>> -> memref<128x64xf32, #tpu.memory_space<vmem>>
      %dma_wait3A_169 = arith.constant 0 : i32
      %dma_wait3A_170 = tpu.memref_slice %arg6[%add3A_163, %dma_wait3A_169] : memref<80x128xi32, #tpu.memory_space<vmem>> -> memref<1x128xi32, #tpu.memory_space<vmem>>
      %dma_wait3A_171 = tpu.memref_squeeze %dma_wait3A_170 : memref<1x128xi32, #tpu.memory_space<vmem>> -> memref<128xi32, #tpu.memory_space<vmem>>
      %dma_wait3A_172 = arith.constant 0 : i32
      %dma_wait3A_173 = arith.constant 0 : i32
      %dma_wait3A_174 = tpu.memref_slice %arg2[%dma_wait3A_172, %dma_wait3A_173] : memref<10240x64xf32, #tpu.memory_space<hbm>> -> memref<10240x64xf32, #tpu.memory_space<hbm>>
      tpu.wait_indirect_dma semaphore(%arg10 : memref<!tpu.dma_semaphore, #tpu.memory_space<semaphore_mem>>) src(%dma_wait3A_174 : memref<10240x64xf32, #tpu.memory_space<hbm>>) dst(%dma_wait3A_168 : memref<128x64xf32, #tpu.memory_space<vmem>>)
      %run_scoped3A_175 = arith.constant 1 : i32
      "tpu.region"() ({
        %run_scoped3A_321 = tpu.sem_alloc : memref<!tpu.dma_semaphore, #tpu.memory_space<semaphore_mem>>
        %dma_start3A_322 = arith.constant 0 : i32
        %dma_start3A_323 = arith.constant 0 : i32
        %dma_start3A_324 = tpu.memref_slice %arg8[%run_scoped3A_175, %dma_start3A_322, %dma_start3A_323] : memref<8x128x64xf32, #tpu.memory_space<vmem>> -> memref<1x128x64xf32, #tpu.memory_space<vmem>>
        %dma_start3A_325 = tpu.memref_squeeze %dma_start3A_324 : memref<1x128x64xf32, #tpu.memory_space<vmem>> -> memref<128x64xf32, #tpu.memory_space<vmem>>
        %dma_start3A_326 = arith.constant 0 : i32
        %dma_start3A_327 = tpu.memref_slice %arg7[%add3A_163, %dma_start3A_326] : memref<80x128xi32, #tpu.memory_space<vmem>> -> memref<1x128xi32, #tpu.memory_space<vmem>>
        %dma_start3A_328 = tpu.memref_squeeze %dma_start3A_327 : memref<1x128xi32, #tpu.memory_space<vmem>> -> memref<128xi32, #tpu.memory_space<vmem>>
        %dma_start3A_329 = arith.constant 0 : i32
        %dma_start3A_330 = arith.constant 0 : i32
        %dma_start3A_331 = tpu.memref_slice %arg17[%dma_start3A_329, %dma_start3A_330] : memref<10240x64xf32, #tpu.memory_space<vmem_shared>> -> memref<10240x64xf32, #tpu.memory_space<vmem_shared>>
        tpu.enqueue_indirect_dma source(%dma_start3A_325 : memref<128x64xf32, #tpu.memory_space<vmem>>) target(%dma_start3A_331 : memref<10240x64xf32, #tpu.memory_space<vmem_shared>>) offsets(%dma_start3A_328 : memref<128xi32, #tpu.memory_space<vmem>>) semaphore(%run_scoped3A_321 : memref<!tpu.dma_semaphore, #tpu.memory_space<semaphore_mem>>) {add = true}
        %dma_wait3A_332 = arith.constant 0 : i32
        %dma_wait3A_333 = arith.constant 0 : i32
        %dma_wait3A_334 = tpu.memref_slice %arg8[%run_scoped3A_175, %dma_wait3A_332, %dma_wait3A_333] : memref<8x128x64xf32, #tpu.memory_space<vmem>> -> memref<1x128x64xf32, #tpu.memory_space<vmem>>
        %dma_wait3A_335 = tpu.memref_squeeze %dma_wait3A_334 : memref<1x128x64xf32, #tpu.memory_space<vmem>> -> memref<128x64xf32, #tpu.memory_space<vmem>>
        %dma_wait3A_336 = arith.constant 0 : i32
        %dma_wait3A_337 = tpu.memref_slice %arg7[%add3A_163, %dma_wait3A_336] : memref<80x128xi32, #tpu.memory_space<vmem>> -> memref<1x128xi32, #tpu.memory_space<vmem>>
        %dma_wait3A_338 = tpu.memref_squeeze %dma_wait3A_337 : memref<1x128xi32, #tpu.memory_space<vmem>> -> memref<128xi32, #tpu.memory_space<vmem>>
        %dma_wait3A_339 = arith.constant 0 : i32
        %dma_wait3A_340 = arith.constant 0 : i32
        %dma_wait3A_341 = tpu.memref_slice %arg17[%dma_wait3A_339, %dma_wait3A_340] : memref<10240x64xf32, #tpu.memory_space<vmem_shared>> -> memref<10240x64xf32, #tpu.memory_space<vmem_shared>>
        tpu.wait_indirect_dma semaphore(%run_scoped3A_321 : memref<!tpu.dma_semaphore, #tpu.memory_space<semaphore_mem>>) src(%dma_wait3A_335 : memref<128x64xf32, #tpu.memory_space<vmem>>) dst(%dma_wait3A_341 : memref<10240x64xf32, #tpu.memory_space<vmem_shared>>)
        tpu.yield
      }) : () -> ()
      %add3A_176 = arith.constant 8 : i32
      %add3A_177 = arith.addi %add3A_163, %add3A_176 : i32
      %lt3A_178 = arith.constant 80 : i32
      %lt3A_179 = arith.cmpi slt, %add3A_177, %lt3A_178 : i32
      %convert_element_type3A_180 = arith.extui %lt3A_179 : i1 to i32
      %cond3A_181 = arith.constant 0 : i32
      %cond3A_182 = arith.cmpi ne, %convert_element_type3A_180, %cond3A_181 : i32
      scf.if %cond3A_182 {
        %dma_start3A_321 = arith.constant 1 : i32
        %dma_start3A_322 = arith.constant 0 : i32
        %dma_start3A_323 = arith.constant 0 : i32
        %dma_start3A_324 = tpu.memref_slice %arg8[%dma_start3A_321, %dma_start3A_322, %dma_start3A_323] : memref<8x128x64xf32, #tpu.memory_space<vmem>> -> memref<1x128x64xf32, #tpu.memory_space<vmem>>
        %dma_start3A_325 = tpu.memref_squeeze %dma_start3A_324 : memref<1x128x64xf32, #tpu.memory_space<vmem>> -> memref<128x64xf32, #tpu.memory_space<vmem>>
        %dma_start3A_326 = arith.constant 0 : i32
        %dma_start3A_327 = tpu.memref_slice %arg6[%add3A_177, %dma_start3A_326] : memref<80x128xi32, #tpu.memory_space<vmem>> -> memref<1x128xi32, #tpu.memory_space<vmem>>
        %dma_start3A_328 = tpu.memref_squeeze %dma_start3A_327 : memref<1x128xi32, #tpu.memory_space<vmem>> -> memref<128xi32, #tpu.memory_space<vmem>>
        %dma_start3A_329 = arith.constant 0 : i32
        %dma_start3A_330 = arith.constant 0 : i32
        %dma_start3A_331 = tpu.memref_slice %arg2[%dma_start3A_329, %dma_start3A_330] : memref<10240x64xf32, #tpu.memory_space<hbm>> -> memref<10240x64xf32, #tpu.memory_space<hbm>>
        tpu.enqueue_indirect_dma source(%dma_start3A_331 : memref<10240x64xf32, #tpu.memory_space<hbm>>) target(%dma_start3A_325 : memref<128x64xf32, #tpu.memory_space<vmem>>) offsets(%dma_start3A_328 : memref<128xi32, #tpu.memory_space<vmem>>) semaphore(%arg10 : memref<!tpu.dma_semaphore, #tpu.memory_space<semaphore_mem>>)
      } else {
      }
      %mul3A_183 = arith.constant 8 : i32
      %mul3A_184 = arith.muli %scan3A_140, %mul3A_183 : i32
      %add3A_185 = arith.constant 2 : i32
      %add3A_186 = arith.addi %mul3A_184, %add3A_185 : i32
      %dma_wait3A_187 = arith.constant 2 : i32
      %dma_wait3A_188 = arith.constant 0 : i32
      %dma_wait3A_189 = arith.constant 0 : i32
      %dma_wait3A_190 = tpu.memref_slice %arg8[%dma_wait3A_187, %dma_wait3A_188, %dma_wait3A_189] : memref<8x128x64xf32, #tpu.memory_space<vmem>> -> memref<1x128x64xf32, #tpu.memory_space<vmem>>
      %dma_wait3A_191 = tpu.memref_squeeze %dma_wait3A_190 : memref<1x128x64xf32, #tpu.memory_space<vmem>> -> memref<128x64xf32, #tpu.memory_space<vmem>>
      %dma_wait3A_192 = arith.constant 0 : i32
      %dma_wait3A_193 = tpu.memref_slice %arg6[%add3A_186, %dma_wait3A_192] : memref<80x128xi32, #tpu.memory_space<vmem>> -> memref<1x128xi32, #tpu.memory_space<vmem>>
      %dma_wait3A_194 = tpu.memref_squeeze %dma_wait3A_193 : memref<1x128xi32, #tpu.memory_space<vmem>> -> memref<128xi32, #tpu.memory_space<vmem>>
      %dma_wait3A_195 = arith.constant 0 : i32
      %dma_wait3A_196 = arith.constant 0 : i32
      %dma_wait3A_197 = tpu.memref_slice %arg2[%dma_wait3A_195, %dma_wait3A_196] : memref<10240x64xf32, #tpu.memory_space<hbm>> -> memref<10240x64xf32, #tpu.memory_space<hbm>>
      tpu.wait_indirect_dma semaphore(%arg11 : memref<!tpu.dma_semaphore, #tpu.memory_space<semaphore_mem>>) src(%dma_wait3A_197 : memref<10240x64xf32, #tpu.memory_space<hbm>>) dst(%dma_wait3A_191 : memref<128x64xf32, #tpu.memory_space<vmem>>)
      %run_scoped3A_198 = arith.constant 2 : i32
      "tpu.region"() ({
        %run_scoped3A_321 = tpu.sem_alloc : memref<!tpu.dma_semaphore, #tpu.memory_space<semaphore_mem>>
        %dma_start3A_322 = arith.constant 0 : i32
        %dma_start3A_323 = arith.constant 0 : i32
        %dma_start3A_324 = tpu.memref_slice %arg8[%run_scoped3A_198, %dma_start3A_322, %dma_start3A_323] : memref<8x128x64xf32, #tpu.memory_space<vmem>> -> memref<1x128x64xf32, #tpu.memory_space<vmem>>
        %dma_start3A_325 = tpu.memref_squeeze %dma_start3A_324 : memref<1x128x64xf32, #tpu.memory_space<vmem>> -> memref<128x64xf32, #tpu.memory_space<vmem>>
        %dma_start3A_326 = arith.constant 0 : i32
        %dma_start3A_327 = tpu.memref_slice %arg7[%add3A_186, %dma_start3A_326] : memref<80x128xi32, #tpu.memory_space<vmem>> -> memref<1x128xi32, #tpu.memory_space<vmem>>
        %dma_start3A_328 = tpu.memref_squeeze %dma_start3A_327 : memref<1x128xi32, #tpu.memory_space<vmem>> -> memref<128xi32, #tpu.memory_space<vmem>>
        %dma_start3A_329 = arith.constant 0 : i32
        %dma_start3A_330 = arith.constant 0 : i32
        %dma_start3A_331 = tpu.memref_slice %arg17[%dma_start3A_329, %dma_start3A_330] : memref<10240x64xf32, #tpu.memory_space<vmem_shared>> -> memref<10240x64xf32, #tpu.memory_space<vmem_shared>>
        tpu.enqueue_indirect_dma source(%dma_start3A_325 : memref<128x64xf32, #tpu.memory_space<vmem>>) target(%dma_start3A_331 : memref<10240x64xf32, #tpu.memory_space<vmem_shared>>) offsets(%dma_start3A_328 : memref<128xi32, #tpu.memory_space<vmem>>) semaphore(%run_scoped3A_321 : memref<!tpu.dma_semaphore, #tpu.memory_space<semaphore_mem>>) {add = true}
        %dma_wait3A_332 = arith.constant 0 : i32
        %dma_wait3A_333 = arith.constant 0 : i32
        %dma_wait3A_334 = tpu.memref_slice %arg8[%run_scoped3A_198, %dma_wait3A_332, %dma_wait3A_333] : memref<8x128x64xf32, #tpu.memory_space<vmem>> -> memref<1x128x64xf32, #tpu.memory_space<vmem>>
        %dma_wait3A_335 = tpu.memref_squeeze %dma_wait3A_334 : memref<1x128x64xf32, #tpu.memory_space<vmem>> -> memref<128x64xf32, #tpu.memory_space<vmem>>
        %dma_wait3A_336 = arith.constant 0 : i32
        %dma_wait3A_337 = tpu.memref_slice %arg7[%add3A_186, %dma_wait3A_336] : memref<80x128xi32, #tpu.memory_space<vmem>> -> memref<1x128xi32, #tpu.memory_space<vmem>>
        %dma_wait3A_338 = tpu.memref_squeeze %dma_wait3A_337 : memref<1x128xi32, #tpu.memory_space<vmem>> -> memref<128xi32, #tpu.memory_space<vmem>>
        %dma_wait3A_339 = arith.constant 0 : i32
        %dma_wait3A_340 = arith.constant 0 : i32
        %dma_wait3A_341 = tpu.memref_slice %arg17[%dma_wait3A_339, %dma_wait3A_340] : memref<10240x64xf32, #tpu.memory_space<vmem_shared>> -> memref<10240x64xf32, #tpu.memory_space<vmem_shared>>
        tpu.wait_indirect_dma semaphore(%run_scoped3A_321 : memref<!tpu.dma_semaphore, #tpu.memory_space<semaphore_mem>>) src(%dma_wait3A_335 : memref<128x64xf32, #tpu.memory_space<vmem>>) dst(%dma_wait3A_341 : memref<10240x64xf32, #tpu.memory_space<vmem_shared>>)
        tpu.yield
      }) : () -> ()
      %add3A_199 = arith.constant 8 : i32
      %add3A_200 = arith.addi %add3A_186, %add3A_199 : i32
      %lt3A_201 = arith.constant 80 : i32
      %lt3A_202 = arith.cmpi slt, %add3A_200, %lt3A_201 : i32
      %convert_element_type3A_203 = arith.extui %lt3A_202 : i1 to i32
      %cond3A_204 = arith.constant 0 : i32
      %cond3A_205 = arith.cmpi ne, %convert_element_type3A_203, %cond3A_204 : i32
      scf.if %cond3A_205 {
        %dma_start3A_321 = arith.constant 2 : i32
        %dma_start3A_322 = arith.constant 0 : i32
        %dma_start3A_323 = arith.constant 0 : i32
        %dma_start3A_324 = tpu.memref_slice %arg8[%dma_start3A_321, %dma_start3A_322, %dma_start3A_323] : memref<8x128x64xf32, #tpu.memory_space<vmem>> -> memref<1x128x64xf32, #tpu.memory_space<vmem>>
        %dma_start3A_325 = tpu.memref_squeeze %dma_start3A_324 : memref<1x128x64xf32, #tpu.memory_space<vmem>> -> memref<128x64xf32, #tpu.memory_space<vmem>>
        %dma_start3A_326 = arith.constant 0 : i32
        %dma_start3A_327 = tpu.memref_slice %arg6[%add3A_200, %dma_start3A_326] : memref<80x128xi32, #tpu.memory_space<vmem>> -> memref<1x128xi32, #tpu.memory_space<vmem>>
        %dma_start3A_328 = tpu.memref_squeeze %dma_start3A_327 : memref<1x128xi32, #tpu.memory_space<vmem>> -> memref<128xi32, #tpu.memory_space<vmem>>
        %dma_start3A_329 = arith.constant 0 : i32
        %dma_start3A_330 = arith.constant 0 : i32
        %dma_start3A_331 = tpu.memref_slice %arg2[%dma_start3A_329, %dma_start3A_330] : memref<10240x64xf32, #tpu.memory_space<hbm>> -> memref<10240x64xf32, #tpu.memory_space<hbm>>
        tpu.enqueue_indirect_dma source(%dma_start3A_331 : memref<10240x64xf32, #tpu.memory_space<hbm>>) target(%dma_start3A_325 : memref<128x64xf32, #tpu.memory_space<vmem>>) offsets(%dma_start3A_328 : memref<128xi32, #tpu.memory_space<vmem>>) semaphore(%arg11 : memref<!tpu.dma_semaphore, #tpu.memory_space<semaphore_mem>>)
      } else {
      }
      %mul3A_206 = arith.constant 8 : i32
      %mul3A_207 = arith.muli %scan3A_140, %mul3A_206 : i32
      %add3A_208 = arith.constant 3 : i32
      %add3A_209 = arith.addi %mul3A_207, %add3A_208 : i32
      %dma_wait3A_210 = arith.constant 3 : i32
      %dma_wait3A_211 = arith.constant 0 : i32
      %dma_wait3A_212 = arith.constant 0 : i32
      %dma_wait3A_213 = tpu.memref_slice %arg8[%dma_wait3A_210, %dma_wait3A_211, %dma_wait3A_212] : memref<8x128x64xf32, #tpu.memory_space<vmem>> -> memref<1x128x64xf32, #tpu.memory_space<vmem>>
      %dma_wait3A_214 = tpu.memref_squeeze %dma_wait3A_213 : memref<1x128x64xf32, #tpu.memory_space<vmem>> -> memref<128x64xf32, #tpu.memory_space<vmem>>
      %dma_wait3A_215 = arith.constant 0 : i32
      %dma_wait3A_216 = tpu.memref_slice %arg6[%add3A_209, %dma_wait3A_215] : memref<80x128xi32, #tpu.memory_space<vmem>> -> memref<1x128xi32, #tpu.memory_space<vmem>>
      %dma_wait3A_217 = tpu.memref_squeeze %dma_wait3A_216 : memref<1x128xi32, #tpu.memory_space<vmem>> -> memref<128xi32, #tpu.memory_space<vmem>>
      %dma_wait3A_218 = arith.constant 0 : i32
      %dma_wait3A_219 = arith.constant 0 : i32
      %dma_wait3A_220 = tpu.memref_slice %arg2[%dma_wait3A_218, %dma_wait3A_219] : memref<10240x64xf32, #tpu.memory_space<hbm>> -> memref<10240x64xf32, #tpu.memory_space<hbm>>
      tpu.wait_indirect_dma semaphore(%arg12 : memref<!tpu.dma_semaphore, #tpu.memory_space<semaphore_mem>>) src(%dma_wait3A_220 : memref<10240x64xf32, #tpu.memory_space<hbm>>) dst(%dma_wait3A_214 : memref<128x64xf32, #tpu.memory_space<vmem>>)
      %run_scoped3A_221 = arith.constant 3 : i32
      "tpu.region"() ({
        %run_scoped3A_321 = tpu.sem_alloc : memref<!tpu.dma_semaphore, #tpu.memory_space<semaphore_mem>>
        %dma_start3A_322 = arith.constant 0 : i32
        %dma_start3A_323 = arith.constant 0 : i32
        %dma_start3A_324 = tpu.memref_slice %arg8[%run_scoped3A_221, %dma_start3A_322, %dma_start3A_323] : memref<8x128x64xf32, #tpu.memory_space<vmem>> -> memref<1x128x64xf32, #tpu.memory_space<vmem>>
        %dma_start3A_325 = tpu.memref_squeeze %dma_start3A_324 : memref<1x128x64xf32, #tpu.memory_space<vmem>> -> memref<128x64xf32, #tpu.memory_space<vmem>>
        %dma_start3A_326 = arith.constant 0 : i32
        %dma_start3A_327 = tpu.memref_slice %arg7[%add3A_209, %dma_start3A_326] : memref<80x128xi32, #tpu.memory_space<vmem>> -> memref<1x128xi32, #tpu.memory_space<vmem>>
        %dma_start3A_328 = tpu.memref_squeeze %dma_start3A_327 : memref<1x128xi32, #tpu.memory_space<vmem>> -> memref<128xi32, #tpu.memory_space<vmem>>
        %dma_start3A_329 = arith.constant 0 : i32
        %dma_start3A_330 = arith.constant 0 : i32
        %dma_start3A_331 = tpu.memref_slice %arg17[%dma_start3A_329, %dma_start3A_330] : memref<10240x64xf32, #tpu.memory_space<vmem_shared>> -> memref<10240x64xf32, #tpu.memory_space<vmem_shared>>
        tpu.enqueue_indirect_dma source(%dma_start3A_325 : memref<128x64xf32, #tpu.memory_space<vmem>>) target(%dma_start3A_331 : memref<10240x64xf32, #tpu.memory_space<vmem_shared>>) offsets(%dma_start3A_328 : memref<128xi32, #tpu.memory_space<vmem>>) semaphore(%run_scoped3A_321 : memref<!tpu.dma_semaphore, #tpu.memory_space<semaphore_mem>>) {add = true}
        %dma_wait3A_332 = arith.constant 0 : i32
        %dma_wait3A_333 = arith.constant 0 : i32
        %dma_wait3A_334 = tpu.memref_slice %arg8[%run_scoped3A_221, %dma_wait3A_332, %dma_wait3A_333] : memref<8x128x64xf32, #tpu.memory_space<vmem>> -> memref<1x128x64xf32, #tpu.memory_space<vmem>>
        %dma_wait3A_335 = tpu.memref_squeeze %dma_wait3A_334 : memref<1x128x64xf32, #tpu.memory_space<vmem>> -> memref<128x64xf32, #tpu.memory_space<vmem>>
        %dma_wait3A_336 = arith.constant 0 : i32
        %dma_wait3A_337 = tpu.memref_slice %arg7[%add3A_209, %dma_wait3A_336] : memref<80x128xi32, #tpu.memory_space<vmem>> -> memref<1x128xi32, #tpu.memory_space<vmem>>
        %dma_wait3A_338 = tpu.memref_squeeze %dma_wait3A_337 : memref<1x128xi32, #tpu.memory_space<vmem>> -> memref<128xi32, #tpu.memory_space<vmem>>
        %dma_wait3A_339 = arith.constant 0 : i32
        %dma_wait3A_340 = arith.constant 0 : i32
        %dma_wait3A_341 = tpu.memref_slice %arg17[%dma_wait3A_339, %dma_wait3A_340] : memref<10240x64xf32, #tpu.memory_space<vmem_shared>> -> memref<10240x64xf32, #tpu.memory_space<vmem_shared>>
        tpu.wait_indirect_dma semaphore(%run_scoped3A_321 : memref<!tpu.dma_semaphore, #tpu.memory_space<semaphore_mem>>) src(%dma_wait3A_335 : memref<128x64xf32, #tpu.memory_space<vmem>>) dst(%dma_wait3A_341 : memref<10240x64xf32, #tpu.memory_space<vmem_shared>>)
        tpu.yield
      }) : () -> ()
      %add3A_222 = arith.constant 8 : i32
      %add3A_223 = arith.addi %add3A_209, %add3A_222 : i32
      %lt3A_224 = arith.constant 80 : i32
      %lt3A_225 = arith.cmpi slt, %add3A_223, %lt3A_224 : i32
      %convert_element_type3A_226 = arith.extui %lt3A_225 : i1 to i32
      %cond3A_227 = arith.constant 0 : i32
      %cond3A_228 = arith.cmpi ne, %convert_element_type3A_226, %cond3A_227 : i32
      scf.if %cond3A_228 {
        %dma_start3A_321 = arith.constant 3 : i32
        %dma_start3A_322 = arith.constant 0 : i32
        %dma_start3A_323 = arith.constant 0 : i32
        %dma_start3A_324 = tpu.memref_slice %arg8[%dma_start3A_321, %dma_start3A_322, %dma_start3A_323] : memref<8x128x64xf32, #tpu.memory_space<vmem>> -> memref<1x128x64xf32, #tpu.memory_space<vmem>>
        %dma_start3A_325 = tpu.memref_squeeze %dma_start3A_324 : memref<1x128x64xf32, #tpu.memory_space<vmem>> -> memref<128x64xf32, #tpu.memory_space<vmem>>
        %dma_start3A_326 = arith.constant 0 : i32
        %dma_start3A_327 = tpu.memref_slice %arg6[%add3A_223, %dma_start3A_326] : memref<80x128xi32, #tpu.memory_space<vmem>> -> memref<1x128xi32, #tpu.memory_space<vmem>>
        %dma_start3A_328 = tpu.memref_squeeze %dma_start3A_327 : memref<1x128xi32, #tpu.memory_space<vmem>> -> memref<128xi32, #tpu.memory_space<vmem>>
        %dma_start3A_329 = arith.constant 0 : i32
        %dma_start3A_330 = arith.constant 0 : i32
        %dma_start3A_331 = tpu.memref_slice %arg2[%dma_start3A_329, %dma_start3A_330] : memref<10240x64xf32, #tpu.memory_space<hbm>> -> memref<10240x64xf32, #tpu.memory_space<hbm>>
        tpu.enqueue_indirect_dma source(%dma_start3A_331 : memref<10240x64xf32, #tpu.memory_space<hbm>>) target(%dma_start3A_325 : memref<128x64xf32, #tpu.memory_space<vmem>>) offsets(%dma_start3A_328 : memref<128xi32, #tpu.memory_space<vmem>>) semaphore(%arg12 : memref<!tpu.dma_semaphore, #tpu.memory_space<semaphore_mem>>)
      } else {
      }
      %mul3A_229 = arith.constant 8 : i32
      %mul3A_230 = arith.muli %scan3A_140, %mul3A_229 : i32
      %add3A_231 = arith.constant 4 : i32
      %add3A_232 = arith.addi %mul3A_230, %add3A_231 : i32
      %dma_wait3A_233 = arith.constant 4 : i32
      %dma_wait3A_234 = arith.constant 0 : i32
      %dma_wait3A_235 = arith.constant 0 : i32
      %dma_wait3A_236 = tpu.memref_slice %arg8[%dma_wait3A_233, %dma_wait3A_234, %dma_wait3A_235] : memref<8x128x64xf32, #tpu.memory_space<vmem>> -> memref<1x128x64xf32, #tpu.memory_space<vmem>>
      %dma_wait3A_237 = tpu.memref_squeeze %dma_wait3A_236 : memref<1x128x64xf32, #tpu.memory_space<vmem>> -> memref<128x64xf32, #tpu.memory_space<vmem>>
      %dma_wait3A_238 = arith.constant 0 : i32
      %dma_wait3A_239 = tpu.memref_slice %arg6[%add3A_232, %dma_wait3A_238] : memref<80x128xi32, #tpu.memory_space<vmem>> -> memref<1x128xi32, #tpu.memory_space<vmem>>
      %dma_wait3A_240 = tpu.memref_squeeze %dma_wait3A_239 : memref<1x128xi32, #tpu.memory_space<vmem>> -> memref<128xi32, #tpu.memory_space<vmem>>
      %dma_wait3A_241 = arith.constant 0 : i32
      %dma_wait3A_242 = arith.constant 0 : i32
      %dma_wait3A_243 = tpu.memref_slice %arg2[%dma_wait3A_241, %dma_wait3A_242] : memref<10240x64xf32, #tpu.memory_space<hbm>> -> memref<10240x64xf32, #tpu.memory_space<hbm>>
      tpu.wait_indirect_dma semaphore(%arg13 : memref<!tpu.dma_semaphore, #tpu.memory_space<semaphore_mem>>) src(%dma_wait3A_243 : memref<10240x64xf32, #tpu.memory_space<hbm>>) dst(%dma_wait3A_237 : memref<128x64xf32, #tpu.memory_space<vmem>>)
      %run_scoped3A_244 = arith.constant 4 : i32
      "tpu.region"() ({
        %run_scoped3A_321 = tpu.sem_alloc : memref<!tpu.dma_semaphore, #tpu.memory_space<semaphore_mem>>
        %dma_start3A_322 = arith.constant 0 : i32
        %dma_start3A_323 = arith.constant 0 : i32
        %dma_start3A_324 = tpu.memref_slice %arg8[%run_scoped3A_244, %dma_start3A_322, %dma_start3A_323] : memref<8x128x64xf32, #tpu.memory_space<vmem>> -> memref<1x128x64xf32, #tpu.memory_space<vmem>>
        %dma_start3A_325 = tpu.memref_squeeze %dma_start3A_324 : memref<1x128x64xf32, #tpu.memory_space<vmem>> -> memref<128x64xf32, #tpu.memory_space<vmem>>
        %dma_start3A_326 = arith.constant 0 : i32
        %dma_start3A_327 = tpu.memref_slice %arg7[%add3A_232, %dma_start3A_326] : memref<80x128xi32, #tpu.memory_space<vmem>> -> memref<1x128xi32, #tpu.memory_space<vmem>>
        %dma_start3A_328 = tpu.memref_squeeze %dma_start3A_327 : memref<1x128xi32, #tpu.memory_space<vmem>> -> memref<128xi32, #tpu.memory_space<vmem>>
        %dma_start3A_329 = arith.constant 0 : i32
        %dma_start3A_330 = arith.constant 0 : i32
        %dma_start3A_331 = tpu.memref_slice %arg17[%dma_start3A_329, %dma_start3A_330] : memref<10240x64xf32, #tpu.memory_space<vmem_shared>> -> memref<10240x64xf32, #tpu.memory_space<vmem_shared>>
        tpu.enqueue_indirect_dma source(%dma_start3A_325 : memref<128x64xf32, #tpu.memory_space<vmem>>) target(%dma_start3A_331 : memref<10240x64xf32, #tpu.memory_space<vmem_shared>>) offsets(%dma_start3A_328 : memref<128xi32, #tpu.memory_space<vmem>>) semaphore(%run_scoped3A_321 : memref<!tpu.dma_semaphore, #tpu.memory_space<semaphore_mem>>) {add = true}
        %dma_wait3A_332 = arith.constant 0 : i32
        %dma_wait3A_333 = arith.constant 0 : i32
        %dma_wait3A_334 = tpu.memref_slice %arg8[%run_scoped3A_244, %dma_wait3A_332, %dma_wait3A_333] : memref<8x128x64xf32, #tpu.memory_space<vmem>> -> memref<1x128x64xf32, #tpu.memory_space<vmem>>
        %dma_wait3A_335 = tpu.memref_squeeze %dma_wait3A_334 : memref<1x128x64xf32, #tpu.memory_space<vmem>> -> memref<128x64xf32, #tpu.memory_space<vmem>>
        %dma_wait3A_336 = arith.constant 0 : i32
        %dma_wait3A_337 = tpu.memref_slice %arg7[%add3A_232, %dma_wait3A_336] : memref<80x128xi32, #tpu.memory_space<vmem>> -> memref<1x128xi32, #tpu.memory_space<vmem>>
        %dma_wait3A_338 = tpu.memref_squeeze %dma_wait3A_337 : memref<1x128xi32, #tpu.memory_space<vmem>> -> memref<128xi32, #tpu.memory_space<vmem>>
        %dma_wait3A_339 = arith.constant 0 : i32
        %dma_wait3A_340 = arith.constant 0 : i32
        %dma_wait3A_341 = tpu.memref_slice %arg17[%dma_wait3A_339, %dma_wait3A_340] : memref<10240x64xf32, #tpu.memory_space<vmem_shared>> -> memref<10240x64xf32, #tpu.memory_space<vmem_shared>>
        tpu.wait_indirect_dma semaphore(%run_scoped3A_321 : memref<!tpu.dma_semaphore, #tpu.memory_space<semaphore_mem>>) src(%dma_wait3A_335 : memref<128x64xf32, #tpu.memory_space<vmem>>) dst(%dma_wait3A_341 : memref<10240x64xf32, #tpu.memory_space<vmem_shared>>)
        tpu.yield
      }) : () -> ()
      %add3A_245 = arith.constant 8 : i32
      %add3A_246 = arith.addi %add3A_232, %add3A_245 : i32
      %lt3A_247 = arith.constant 80 : i32
      %lt3A_248 = arith.cmpi slt, %add3A_246, %lt3A_247 : i32
      %convert_element_type3A_249 = arith.extui %lt3A_248 : i1 to i32
      %cond3A_250 = arith.constant 0 : i32
      %cond3A_251 = arith.cmpi ne, %convert_element_type3A_249, %cond3A_250 : i32
      scf.if %cond3A_251 {
        %dma_start3A_321 = arith.constant 4 : i32
        %dma_start3A_322 = arith.constant 0 : i32
        %dma_start3A_323 = arith.constant 0 : i32
        %dma_start3A_324 = tpu.memref_slice %arg8[%dma_start3A_321, %dma_start3A_322, %dma_start3A_323] : memref<8x128x64xf32, #tpu.memory_space<vmem>> -> memref<1x128x64xf32, #tpu.memory_space<vmem>>
        %dma_start3A_325 = tpu.memref_squeeze %dma_start3A_324 : memref<1x128x64xf32, #tpu.memory_space<vmem>> -> memref<128x64xf32, #tpu.memory_space<vmem>>
        %dma_start3A_326 = arith.constant 0 : i32
        %dma_start3A_327 = tpu.memref_slice %arg6[%add3A_246, %dma_start3A_326] : memref<80x128xi32, #tpu.memory_space<vmem>> -> memref<1x128xi32, #tpu.memory_space<vmem>>
        %dma_start3A_328 = tpu.memref_squeeze %dma_start3A_327 : memref<1x128xi32, #tpu.memory_space<vmem>> -> memref<128xi32, #tpu.memory_space<vmem>>
        %dma_start3A_329 = arith.constant 0 : i32
        %dma_start3A_330 = arith.constant 0 : i32
        %dma_start3A_331 = tpu.memref_slice %arg2[%dma_start3A_329, %dma_start3A_330] : memref<10240x64xf32, #tpu.memory_space<hbm>> -> memref<10240x64xf32, #tpu.memory_space<hbm>>
        tpu.enqueue_indirect_dma source(%dma_start3A_331 : memref<10240x64xf32, #tpu.memory_space<hbm>>) target(%dma_start3A_325 : memref<128x64xf32, #tpu.memory_space<vmem>>) offsets(%dma_start3A_328 : memref<128xi32, #tpu.memory_space<vmem>>) semaphore(%arg13 : memref<!tpu.dma_semaphore, #tpu.memory_space<semaphore_mem>>)
      } else {
      }
      %mul3A_252 = arith.constant 8 : i32
      %mul3A_253 = arith.muli %scan3A_140, %mul3A_252 : i32
      %add3A_254 = arith.constant 5 : i32
      %add3A_255 = arith.addi %mul3A_253, %add3A_254 : i32
      %dma_wait3A_256 = arith.constant 5 : i32
      %dma_wait3A_257 = arith.constant 0 : i32
      %dma_wait3A_258 = arith.constant 0 : i32
      %dma_wait3A_259 = tpu.memref_slice %arg8[%dma_wait3A_256, %dma_wait3A_257, %dma_wait3A_258] : memref<8x128x64xf32, #tpu.memory_space<vmem>> -> memref<1x128x64xf32, #tpu.memory_space<vmem>>
      %dma_wait3A_260 = tpu.memref_squeeze %dma_wait3A_259 : memref<1x128x64xf32, #tpu.memory_space<vmem>> -> memref<128x64xf32, #tpu.memory_space<vmem>>
      %dma_wait3A_261 = arith.constant 0 : i32
      %dma_wait3A_262 = tpu.memref_slice %arg6[%add3A_255, %dma_wait3A_261] : memref<80x128xi32, #tpu.memory_space<vmem>> -> memref<1x128xi32, #tpu.memory_space<vmem>>
      %dma_wait3A_263 = tpu.memref_squeeze %dma_wait3A_262 : memref<1x128xi32, #tpu.memory_space<vmem>> -> memref<128xi32, #tpu.memory_space<vmem>>
      %dma_wait3A_264 = arith.constant 0 : i32
      %dma_wait3A_265 = arith.constant 0 : i32
      %dma_wait3A_266 = tpu.memref_slice %arg2[%dma_wait3A_264, %dma_wait3A_265] : memref<10240x64xf32, #tpu.memory_space<hbm>> -> memref<10240x64xf32, #tpu.memory_space<hbm>>
      tpu.wait_indirect_dma semaphore(%arg14 : memref<!tpu.dma_semaphore, #tpu.memory_space<semaphore_mem>>) src(%dma_wait3A_266 : memref<10240x64xf32, #tpu.memory_space<hbm>>) dst(%dma_wait3A_260 : memref<128x64xf32, #tpu.memory_space<vmem>>)
      %run_scoped3A_267 = arith.constant 5 : i32
      "tpu.region"() ({
        %run_scoped3A_321 = tpu.sem_alloc : memref<!tpu.dma_semaphore, #tpu.memory_space<semaphore_mem>>
        %dma_start3A_322 = arith.constant 0 : i32
        %dma_start3A_323 = arith.constant 0 : i32
        %dma_start3A_324 = tpu.memref_slice %arg8[%run_scoped3A_267, %dma_start3A_322, %dma_start3A_323] : memref<8x128x64xf32, #tpu.memory_space<vmem>> -> memref<1x128x64xf32, #tpu.memory_space<vmem>>
        %dma_start3A_325 = tpu.memref_squeeze %dma_start3A_324 : memref<1x128x64xf32, #tpu.memory_space<vmem>> -> memref<128x64xf32, #tpu.memory_space<vmem>>
        %dma_start3A_326 = arith.constant 0 : i32
        %dma_start3A_327 = tpu.memref_slice %arg7[%add3A_255, %dma_start3A_326] : memref<80x128xi32, #tpu.memory_space<vmem>> -> memref<1x128xi32, #tpu.memory_space<vmem>>
        %dma_start3A_328 = tpu.memref_squeeze %dma_start3A_327 : memref<1x128xi32, #tpu.memory_space<vmem>> -> memref<128xi32, #tpu.memory_space<vmem>>
        %dma_start3A_329 = arith.constant 0 : i32
        %dma_start3A_330 = arith.constant 0 : i32
        %dma_start3A_331 = tpu.memref_slice %arg17[%dma_start3A_329, %dma_start3A_330] : memref<10240x64xf32, #tpu.memory_space<vmem_shared>> -> memref<10240x64xf32, #tpu.memory_space<vmem_shared>>
        tpu.enqueue_indirect_dma source(%dma_start3A_325 : memref<128x64xf32, #tpu.memory_space<vmem>>) target(%dma_start3A_331 : memref<10240x64xf32, #tpu.memory_space<vmem_shared>>) offsets(%dma_start3A_328 : memref<128xi32, #tpu.memory_space<vmem>>) semaphore(%run_scoped3A_321 : memref<!tpu.dma_semaphore, #tpu.memory_space<semaphore_mem>>) {add = true}
        %dma_wait3A_332 = arith.constant 0 : i32
        %dma_wait3A_333 = arith.constant 0 : i32
        %dma_wait3A_334 = tpu.memref_slice %arg8[%run_scoped3A_267, %dma_wait3A_332, %dma_wait3A_333] : memref<8x128x64xf32, #tpu.memory_space<vmem>> -> memref<1x128x64xf32, #tpu.memory_space<vmem>>
        %dma_wait3A_335 = tpu.memref_squeeze %dma_wait3A_334 : memref<1x128x64xf32, #tpu.memory_space<vmem>> -> memref<128x64xf32, #tpu.memory_space<vmem>>
        %dma_wait3A_336 = arith.constant 0 : i32
        %dma_wait3A_337 = tpu.memref_slice %arg7[%add3A_255, %dma_wait3A_336] : memref<80x128xi32, #tpu.memory_space<vmem>> -> memref<1x128xi32, #tpu.memory_space<vmem>>
        %dma_wait3A_338 = tpu.memref_squeeze %dma_wait3A_337 : memref<1x128xi32, #tpu.memory_space<vmem>> -> memref<128xi32, #tpu.memory_space<vmem>>
        %dma_wait3A_339 = arith.constant 0 : i32
        %dma_wait3A_340 = arith.constant 0 : i32
        %dma_wait3A_341 = tpu.memref_slice %arg17[%dma_wait3A_339, %dma_wait3A_340] : memref<10240x64xf32, #tpu.memory_space<vmem_shared>> -> memref<10240x64xf32, #tpu.memory_space<vmem_shared>>
        tpu.wait_indirect_dma semaphore(%run_scoped3A_321 : memref<!tpu.dma_semaphore, #tpu.memory_space<semaphore_mem>>) src(%dma_wait3A_335 : memref<128x64xf32, #tpu.memory_space<vmem>>) dst(%dma_wait3A_341 : memref<10240x64xf32, #tpu.memory_space<vmem_shared>>)
        tpu.yield
      }) : () -> ()
      %add3A_268 = arith.constant 8 : i32
      %add3A_269 = arith.addi %add3A_255, %add3A_268 : i32
      %lt3A_270 = arith.constant 80 : i32
      %lt3A_271 = arith.cmpi slt, %add3A_269, %lt3A_270 : i32
      %convert_element_type3A_272 = arith.extui %lt3A_271 : i1 to i32
      %cond3A_273 = arith.constant 0 : i32
      %cond3A_274 = arith.cmpi ne, %convert_element_type3A_272, %cond3A_273 : i32
      scf.if %cond3A_274 {
        %dma_start3A_321 = arith.constant 5 : i32
        %dma_start3A_322 = arith.constant 0 : i32
        %dma_start3A_323 = arith.constant 0 : i32
        %dma_start3A_324 = tpu.memref_slice %arg8[%dma_start3A_321, %dma_start3A_322, %dma_start3A_323] : memref<8x128x64xf32, #tpu.memory_space<vmem>> -> memref<1x128x64xf32, #tpu.memory_space<vmem>>
        %dma_start3A_325 = tpu.memref_squeeze %dma_start3A_324 : memref<1x128x64xf32, #tpu.memory_space<vmem>> -> memref<128x64xf32, #tpu.memory_space<vmem>>
        %dma_start3A_326 = arith.constant 0 : i32
        %dma_start3A_327 = tpu.memref_slice %arg6[%add3A_269, %dma_start3A_326] : memref<80x128xi32, #tpu.memory_space<vmem>> -> memref<1x128xi32, #tpu.memory_space<vmem>>
        %dma_start3A_328 = tpu.memref_squeeze %dma_start3A_327 : memref<1x128xi32, #tpu.memory_space<vmem>> -> memref<128xi32, #tpu.memory_space<vmem>>
        %dma_start3A_329 = arith.constant 0 : i32
        %dma_start3A_330 = arith.constant 0 : i32
        %dma_start3A_331 = tpu.memref_slice %arg2[%dma_start3A_329, %dma_start3A_330] : memref<10240x64xf32, #tpu.memory_space<hbm>> -> memref<10240x64xf32, #tpu.memory_space<hbm>>
        tpu.enqueue_indirect_dma source(%dma_start3A_331 : memref<10240x64xf32, #tpu.memory_space<hbm>>) target(%dma_start3A_325 : memref<128x64xf32, #tpu.memory_space<vmem>>) offsets(%dma_start3A_328 : memref<128xi32, #tpu.memory_space<vmem>>) semaphore(%arg14 : memref<!tpu.dma_semaphore, #tpu.memory_space<semaphore_mem>>)
      } else {
      }
      %mul3A_275 = arith.constant 8 : i32
      %mul3A_276 = arith.muli %scan3A_140, %mul3A_275 : i32
      %add3A_277 = arith.constant 6 : i32
      %add3A_278 = arith.addi %mul3A_276, %add3A_277 : i32
      %dma_wait3A_279 = arith.constant 6 : i32
      %dma_wait3A_280 = arith.constant 0 : i32
      %dma_wait3A_281 = arith.constant 0 : i32
      %dma_wait3A_282 = tpu.memref_slice %arg8[%dma_wait3A_279, %dma_wait3A_280, %dma_wait3A_281] : memref<8x128x64xf32, #tpu.memory_space<vmem>> -> memref<1x128x64xf32, #tpu.memory_space<vmem>>
      %dma_wait3A_283 = tpu.memref_squeeze %dma_wait3A_282 : memref<1x128x64xf32, #tpu.memory_space<vmem>> -> memref<128x64xf32, #tpu.memory_space<vmem>>
      %dma_wait3A_284 = arith.constant 0 : i32
      %dma_wait3A_285 = tpu.memref_slice %arg6[%add3A_278, %dma_wait3A_284] : memref<80x128xi32, #tpu.memory_space<vmem>> -> memref<1x128xi32, #tpu.memory_space<vmem>>
      %dma_wait3A_286 = tpu.memref_squeeze %dma_wait3A_285 : memref<1x128xi32, #tpu.memory_space<vmem>> -> memref<128xi32, #tpu.memory_space<vmem>>
      %dma_wait3A_287 = arith.constant 0 : i32
      %dma_wait3A_288 = arith.constant 0 : i32
      %dma_wait3A_289 = tpu.memref_slice %arg2[%dma_wait3A_287, %dma_wait3A_288] : memref<10240x64xf32, #tpu.memory_space<hbm>> -> memref<10240x64xf32, #tpu.memory_space<hbm>>
      tpu.wait_indirect_dma semaphore(%arg15 : memref<!tpu.dma_semaphore, #tpu.memory_space<semaphore_mem>>) src(%dma_wait3A_289 : memref<10240x64xf32, #tpu.memory_space<hbm>>) dst(%dma_wait3A_283 : memref<128x64xf32, #tpu.memory_space<vmem>>)
      %run_scoped3A_290 = arith.constant 6 : i32
      "tpu.region"() ({
        %run_scoped3A_321 = tpu.sem_alloc : memref<!tpu.dma_semaphore, #tpu.memory_space<semaphore_mem>>
        %dma_start3A_322 = arith.constant 0 : i32
        %dma_start3A_323 = arith.constant 0 : i32
        %dma_start3A_324 = tpu.memref_slice %arg8[%run_scoped3A_290, %dma_start3A_322, %dma_start3A_323] : memref<8x128x64xf32, #tpu.memory_space<vmem>> -> memref<1x128x64xf32, #tpu.memory_space<vmem>>
        %dma_start3A_325 = tpu.memref_squeeze %dma_start3A_324 : memref<1x128x64xf32, #tpu.memory_space<vmem>> -> memref<128x64xf32, #tpu.memory_space<vmem>>
        %dma_start3A_326 = arith.constant 0 : i32
        %dma_start3A_327 = tpu.memref_slice %arg7[%add3A_278, %dma_start3A_326] : memref<80x128xi32, #tpu.memory_space<vmem>> -> memref<1x128xi32, #tpu.memory_space<vmem>>
        %dma_start3A_328 = tpu.memref_squeeze %dma_start3A_327 : memref<1x128xi32, #tpu.memory_space<vmem>> -> memref<128xi32, #tpu.memory_space<vmem>>
        %dma_start3A_329 = arith.constant 0 : i32
        %dma_start3A_330 = arith.constant 0 : i32
        %dma_start3A_331 = tpu.memref_slice %arg17[%dma_start3A_329, %dma_start3A_330] : memref<10240x64xf32, #tpu.memory_space<vmem_shared>> -> memref<10240x64xf32, #tpu.memory_space<vmem_shared>>
        tpu.enqueue_indirect_dma source(%dma_start3A_325 : memref<128x64xf32, #tpu.memory_space<vmem>>) target(%dma_start3A_331 : memref<10240x64xf32, #tpu.memory_space<vmem_shared>>) offsets(%dma_start3A_328 : memref<128xi32, #tpu.memory_space<vmem>>) semaphore(%run_scoped3A_321 : memref<!tpu.dma_semaphore, #tpu.memory_space<semaphore_mem>>) {add = true}
        %dma_wait3A_332 = arith.constant 0 : i32
        %dma_wait3A_333 = arith.constant 0 : i32
        %dma_wait3A_334 = tpu.memref_slice %arg8[%run_scoped3A_290, %dma_wait3A_332, %dma_wait3A_333] : memref<8x128x64xf32, #tpu.memory_space<vmem>> -> memref<1x128x64xf32, #tpu.memory_space<vmem>>
        %dma_wait3A_335 = tpu.memref_squeeze %dma_wait3A_334 : memref<1x128x64xf32, #tpu.memory_space<vmem>> -> memref<128x64xf32, #tpu.memory_space<vmem>>
        %dma_wait3A_336 = arith.constant 0 : i32
        %dma_wait3A_337 = tpu.memref_slice %arg7[%add3A_278, %dma_wait3A_336] : memref<80x128xi32, #tpu.memory_space<vmem>> -> memref<1x128xi32, #tpu.memory_space<vmem>>
        %dma_wait3A_338 = tpu.memref_squeeze %dma_wait3A_337 : memref<1x128xi32, #tpu.memory_space<vmem>> -> memref<128xi32, #tpu.memory_space<vmem>>
        %dma_wait3A_339 = arith.constant 0 : i32
        %dma_wait3A_340 = arith.constant 0 : i32
        %dma_wait3A_341 = tpu.memref_slice %arg17[%dma_wait3A_339, %dma_wait3A_340] : memref<10240x64xf32, #tpu.memory_space<vmem_shared>> -> memref<10240x64xf32, #tpu.memory_space<vmem_shared>>
        tpu.wait_indirect_dma semaphore(%run_scoped3A_321 : memref<!tpu.dma_semaphore, #tpu.memory_space<semaphore_mem>>) src(%dma_wait3A_335 : memref<128x64xf32, #tpu.memory_space<vmem>>) dst(%dma_wait3A_341 : memref<10240x64xf32, #tpu.memory_space<vmem_shared>>)
        tpu.yield
      }) : () -> ()
      %add3A_291 = arith.constant 8 : i32
      %add3A_292 = arith.addi %add3A_278, %add3A_291 : i32
      %lt3A_293 = arith.constant 80 : i32
      %lt3A_294 = arith.cmpi slt, %add3A_292, %lt3A_293 : i32
      %convert_element_type3A_295 = arith.extui %lt3A_294 : i1 to i32
      %cond3A_296 = arith.constant 0 : i32
      %cond3A_297 = arith.cmpi ne, %convert_element_type3A_295, %cond3A_296 : i32
      scf.if %cond3A_297 {
        %dma_start3A_321 = arith.constant 6 : i32
        %dma_start3A_322 = arith.constant 0 : i32
        %dma_start3A_323 = arith.constant 0 : i32
        %dma_start3A_324 = tpu.memref_slice %arg8[%dma_start3A_321, %dma_start3A_322, %dma_start3A_323] : memref<8x128x64xf32, #tpu.memory_space<vmem>> -> memref<1x128x64xf32, #tpu.memory_space<vmem>>
        %dma_start3A_325 = tpu.memref_squeeze %dma_start3A_324 : memref<1x128x64xf32, #tpu.memory_space<vmem>> -> memref<128x64xf32, #tpu.memory_space<vmem>>
        %dma_start3A_326 = arith.constant 0 : i32
        %dma_start3A_327 = tpu.memref_slice %arg6[%add3A_292, %dma_start3A_326] : memref<80x128xi32, #tpu.memory_space<vmem>> -> memref<1x128xi32, #tpu.memory_space<vmem>>
        %dma_start3A_328 = tpu.memref_squeeze %dma_start3A_327 : memref<1x128xi32, #tpu.memory_space<vmem>> -> memref<128xi32, #tpu.memory_space<vmem>>
        %dma_start3A_329 = arith.constant 0 : i32
        %dma_start3A_330 = arith.constant 0 : i32
        %dma_start3A_331 = tpu.memref_slice %arg2[%dma_start3A_329, %dma_start3A_330] : memref<10240x64xf32, #tpu.memory_space<hbm>> -> memref<10240x64xf32, #tpu.memory_space<hbm>>
        tpu.enqueue_indirect_dma source(%dma_start3A_331 : memref<10240x64xf32, #tpu.memory_space<hbm>>) target(%dma_start3A_325 : memref<128x64xf32, #tpu.memory_space<vmem>>) offsets(%dma_start3A_328 : memref<128xi32, #tpu.memory_space<vmem>>) semaphore(%arg15 : memref<!tpu.dma_semaphore, #tpu.memory_space<semaphore_mem>>)
      } else {
      }
      %mul3A_298 = arith.constant 8 : i32
      %mul3A_299 = arith.muli %scan3A_140, %mul3A_298 : i32
      %add3A_300 = arith.constant 7 : i32
      %add3A_301 = arith.addi %mul3A_299, %add3A_300 : i32
      %dma_wait3A_302 = arith.constant 7 : i32
      %dma_wait3A_303 = arith.constant 0 : i32
      %dma_wait3A_304 = arith.constant 0 : i32
      %dma_wait3A_305 = tpu.memref_slice %arg8[%dma_wait3A_302, %dma_wait3A_303, %dma_wait3A_304] : memref<8x128x64xf32, #tpu.memory_space<vmem>> -> memref<1x128x64xf32, #tpu.memory_space<vmem>>
      %dma_wait3A_306 = tpu.memref_squeeze %dma_wait3A_305 : memref<1x128x64xf32, #tpu.memory_space<vmem>> -> memref<128x64xf32, #tpu.memory_space<vmem>>
      %dma_wait3A_307 = arith.constant 0 : i32
      %dma_wait3A_308 = tpu.memref_slice %arg6[%add3A_301, %dma_wait3A_307] : memref<80x128xi32, #tpu.memory_space<vmem>> -> memref<1x128xi32, #tpu.memory_space<vmem>>
      %dma_wait3A_309 = tpu.memref_squeeze %dma_wait3A_308 : memref<1x128xi32, #tpu.memory_space<vmem>> -> memref<128xi32, #tpu.memory_space<vmem>>
      %dma_wait3A_310 = arith.constant 0 : i32
      %dma_wait3A_311 = arith.constant 0 : i32
      %dma_wait3A_312 = tpu.memref_slice %arg2[%dma_wait3A_310, %dma_wait3A_311] : memref<10240x64xf32, #tpu.memory_space<hbm>> -> memref<10240x64xf32, #tpu.memory_space<hbm>>
      tpu.wait_indirect_dma semaphore(%arg16 : memref<!tpu.dma_semaphore, #tpu.memory_space<semaphore_mem>>) src(%dma_wait3A_312 : memref<10240x64xf32, #tpu.memory_space<hbm>>) dst(%dma_wait3A_306 : memref<128x64xf32, #tpu.memory_space<vmem>>)
      %run_scoped3A_313 = arith.constant 7 : i32
      "tpu.region"() ({
        %run_scoped3A_321 = tpu.sem_alloc : memref<!tpu.dma_semaphore, #tpu.memory_space<semaphore_mem>>
        %dma_start3A_322 = arith.constant 0 : i32
        %dma_start3A_323 = arith.constant 0 : i32
        %dma_start3A_324 = tpu.memref_slice %arg8[%run_scoped3A_313, %dma_start3A_322, %dma_start3A_323] : memref<8x128x64xf32, #tpu.memory_space<vmem>> -> memref<1x128x64xf32, #tpu.memory_space<vmem>>
        %dma_start3A_325 = tpu.memref_squeeze %dma_start3A_324 : memref<1x128x64xf32, #tpu.memory_space<vmem>> -> memref<128x64xf32, #tpu.memory_space<vmem>>
        %dma_start3A_326 = arith.constant 0 : i32
        %dma_start3A_327 = tpu.memref_slice %arg7[%add3A_301, %dma_start3A_326] : memref<80x128xi32, #tpu.memory_space<vmem>> -> memref<1x128xi32, #tpu.memory_space<vmem>>
        %dma_start3A_328 = tpu.memref_squeeze %dma_start3A_327 : memref<1x128xi32, #tpu.memory_space<vmem>> -> memref<128xi32, #tpu.memory_space<vmem>>
        %dma_start3A_329 = arith.constant 0 : i32
        %dma_start3A_330 = arith.constant 0 : i32
        %dma_start3A_331 = tpu.memref_slice %arg17[%dma_start3A_329, %dma_start3A_330] : memref<10240x64xf32, #tpu.memory_space<vmem_shared>> -> memref<10240x64xf32, #tpu.memory_space<vmem_shared>>
        tpu.enqueue_indirect_dma source(%dma_start3A_325 : memref<128x64xf32, #tpu.memory_space<vmem>>) target(%dma_start3A_331 : memref<10240x64xf32, #tpu.memory_space<vmem_shared>>) offsets(%dma_start3A_328 : memref<128xi32, #tpu.memory_space<vmem>>) semaphore(%run_scoped3A_321 : memref<!tpu.dma_semaphore, #tpu.memory_space<semaphore_mem>>) {add = true}
        %dma_wait3A_332 = arith.constant 0 : i32
        %dma_wait3A_333 = arith.constant 0 : i32
        %dma_wait3A_334 = tpu.memref_slice %arg8[%run_scoped3A_313, %dma_wait3A_332, %dma_wait3A_333] : memref<8x128x64xf32, #tpu.memory_space<vmem>> -> memref<1x128x64xf32, #tpu.memory_space<vmem>>
        %dma_wait3A_335 = tpu.memref_squeeze %dma_wait3A_334 : memref<1x128x64xf32, #tpu.memory_space<vmem>> -> memref<128x64xf32, #tpu.memory_space<vmem>>
        %dma_wait3A_336 = arith.constant 0 : i32
        %dma_wait3A_337 = tpu.memref_slice %arg7[%add3A_301, %dma_wait3A_336] : memref<80x128xi32, #tpu.memory_space<vmem>> -> memref<1x128xi32, #tpu.memory_space<vmem>>
        %dma_wait3A_338 = tpu.memref_squeeze %dma_wait3A_337 : memref<1x128xi32, #tpu.memory_space<vmem>> -> memref<128xi32, #tpu.memory_space<vmem>>
        %dma_wait3A_339 = arith.constant 0 : i32
        %dma_wait3A_340 = arith.constant 0 : i32
        %dma_wait3A_341 = tpu.memref_slice %arg17[%dma_wait3A_339, %dma_wait3A_340] : memref<10240x64xf32, #tpu.memory_space<vmem_shared>> -> memref<10240x64xf32, #tpu.memory_space<vmem_shared>>
        tpu.wait_indirect_dma semaphore(%run_scoped3A_321 : memref<!tpu.dma_semaphore, #tpu.memory_space<semaphore_mem>>) src(%dma_wait3A_335 : memref<128x64xf32, #tpu.memory_space<vmem>>) dst(%dma_wait3A_341 : memref<10240x64xf32, #tpu.memory_space<vmem_shared>>)
        tpu.yield
      }) : () -> ()
      %add3A_314 = arith.constant 8 : i32
      %add3A_315 = arith.addi %add3A_301, %add3A_314 : i32
      %lt3A_316 = arith.constant 80 : i32
      %lt3A_317 = arith.cmpi slt, %add3A_315, %lt3A_316 : i32
      %convert_element_type3A_318 = arith.extui %lt3A_317 : i1 to i32
      %cond3A_319 = arith.constant 0 : i32
      %cond3A_320 = arith.cmpi ne, %convert_element_type3A_318, %cond3A_319 : i32
      scf.if %cond3A_320 {
        %dma_start3A_321 = arith.constant 7 : i32
        %dma_start3A_322 = arith.constant 0 : i32
        %dma_start3A_323 = arith.constant 0 : i32
        %dma_start3A_324 = tpu.memref_slice %arg8[%dma_start3A_321, %dma_start3A_322, %dma_start3A_323] : memref<8x128x64xf32, #tpu.memory_space<vmem>> -> memref<1x128x64xf32, #tpu.memory_space<vmem>>
        %dma_start3A_325 = tpu.memref_squeeze %dma_start3A_324 : memref<1x128x64xf32, #tpu.memory_space<vmem>> -> memref<128x64xf32, #tpu.memory_space<vmem>>
        %dma_start3A_326 = arith.constant 0 : i32
        %dma_start3A_327 = tpu.memref_slice %arg6[%add3A_315, %dma_start3A_326] : memref<80x128xi32, #tpu.memory_space<vmem>> -> memref<1x128xi32, #tpu.memory_space<vmem>>
        %dma_start3A_328 = tpu.memref_squeeze %dma_start3A_327 : memref<1x128xi32, #tpu.memory_space<vmem>> -> memref<128xi32, #tpu.memory_space<vmem>>
        %dma_start3A_329 = arith.constant 0 : i32
        %dma_start3A_330 = arith.constant 0 : i32
        %dma_start3A_331 = tpu.memref_slice %arg2[%dma_start3A_329, %dma_start3A_330] : memref<10240x64xf32, #tpu.memory_space<hbm>> -> memref<10240x64xf32, #tpu.memory_space<hbm>>
        tpu.enqueue_indirect_dma source(%dma_start3A_331 : memref<10240x64xf32, #tpu.memory_space<hbm>>) target(%dma_start3A_325 : memref<128x64xf32, #tpu.memory_space<vmem>>) offsets(%dma_start3A_328 : memref<128xi32, #tpu.memory_space<vmem>>) semaphore(%arg16 : memref<!tpu.dma_semaphore, #tpu.memory_space<semaphore_mem>>)
      } else {
      }
    }
    %scan3A_134 = arith.constant 10 : i32
    %barrier3A_135 = arith.constant 0 : index
    tpu.barrier barrier_id(%barrier3A_135)
    %mul3A_136 = arith.constant 640 : i32
    %mul3A_137 = arith.muli %arg1, %mul3A_136 : i32
    %mul3A_138 = arith.constant 640 : i32
    %mul3A_139 = arith.muli %arg1, %mul3A_138 : i32
    "tpu.region"() ({
      %run_scoped3A_140 = tpu.sem_alloc : memref<!tpu.dma_semaphore, #tpu.memory_space<semaphore_mem>>
      %dma_start3A_141 = arith.constant 0 : i32
      %dma_start3A_142 = tpu.memref_slice %arg5[%arg0, %mul3A_139, %dma_start3A_141] : memref<2x10240x64xf32, #tpu.memory_space<hbm>> -> memref<1x640x64xf32, #tpu.memory_space<hbm>>
      %dma_start3A_143 = tpu.memref_squeeze %dma_start3A_142 : memref<1x640x64xf32, #tpu.memory_space<hbm>> -> memref<640x64xf32, #tpu.memory_space<hbm>>
      %dma_start3A_144 = arith.constant 0 : i32
      %dma_start3A_145 = tpu.memref_slice %arg17[%mul3A_137, %dma_start3A_144] : memref<10240x64xf32, #tpu.memory_space<vmem_shared>> -> memref<640x64xf32, #tpu.memory_space<vmem_shared>>
      tpu.enqueue_dma source(%dma_start3A_145 : memref<640x64xf32, #tpu.memory_space<vmem_shared>>) target(%dma_start3A_143 : memref<640x64xf32, #tpu.memory_space<hbm>>) target_semaphore(%run_scoped3A_140 : memref<!tpu.dma_semaphore, #tpu.memory_space<semaphore_mem>>)
      %dma_wait3A = arith.constant 0 : i32
      %dma_wait3A_146 = tpu.memref_slice %arg5[%arg0, %mul3A_139, %dma_wait3A] : memref<2x10240x64xf32, #tpu.memory_space<hbm>> -> memref<1x640x64xf32, #tpu.memory_space<hbm>>
      %dma_wait3A_147 = tpu.memref_squeeze %dma_wait3A_146 : memref<1x640x64xf32, #tpu.memory_space<hbm>> -> memref<640x64xf32, #tpu.memory_space<hbm>>
      %dma_wait3A_148 = arith.constant 0 : i32
      %dma_wait3A_149 = tpu.memref_slice %arg17[%mul3A_137, %dma_wait3A_148] : memref<10240x64xf32, #tpu.memory_space<vmem_shared>> -> memref<640x64xf32, #tpu.memory_space<vmem_shared>>
      tpu.wait_dma2 semaphore(%run_scoped3A_140 : memref<!tpu.dma_semaphore, #tpu.memory_space<semaphore_mem>>) src(%dma_wait3A_149 : memref<640x64xf32, #tpu.memory_space<vmem_shared>>) dst(%dma_wait3A_147 : memref<640x64xf32, #tpu.memory_space<hbm>>)
      tpu.yield
    }) : () -> ()
    return
  }
}

#map = affine_map<(d0, d1) -> (0, 0)>
#map1 = affine_map<(d0, d1) -> (0, 0, 0)>
module attributes {stable_mosaic.version = 14 : i64} {
  func.func @gcn_edge_agg(%arg0: i32, %arg1: i32, %arg2: memref<10240x64xf32, #tpu.memory_space<hbm>>, %arg3: memref<2560x128xi32, #tpu.memory_space<hbm>>, %arg4: memref<2560x128xi32, #tpu.memory_space<hbm>>, %arg5: memref<2x10240x64xf32, #tpu.memory_space<hbm>>, %arg6: memref<80x128xi32, #tpu.memory_space<vmem>>, %arg7: memref<80x128xi32, #tpu.memory_space<vmem>>, %arg8: memref<8x128x64xf32, #tpu.memory_space<vmem>>, %arg9: memref<!tpu.dma_semaphore, #tpu.memory_space<semaphore_mem>>, %arg10: memref<!tpu.dma_semaphore, #tpu.memory_space<semaphore_mem>>, %arg11: memref<!tpu.dma_semaphore, #tpu.memory_space<semaphore_mem>>, %arg12: memref<!tpu.dma_semaphore, #tpu.memory_space<semaphore_mem>>, %arg13: memref<!tpu.dma_semaphore, #tpu.memory_space<semaphore_mem>>, %arg14: memref<!tpu.dma_semaphore, #tpu.memory_space<semaphore_mem>>, %arg15: memref<!tpu.dma_semaphore, #tpu.memory_space<semaphore_mem>>, %arg16: memref<!tpu.dma_semaphore, #tpu.memory_space<semaphore_mem>>, %arg17: memref<10240x64xf32, #tpu.memory_space<vmem_shared>>) attributes {dimension_semantics = [#tpu.dimension_semantics<core_parallel>, #tpu.dimension_semantics<subcore_parallel>], iteration_bounds = array<i64: 2, 16>, scalar_prefetch = 0 : i64, scratch_operands = 12 : i64, tpu.core_type = #tpu.core_type<sc_vector_subcore>, window_params = [{transform_indices = #map}, {transform_indices = #map}, {transform_indices = #map}, {transform_indices = #map1}]} {
    %scan3A = arith.constant 0 : i32
    %scan3A_0 = arith.constant 0 : i32
    %scan3A_1 = arith.constant 128 : i32
    %scan3A_2 = arith.addi %scan3A_0, %scan3A_1 : i32
    %scan3A_3 = arith.constant 1 : i32
    scf.for %scan3A_140 = %scan3A_0 to %scan3A_2 step %scan3A_3  : i32 {
      %broadcast_in_dim3A = arith.constant 0.000000e+00 : f32
      %broadcast_in_dim3A_141 = vector.broadcast %broadcast_in_dim3A : f32 to vector<16xf32>
      %swap3A = arith.constant 0 : i32
      %swap3A_142 = arith.index_cast %swap3A : i32 to index
      %swap3A_143 = arith.index_cast %scan3A_140 : i32 to index
      %swap3A_144 = arith.constant 0 : index
      %swap3A_145 = tpu.vector_load %arg8[%swap3A_142, %swap3A_143, %swap3A_144] {strides = array<i32>} : memref<8x128x64xf32, #tpu.memory_space<vmem>>, vector<1x1x16xf32>,
      %swap3A_146 = vector.shape_cast %swap3A_145 : vector<1x1x16xf32> to vector<16xf32>
      %swap3A_147 = vector.shape_cast %broadcast_in_dim3A_141 : vector<16xf32> to vector<1x1x16xf32>
      tpu.vector_store %arg8[%swap3A_142, %swap3A_143, %swap3A_144], %swap3A_147 {strides = array<i32>} : memref<8x128x64xf32, #tpu.memory_space<vmem>>, vector<1x1x16xf32>,
      %broadcast_in_dim3A_148 = arith.constant 0.000000e+00 : f32
      %broadcast_in_dim3A_149 = vector.broadcast %broadcast_in_dim3A_148 : f32 to vector<16xf32>
      %swap3A_150 = arith.constant 0 : i32
      %swap3A_151 = arith.index_cast %swap3A_150 : i32 to index
      %swap3A_152 = arith.index_cast %scan3A_140 : i32 to index
      %swap3A_153 = arith.constant 16 : index
      %swap3A_154 = tpu.vector_load %arg8[%swap3A_151, %swap3A_152, %swap3A_153] {strides = array<i32>} : memref<8x128x64xf32, #tpu.memory_space<vmem>>, vector<1x1x16xf32>,
      %swap3A_155 = vector.shape_cast %swap3A_154 : vector<1x1x16xf32> to vector<16xf32>
      %swap3A_156 = vector.shape_cast %broadcast_in_dim3A_149 : vector<16xf32> to vector<1x1x16xf32>
      tpu.vector_store %arg8[%swap3A_151, %swap3A_152, %swap3A_153], %swap3A_156 {strides = array<i32>} : memref<8x128x64xf32, #tpu.memory_space<vmem>>, vector<1x1x16xf32>,
      %broadcast_in_dim3A_157 = arith.constant 0.000000e+00 : f32
      %broadcast_in_dim3A_158 = vector.broadcast %broadcast_in_dim3A_157 : f32 to vector<16xf32>
      %swap3A_159 = arith.constant 0 : i32
      %swap3A_160 = arith.index_cast %swap3A_159 : i32 to index
      %swap3A_161 = arith.index_cast %scan3A_140 : i32 to index
      %swap3A_162 = arith.constant 32 : index
      %swap3A_163 = tpu.vector_load %arg8[%swap3A_160, %swap3A_161, %swap3A_162] {strides = array<i32>} : memref<8x128x64xf32, #tpu.memory_space<vmem>>, vector<1x1x16xf32>,
      %swap3A_164 = vector.shape_cast %swap3A_163 : vector<1x1x16xf32> to vector<16xf32>
      %swap3A_165 = vector.shape_cast %broadcast_in_dim3A_158 : vector<16xf32> to vector<1x1x16xf32>
      tpu.vector_store %arg8[%swap3A_160, %swap3A_161, %swap3A_162], %swap3A_165 {strides = array<i32>} : memref<8x128x64xf32, #tpu.memory_space<vmem>>, vector<1x1x16xf32>,
      %broadcast_in_dim3A_166 = arith.constant 0.000000e+00 : f32
      %broadcast_in_dim3A_167 = vector.broadcast %broadcast_in_dim3A_166 : f32 to vector<16xf32>
      %swap3A_168 = arith.constant 0 : i32
      %swap3A_169 = arith.index_cast %swap3A_168 : i32 to index
      %swap3A_170 = arith.index_cast %scan3A_140 : i32 to index
      %swap3A_171 = arith.constant 48 : index
      %swap3A_172 = tpu.vector_load %arg8[%swap3A_169, %swap3A_170, %swap3A_171] {strides = array<i32>} : memref<8x128x64xf32, #tpu.memory_space<vmem>>, vector<1x1x16xf32>,
      %swap3A_173 = vector.shape_cast %swap3A_172 : vector<1x1x16xf32> to vector<16xf32>
      %swap3A_174 = vector.shape_cast %broadcast_in_dim3A_167 : vector<16xf32> to vector<1x1x16xf32>
      tpu.vector_store %arg8[%swap3A_169, %swap3A_170, %swap3A_171], %swap3A_174 {strides = array<i32>} : memref<8x128x64xf32, #tpu.memory_space<vmem>>, vector<1x1x16xf32>,
    }
    %scan3A_4 = arith.constant 128 : i32
    %mul3A = arith.constant 640 : i32
    %mul3A_5 = arith.muli %arg1, %mul3A : i32
    %add3A = arith.constant 0 : i32
    %add3A_6 = arith.addi %mul3A_5, %add3A : i32
    %run_scoped3A = arith.constant 0 : i32
    "tpu.region"() ({
      %run_scoped3A_140 = tpu.sem_alloc : memref<!tpu.dma_semaphore, #tpu.memory_space<semaphore_mem>>
      %dma_start3A_141 = arith.constant 0 : i32
      %dma_start3A_142 = arith.constant 0 : i32
      %dma_start3A_143 = tpu.memref_slice %arg8[%run_scoped3A, %dma_start3A_141, %dma_start3A_142] : memref<8x128x64xf32, #tpu.memory_space<vmem>> -> memref<1x128x64xf32, #tpu.memory_space<vmem>>
      %dma_start3A_144 = tpu.memref_squeeze %dma_start3A_143 : memref<1x128x64xf32, #tpu.memory_space<vmem>> -> memref<128x64xf32, #tpu.memory_space<vmem>>
      %dma_start3A_145 = arith.constant 0 : i32
      %dma_start3A_146 = tpu.memref_slice %arg17[%add3A_6, %dma_start3A_145] : memref<10240x64xf32, #tpu.memory_space<vmem_shared>> -> memref<128x64xf32, #tpu.memory_space<vmem_shared>>
      %dma_start3A_147 = arith.constant 0 : i32
      %dma_start3A_148 = tpu.memref_slice %arg17[%add3A_6, %dma_start3A_147] : memref<10240x64xf32, #tpu.memory_space<vmem_shared>> -> memref<128x64xf32, #tpu.memory_space<vmem_shared>>
      %dma_start3A_149 = arith.constant 0 : i32
      %dma_start3A_150 = arith.constant 0 : i32
      %dma_start3A_151 = tpu.memref_slice %arg8[%run_scoped3A, %dma_start3A_149, %dma_start3A_150] : memref<8x128x64xf32, #tpu.memory_space<vmem>> -> memref<1x128x64xf32, #tpu.memory_space<vmem>>
      %dma_start3A_152 = tpu.memref_squeeze %dma_start3A_151 : memref<1x128x64xf32, #tpu.memory_space<vmem>> -> memref<128x64xf32, #tpu.memory_space<vmem>>
      tpu.enqueue_dma source(%dma_start3A_152 : memref<128x64xf32, #tpu.memory_space<vmem>>) target(%dma_start3A_148 : memref<128x64xf32, #tpu.memory_space<vmem_shared>>) target_semaphore(%run_scoped3A_140 : memref<!tpu.dma_semaphore, #tpu.memory_space<semaphore_mem>>)
      %dma_wait3A = arith.constant 0 : i32
      %dma_wait3A_153 = arith.constant 0 : i32
      %dma_wait3A_154 = tpu.memref_slice %arg8[%run_scoped3A, %dma_wait3A, %dma_wait3A_153] : memref<8x128x64xf32, #tpu.memory_space<vmem>> -> memref<1x128x64xf32, #tpu.memory_space<vmem>>
      %dma_wait3A_155 = tpu.memref_squeeze %dma_wait3A_154 : memref<1x128x64xf32, #tpu.memory_space<vmem>> -> memref<128x64xf32, #tpu.memory_space<vmem>>
      %dma_wait3A_156 = arith.constant 0 : i32
      %dma_wait3A_157 = tpu.memref_slice %arg17[%add3A_6, %dma_wait3A_156] : memref<10240x64xf32, #tpu.memory_space<vmem_shared>> -> memref<128x64xf32, #tpu.memory_space<vmem_shared>>
      %dma_wait3A_158 = arith.constant 0 : i32
      %dma_wait3A_159 = tpu.memref_slice %arg17[%add3A_6, %dma_wait3A_158] : memref<10240x64xf32, #tpu.memory_space<vmem_shared>> -> memref<128x64xf32, #tpu.memory_space<vmem_shared>>
      %dma_wait3A_160 = arith.constant 0 : i32
      %dma_wait3A_161 = arith.constant 0 : i32
      %dma_wait3A_162 = tpu.memref_slice %arg8[%run_scoped3A, %dma_wait3A_160, %dma_wait3A_161] : memref<8x128x64xf32, #tpu.memory_space<vmem>> -> memref<1x128x64xf32, #tpu.memory_space<vmem>>
      %dma_wait3A_163 = tpu.memref_squeeze %dma_wait3A_162 : memref<1x128x64xf32, #tpu.memory_space<vmem>> -> memref<128x64xf32, #tpu.memory_space<vmem>>
      tpu.wait_dma2 semaphore(%run_scoped3A_140 : memref<!tpu.dma_semaphore, #tpu.memory_space<semaphore_mem>>) src(%dma_wait3A_163 : memref<128x64xf32, #tpu.memory_space<vmem>>) dst(%dma_wait3A_159 : memref<128x64xf32, #tpu.memory_space<vmem_shared>>)
      tpu.yield
    }) : () -> ()
    %mul3A_7 = arith.constant 640 : i32
    %mul3A_8 = arith.muli %arg1, %mul3A_7 : i32
    %add3A_9 = arith.constant 128 : i32
    %add3A_10 = arith.addi %mul3A_8, %add3A_9 : i32
    %run_scoped3A_11 = arith.constant 0 : i32
    "tpu.region"() ({
      %run_scoped3A_140 = tpu.sem_alloc : memref<!tpu.dma_semaphore, #tpu.memory_space<semaphore_mem>>
      %dma_start3A_141 = arith.constant 0 : i32
      %dma_start3A_142 = arith.constant 0 : i32
      %dma_start3A_143 = tpu.memref_slice %arg8[%run_scoped3A_11, %dma_start3A_141, %dma_start3A_142] : memref<8x128x64xf32, #tpu.memory_space<vmem>> -> memref<1x128x64xf32, #tpu.memory_space<vmem>>
      %dma_start3A_144 = tpu.memref_squeeze %dma_start3A_143 : memref<1x128x64xf32, #tpu.memory_space<vmem>> -> memref<128x64xf32, #tpu.memory_space<vmem>>
      %dma_start3A_145 = arith.constant 0 : i32
      %dma_start3A_146 = tpu.memref_slice %arg17[%add3A_10, %dma_start3A_145] : memref<10240x64xf32, #tpu.memory_space<vmem_shared>> -> memref<128x64xf32, #tpu.memory_space<vmem_shared>>
      %dma_start3A_147 = arith.constant 0 : i32
      %dma_start3A_148 = tpu.memref_slice %arg17[%add3A_10, %dma_start3A_147] : memref<10240x64xf32, #tpu.memory_space<vmem_shared>> -> memref<128x64xf32, #tpu.memory_space<vmem_shared>>
      %dma_start3A_149 = arith.constant 0 : i32
      %dma_start3A_150 = arith.constant 0 : i32
      %dma_start3A_151 = tpu.memref_slice %arg8[%run_scoped3A_11, %dma_start3A_149, %dma_start3A_150] : memref<8x128x64xf32, #tpu.memory_space<vmem>> -> memref<1x128x64xf32, #tpu.memory_space<vmem>>
      %dma_start3A_152 = tpu.memref_squeeze %dma_start3A_151 : memref<1x128x64xf32, #tpu.memory_space<vmem>> -> memref<128x64xf32, #tpu.memory_space<vmem>>
      tpu.enqueue_dma source(%dma_start3A_152 : memref<128x64xf32, #tpu.memory_space<vmem>>) target(%dma_start3A_148 : memref<128x64xf32, #tpu.memory_space<vmem_shared>>) target_semaphore(%run_scoped3A_140 : memref<!tpu.dma_semaphore, #tpu.memory_space<semaphore_mem>>)
      %dma_wait3A = arith.constant 0 : i32
      %dma_wait3A_153 = arith.constant 0 : i32
      %dma_wait3A_154 = tpu.memref_slice %arg8[%run_scoped3A_11, %dma_wait3A, %dma_wait3A_153] : memref<8x128x64xf32, #tpu.memory_space<vmem>> -> memref<1x128x64xf32, #tpu.memory_space<vmem>>
      %dma_wait3A_155 = tpu.memref_squeeze %dma_wait3A_154 : memref<1x128x64xf32, #tpu.memory_space<vmem>> -> memref<128x64xf32, #tpu.memory_space<vmem>>
      %dma_wait3A_156 = arith.constant 0 : i32
      %dma_wait3A_157 = tpu.memref_slice %arg17[%add3A_10, %dma_wait3A_156] : memref<10240x64xf32, #tpu.memory_space<vmem_shared>> -> memref<128x64xf32, #tpu.memory_space<vmem_shared>>
      %dma_wait3A_158 = arith.constant 0 : i32
      %dma_wait3A_159 = tpu.memref_slice %arg17[%add3A_10, %dma_wait3A_158] : memref<10240x64xf32, #tpu.memory_space<vmem_shared>> -> memref<128x64xf32, #tpu.memory_space<vmem_shared>>
      %dma_wait3A_160 = arith.constant 0 : i32
      %dma_wait3A_161 = arith.constant 0 : i32
      %dma_wait3A_162 = tpu.memref_slice %arg8[%run_scoped3A_11, %dma_wait3A_160, %dma_wait3A_161] : memref<8x128x64xf32, #tpu.memory_space<vmem>> -> memref<1x128x64xf32, #tpu.memory_space<vmem>>
      %dma_wait3A_163 = tpu.memref_squeeze %dma_wait3A_162 : memref<1x128x64xf32, #tpu.memory_space<vmem>> -> memref<128x64xf32, #tpu.memory_space<vmem>>
      tpu.wait_dma2 semaphore(%run_scoped3A_140 : memref<!tpu.dma_semaphore, #tpu.memory_space<semaphore_mem>>) src(%dma_wait3A_163 : memref<128x64xf32, #tpu.memory_space<vmem>>) dst(%dma_wait3A_159 : memref<128x64xf32, #tpu.memory_space<vmem_shared>>)
      tpu.yield
    }) : () -> ()
    %mul3A_12 = arith.constant 640 : i32
    %mul3A_13 = arith.muli %arg1, %mul3A_12 : i32
    %add3A_14 = arith.constant 256 : i32
    %add3A_15 = arith.addi %mul3A_13, %add3A_14 : i32
    %run_scoped3A_16 = arith.constant 0 : i32
    "tpu.region"() ({
      %run_scoped3A_140 = tpu.sem_alloc : memref<!tpu.dma_semaphore, #tpu.memory_space<semaphore_mem>>
      %dma_start3A_141 = arith.constant 0 : i32
      %dma_start3A_142 = arith.constant 0 : i32
      %dma_start3A_143 = tpu.memref_slice %arg8[%run_scoped3A_16, %dma_start3A_141, %dma_start3A_142] : memref<8x128x64xf32, #tpu.memory_space<vmem>> -> memref<1x128x64xf32, #tpu.memory_space<vmem>>
      %dma_start3A_144 = tpu.memref_squeeze %dma_start3A_143 : memref<1x128x64xf32, #tpu.memory_space<vmem>> -> memref<128x64xf32, #tpu.memory_space<vmem>>
      %dma_start3A_145 = arith.constant 0 : i32
      %dma_start3A_146 = tpu.memref_slice %arg17[%add3A_15, %dma_start3A_145] : memref<10240x64xf32, #tpu.memory_space<vmem_shared>> -> memref<128x64xf32, #tpu.memory_space<vmem_shared>>
      %dma_start3A_147 = arith.constant 0 : i32
      %dma_start3A_148 = tpu.memref_slice %arg17[%add3A_15, %dma_start3A_147] : memref<10240x64xf32, #tpu.memory_space<vmem_shared>> -> memref<128x64xf32, #tpu.memory_space<vmem_shared>>
      %dma_start3A_149 = arith.constant 0 : i32
      %dma_start3A_150 = arith.constant 0 : i32
      %dma_start3A_151 = tpu.memref_slice %arg8[%run_scoped3A_16, %dma_start3A_149, %dma_start3A_150] : memref<8x128x64xf32, #tpu.memory_space<vmem>> -> memref<1x128x64xf32, #tpu.memory_space<vmem>>
      %dma_start3A_152 = tpu.memref_squeeze %dma_start3A_151 : memref<1x128x64xf32, #tpu.memory_space<vmem>> -> memref<128x64xf32, #tpu.memory_space<vmem>>
      tpu.enqueue_dma source(%dma_start3A_152 : memref<128x64xf32, #tpu.memory_space<vmem>>) target(%dma_start3A_148 : memref<128x64xf32, #tpu.memory_space<vmem_shared>>) target_semaphore(%run_scoped3A_140 : memref<!tpu.dma_semaphore, #tpu.memory_space<semaphore_mem>>)
      %dma_wait3A = arith.constant 0 : i32
      %dma_wait3A_153 = arith.constant 0 : i32
      %dma_wait3A_154 = tpu.memref_slice %arg8[%run_scoped3A_16, %dma_wait3A, %dma_wait3A_153] : memref<8x128x64xf32, #tpu.memory_space<vmem>> -> memref<1x128x64xf32, #tpu.memory_space<vmem>>
      %dma_wait3A_155 = tpu.memref_squeeze %dma_wait3A_154 : memref<1x128x64xf32, #tpu.memory_space<vmem>> -> memref<128x64xf32, #tpu.memory_space<vmem>>
      %dma_wait3A_156 = arith.constant 0 : i32
      %dma_wait3A_157 = tpu.memref_slice %arg17[%add3A_15, %dma_wait3A_156] : memref<10240x64xf32, #tpu.memory_space<vmem_shared>> -> memref<128x64xf32, #tpu.memory_space<vmem_shared>>
      %dma_wait3A_158 = arith.constant 0 : i32
      %dma_wait3A_159 = tpu.memref_slice %arg17[%add3A_15, %dma_wait3A_158] : memref<10240x64xf32, #tpu.memory_space<vmem_shared>> -> memref<128x64xf32, #tpu.memory_space<vmem_shared>>
      %dma_wait3A_160 = arith.constant 0 : i32
      %dma_wait3A_161 = arith.constant 0 : i32
      %dma_wait3A_162 = tpu.memref_slice %arg8[%run_scoped3A_16, %dma_wait3A_160, %dma_wait3A_161] : memref<8x128x64xf32, #tpu.memory_space<vmem>> -> memref<1x128x64xf32, #tpu.memory_space<vmem>>
      %dma_wait3A_163 = tpu.memref_squeeze %dma_wait3A_162 : memref<1x128x64xf32, #tpu.memory_space<vmem>> -> memref<128x64xf32, #tpu.memory_space<vmem>>
      tpu.wait_dma2 semaphore(%run_scoped3A_140 : memref<!tpu.dma_semaphore, #tpu.memory_space<semaphore_mem>>) src(%dma_wait3A_163 : memref<128x64xf32, #tpu.memory_space<vmem>>) dst(%dma_wait3A_159 : memref<128x64xf32, #tpu.memory_space<vmem_shared>>)
      tpu.yield
    }) : () -> ()
    %mul3A_17 = arith.constant 640 : i32
    %mul3A_18 = arith.muli %arg1, %mul3A_17 : i32
    %add3A_19 = arith.constant 384 : i32
    %add3A_20 = arith.addi %mul3A_18, %add3A_19 : i32
    %run_scoped3A_21 = arith.constant 0 : i32
    "tpu.region"() ({
      %run_scoped3A_140 = tpu.sem_alloc : memref<!tpu.dma_semaphore, #tpu.memory_space<semaphore_mem>>
      %dma_start3A_141 = arith.constant 0 : i32
      %dma_start3A_142 = arith.constant 0 : i32
      %dma_start3A_143 = tpu.memref_slice %arg8[%run_scoped3A_21, %dma_start3A_141, %dma_start3A_142] : memref<8x128x64xf32, #tpu.memory_space<vmem>> -> memref<1x128x64xf32, #tpu.memory_space<vmem>>
      %dma_start3A_144 = tpu.memref_squeeze %dma_start3A_143 : memref<1x128x64xf32, #tpu.memory_space<vmem>> -> memref<128x64xf32, #tpu.memory_space<vmem>>
      %dma_start3A_145 = arith.constant 0 : i32
      %dma_start3A_146 = tpu.memref_slice %arg17[%add3A_20, %dma_start3A_145] : memref<10240x64xf32, #tpu.memory_space<vmem_shared>> -> memref<128x64xf32, #tpu.memory_space<vmem_shared>>
      %dma_start3A_147 = arith.constant 0 : i32
      %dma_start3A_148 = tpu.memref_slice %arg17[%add3A_20, %dma_start3A_147] : memref<10240x64xf32, #tpu.memory_space<vmem_shared>> -> memref<128x64xf32, #tpu.memory_space<vmem_shared>>
      %dma_start3A_149 = arith.constant 0 : i32
      %dma_start3A_150 = arith.constant 0 : i32
      %dma_start3A_151 = tpu.memref_slice %arg8[%run_scoped3A_21, %dma_start3A_149, %dma_start3A_150] : memref<8x128x64xf32, #tpu.memory_space<vmem>> -> memref<1x128x64xf32, #tpu.memory_space<vmem>>
      %dma_start3A_152 = tpu.memref_squeeze %dma_start3A_151 : memref<1x128x64xf32, #tpu.memory_space<vmem>> -> memref<128x64xf32, #tpu.memory_space<vmem>>
      tpu.enqueue_dma source(%dma_start3A_152 : memref<128x64xf32, #tpu.memory_space<vmem>>) target(%dma_start3A_148 : memref<128x64xf32, #tpu.memory_space<vmem_shared>>) target_semaphore(%run_scoped3A_140 : memref<!tpu.dma_semaphore, #tpu.memory_space<semaphore_mem>>)
      %dma_wait3A = arith.constant 0 : i32
      %dma_wait3A_153 = arith.constant 0 : i32
      %dma_wait3A_154 = tpu.memref_slice %arg8[%run_scoped3A_21, %dma_wait3A, %dma_wait3A_153] : memref<8x128x64xf32, #tpu.memory_space<vmem>> -> memref<1x128x64xf32, #tpu.memory_space<vmem>>
      %dma_wait3A_155 = tpu.memref_squeeze %dma_wait3A_154 : memref<1x128x64xf32, #tpu.memory_space<vmem>> -> memref<128x64xf32, #tpu.memory_space<vmem>>
      %dma_wait3A_156 = arith.constant 0 : i32
      %dma_wait3A_157 = tpu.memref_slice %arg17[%add3A_20, %dma_wait3A_156] : memref<10240x64xf32, #tpu.memory_space<vmem_shared>> -> memref<128x64xf32, #tpu.memory_space<vmem_shared>>
      %dma_wait3A_158 = arith.constant 0 : i32
      %dma_wait3A_159 = tpu.memref_slice %arg17[%add3A_20, %dma_wait3A_158] : memref<10240x64xf32, #tpu.memory_space<vmem_shared>> -> memref<128x64xf32, #tpu.memory_space<vmem_shared>>
      %dma_wait3A_160 = arith.constant 0 : i32
      %dma_wait3A_161 = arith.constant 0 : i32
      %dma_wait3A_162 = tpu.memref_slice %arg8[%run_scoped3A_21, %dma_wait3A_160, %dma_wait3A_161] : memref<8x128x64xf32, #tpu.memory_space<vmem>> -> memref<1x128x64xf32, #tpu.memory_space<vmem>>
      %dma_wait3A_163 = tpu.memref_squeeze %dma_wait3A_162 : memref<1x128x64xf32, #tpu.memory_space<vmem>> -> memref<128x64xf32, #tpu.memory_space<vmem>>
      tpu.wait_dma2 semaphore(%run_scoped3A_140 : memref<!tpu.dma_semaphore, #tpu.memory_space<semaphore_mem>>) src(%dma_wait3A_163 : memref<128x64xf32, #tpu.memory_space<vmem>>) dst(%dma_wait3A_159 : memref<128x64xf32, #tpu.memory_space<vmem_shared>>)
      tpu.yield
    }) : () -> ()
    %mul3A_22 = arith.constant 640 : i32
    %mul3A_23 = arith.muli %arg1, %mul3A_22 : i32
    %add3A_24 = arith.constant 512 : i32
    %add3A_25 = arith.addi %mul3A_23, %add3A_24 : i32
    %run_scoped3A_26 = arith.constant 0 : i32
    "tpu.region"() ({
      %run_scoped3A_140 = tpu.sem_alloc : memref<!tpu.dma_semaphore, #tpu.memory_space<semaphore_mem>>
      %dma_start3A_141 = arith.constant 0 : i32
      %dma_start3A_142 = arith.constant 0 : i32
      %dma_start3A_143 = tpu.memref_slice %arg8[%run_scoped3A_26, %dma_start3A_141, %dma_start3A_142] : memref<8x128x64xf32, #tpu.memory_space<vmem>> -> memref<1x128x64xf32, #tpu.memory_space<vmem>>
      %dma_start3A_144 = tpu.memref_squeeze %dma_start3A_143 : memref<1x128x64xf32, #tpu.memory_space<vmem>> -> memref<128x64xf32, #tpu.memory_space<vmem>>
      %dma_start3A_145 = arith.constant 0 : i32
      %dma_start3A_146 = tpu.memref_slice %arg17[%add3A_25, %dma_start3A_145] : memref<10240x64xf32, #tpu.memory_space<vmem_shared>> -> memref<128x64xf32, #tpu.memory_space<vmem_shared>>
      %dma_start3A_147 = arith.constant 0 : i32
      %dma_start3A_148 = tpu.memref_slice %arg17[%add3A_25, %dma_start3A_147] : memref<10240x64xf32, #tpu.memory_space<vmem_shared>> -> memref<128x64xf32, #tpu.memory_space<vmem_shared>>
      %dma_start3A_149 = arith.constant 0 : i32
      %dma_start3A_150 = arith.constant 0 : i32
      %dma_start3A_151 = tpu.memref_slice %arg8[%run_scoped3A_26, %dma_start3A_149, %dma_start3A_150] : memref<8x128x64xf32, #tpu.memory_space<vmem>> -> memref<1x128x64xf32, #tpu.memory_space<vmem>>
      %dma_start3A_152 = tpu.memref_squeeze %dma_start3A_151 : memref<1x128x64xf32, #tpu.memory_space<vmem>> -> memref<128x64xf32, #tpu.memory_space<vmem>>
      tpu.enqueue_dma source(%dma_start3A_152 : memref<128x64xf32, #tpu.memory_space<vmem>>) target(%dma_start3A_148 : memref<128x64xf32, #tpu.memory_space<vmem_shared>>) target_semaphore(%run_scoped3A_140 : memref<!tpu.dma_semaphore, #tpu.memory_space<semaphore_mem>>)
      %dma_wait3A = arith.constant 0 : i32
      %dma_wait3A_153 = arith.constant 0 : i32
      %dma_wait3A_154 = tpu.memref_slice %arg8[%run_scoped3A_26, %dma_wait3A, %dma_wait3A_153] : memref<8x128x64xf32, #tpu.memory_space<vmem>> -> memref<1x128x64xf32, #tpu.memory_space<vmem>>
      %dma_wait3A_155 = tpu.memref_squeeze %dma_wait3A_154 : memref<1x128x64xf32, #tpu.memory_space<vmem>> -> memref<128x64xf32, #tpu.memory_space<vmem>>
      %dma_wait3A_156 = arith.constant 0 : i32
      %dma_wait3A_157 = tpu.memref_slice %arg17[%add3A_25, %dma_wait3A_156] : memref<10240x64xf32, #tpu.memory_space<vmem_shared>> -> memref<128x64xf32, #tpu.memory_space<vmem_shared>>
      %dma_wait3A_158 = arith.constant 0 : i32
      %dma_wait3A_159 = tpu.memref_slice %arg17[%add3A_25, %dma_wait3A_158] : memref<10240x64xf32, #tpu.memory_space<vmem_shared>> -> memref<128x64xf32, #tpu.memory_space<vmem_shared>>
      %dma_wait3A_160 = arith.constant 0 : i32
      %dma_wait3A_161 = arith.constant 0 : i32
      %dma_wait3A_162 = tpu.memref_slice %arg8[%run_scoped3A_26, %dma_wait3A_160, %dma_wait3A_161] : memref<8x128x64xf32, #tpu.memory_space<vmem>> -> memref<1x128x64xf32, #tpu.memory_space<vmem>>
      %dma_wait3A_163 = tpu.memref_squeeze %dma_wait3A_162 : memref<1x128x64xf32, #tpu.memory_space<vmem>> -> memref<128x64xf32, #tpu.memory_space<vmem>>
      tpu.wait_dma2 semaphore(%run_scoped3A_140 : memref<!tpu.dma_semaphore, #tpu.memory_space<semaphore_mem>>) src(%dma_wait3A_163 : memref<128x64xf32, #tpu.memory_space<vmem>>) dst(%dma_wait3A_159 : memref<128x64xf32, #tpu.memory_space<vmem_shared>>)
      tpu.yield
    }) : () -> ()
    %barrier3A = arith.constant 0 : index
    tpu.barrier barrier_id(%barrier3A)
    %mul3A_27 = arith.constant 2 : i32
    %mul3A_28 = arith.muli %arg1, %mul3A_27 : i32
    %add3A_29 = arith.addi %mul3A_28, %arg0 : i32
    %mul3A_30 = arith.constant 80 : i32
    %mul3A_31 = arith.muli %add3A_29, %mul3A_30 : i32
    "tpu.region"() ({
      %run_scoped3A_140 = tpu.sem_alloc : memref<!tpu.dma_semaphore, #tpu.memory_space<semaphore_mem>>
      %dma_start3A_141 = arith.constant 0 : i32
      %dma_start3A_142 = tpu.memref_slice %arg3[%mul3A_31, %dma_start3A_141] : memref<2560x128xi32, #tpu.memory_space<hbm>> -> memref<80x128xi32, #tpu.memory_space<hbm>>
      %dma_start3A_143 = arith.constant 0 : i32
      %dma_start3A_144 = tpu.memref_slice %arg3[%mul3A_31, %dma_start3A_143] : memref<2560x128xi32, #tpu.memory_space<hbm>> -> memref<80x128xi32, #tpu.memory_space<hbm>>
      tpu.enqueue_dma source(%dma_start3A_144 : memref<80x128xi32, #tpu.memory_space<hbm>>) target(%arg6 : memref<80x128xi32, #tpu.memory_space<vmem>>) target_semaphore(%run_scoped3A_140 : memref<!tpu.dma_semaphore, #tpu.memory_space<semaphore_mem>>)
      %dma_wait3A = arith.constant 0 : i32
      %dma_wait3A_145 = tpu.memref_slice %arg3[%mul3A_31, %dma_wait3A] : memref<2560x128xi32, #tpu.memory_space<hbm>> -> memref<80x128xi32, #tpu.memory_space<hbm>>
      %dma_wait3A_146 = arith.constant 0 : i32
      %dma_wait3A_147 = tpu.memref_slice %arg3[%mul3A_31, %dma_wait3A_146] : memref<2560x128xi32, #tpu.memory_space<hbm>> -> memref<80x128xi32, #tpu.memory_space<hbm>>
      tpu.wait_dma2 semaphore(%run_scoped3A_140 : memref<!tpu.dma_semaphore, #tpu.memory_space<semaphore_mem>>) src(%dma_wait3A_147 : memref<80x128xi32, #tpu.memory_space<hbm>>) dst(%arg6 : memref<80x128xi32, #tpu.memory_space<vmem>>)
      tpu.yield
    }) : () -> ()
    %mul3A_32 = arith.constant 80 : i32
    %mul3A_33 = arith.muli %add3A_29, %mul3A_32 : i32
    "tpu.region"() ({
      %run_scoped3A_140 = tpu.sem_alloc : memref<!tpu.dma_semaphore, #tpu.memory_space<semaphore_mem>>
      %dma_start3A_141 = arith.constant 0 : i32
      %dma_start3A_142 = tpu.memref_slice %arg4[%mul3A_33, %dma_start3A_141] : memref<2560x128xi32, #tpu.memory_space<hbm>> -> memref<80x128xi32, #tpu.memory_space<hbm>>
      %dma_start3A_143 = arith.constant 0 : i32
      %dma_start3A_144 = tpu.memref_slice %arg4[%mul3A_33, %dma_start3A_143] : memref<2560x128xi32, #tpu.memory_space<hbm>> -> memref<80x128xi32, #tpu.memory_space<hbm>>
      tpu.enqueue_dma source(%dma_start3A_144 : memref<80x128xi32, #tpu.memory_space<hbm>>) target(%arg7 : memref<80x128xi32, #tpu.memory_space<vmem>>) target_semaphore(%run_scoped3A_140 : memref<!tpu.dma_semaphore, #tpu.memory_space<semaphore_mem>>)
      %dma_wait3A = arith.constant 0 : i32
      %dma_wait3A_145 = tpu.memref_slice %arg4[%mul3A_33, %dma_wait3A] : memref<2560x128xi32, #tpu.memory_space<hbm>> -> memref<80x128xi32, #tpu.memory_space<hbm>>
      %dma_wait3A_146 = arith.constant 0 : i32
      %dma_wait3A_147 = tpu.memref_slice %arg4[%mul3A_33, %dma_wait3A_146] : memref<2560x128xi32, #tpu.memory_space<hbm>> -> memref<80x128xi32, #tpu.memory_space<hbm>>
      tpu.wait_dma2 semaphore(%run_scoped3A_140 : memref<!tpu.dma_semaphore, #tpu.memory_space<semaphore_mem>>) src(%dma_wait3A_147 : memref<80x128xi32, #tpu.memory_space<hbm>>) dst(%arg7 : memref<80x128xi32, #tpu.memory_space<vmem>>)
      tpu.yield
    }) : () -> ()
    %dma_start3A = arith.constant 0 : i32
    %dma_start3A_34 = arith.constant 0 : i32
    %dma_start3A_35 = arith.constant 0 : i32
    %dma_start3A_36 = arith.constant 0 : i32
    %dma_start3A_37 = tpu.memref_slice %arg8[%dma_start3A_34, %dma_start3A_35, %dma_start3A_36] : memref<8x128x64xf32, #tpu.memory_space<vmem>> -> memref<1x128x64xf32, #tpu.memory_space<vmem>>
    %dma_start3A_38 = tpu.memref_squeeze %dma_start3A_37 : memref<1x128x64xf32, #tpu.memory_space<vmem>> -> memref<128x64xf32, #tpu.memory_space<vmem>>
    %dma_start3A_39 = arith.constant 0 : i32
    %dma_start3A_40 = tpu.memref_slice %arg6[%dma_start3A, %dma_start3A_39] : memref<80x128xi32, #tpu.memory_space<vmem>> -> memref<1x128xi32, #tpu.memory_space<vmem>>
    %dma_start3A_41 = tpu.memref_squeeze %dma_start3A_40 : memref<1x128xi32, #tpu.memory_space<vmem>> -> memref<128xi32, #tpu.memory_space<vmem>>
    %dma_start3A_42 = arith.constant 0 : i32
    %dma_start3A_43 = arith.constant 0 : i32
    %dma_start3A_44 = tpu.memref_slice %arg2[%dma_start3A_42, %dma_start3A_43] : memref<10240x64xf32, #tpu.memory_space<hbm>> -> memref<10240x64xf32, #tpu.memory_space<hbm>>
    tpu.enqueue_indirect_dma source(%dma_start3A_44 : memref<10240x64xf32, #tpu.memory_space<hbm>>) target(%dma_start3A_38 : memref<128x64xf32, #tpu.memory_space<vmem>>) offsets(%dma_start3A_41 : memref<128xi32, #tpu.memory_space<vmem>>) semaphore(%arg9 : memref<!tpu.dma_semaphore, #tpu.memory_space<semaphore_mem>>)
    %dma_start3A_45 = arith.constant 1 : i32
    %dma_start3A_46 = arith.constant 1 : i32
    %dma_start3A_47 = arith.constant 0 : i32
    %dma_start3A_48 = arith.constant 0 : i32
    %dma_start3A_49 = tpu.memref_slice %arg8[%dma_start3A_46, %dma_start3A_47, %dma_start3A_48] : memref<8x128x64xf32, #tpu.memory_space<vmem>> -> memref<1x128x64xf32, #tpu.memory_space<vmem>>
    %dma_start3A_50 = tpu.memref_squeeze %dma_start3A_49 : memref<1x128x64xf32, #tpu.memory_space<vmem>> -> memref<128x64xf32, #tpu.memory_space<vmem>>
    %dma_start3A_51 = arith.constant 0 : i32
    %dma_start3A_52 = tpu.memref_slice %arg6[%dma_start3A_45, %dma_start3A_51] : memref<80x128xi32, #tpu.memory_space<vmem>> -> memref<1x128xi32, #tpu.memory_space<vmem>>
    %dma_start3A_53 = tpu.memref_squeeze %dma_start3A_52 : memref<1x128xi32, #tpu.memory_space<vmem>> -> memref<128xi32, #tpu.memory_space<vmem>>
    %dma_start3A_54 = arith.constant 0 : i32
    %dma_start3A_55 = arith.constant 0 : i32
    %dma_start3A_56 = tpu.memref_slice %arg2[%dma_start3A_54, %dma_start3A_55] : memref<10240x64xf32, #tpu.memory_space<hbm>> -> memref<10240x64xf32, #tpu.memory_space<hbm>>
    tpu.enqueue_indirect_dma source(%dma_start3A_56 : memref<10240x64xf32, #tpu.memory_space<hbm>>) target(%dma_start3A_50 : memref<128x64xf32, #tpu.memory_space<vmem>>) offsets(%dma_start3A_53 : memref<128xi32, #tpu.memory_space<vmem>>) semaphore(%arg10 : memref<!tpu.dma_semaphore, #tpu.memory_space<semaphore_mem>>)
    %dma_start3A_57 = arith.constant 2 : i32
    %dma_start3A_58 = arith.constant 2 : i32
    %dma_start3A_59 = arith.constant 0 : i32
    %dma_start3A_60 = arith.constant 0 : i32
    %dma_start3A_61 = tpu.memref_slice %arg8[%dma_start3A_58, %dma_start3A_59, %dma_start3A_60] : memref<8x128x64xf32, #tpu.memory_space<vmem>> -> memref<1x128x64xf32, #tpu.memory_space<vmem>>
    %dma_start3A_62 = tpu.memref_squeeze %dma_start3A_61 : memref<1x128x64xf32, #tpu.memory_space<vmem>> -> memref<128x64xf32, #tpu.memory_space<vmem>>
    %dma_start3A_63 = arith.constant 0 : i32
    %dma_start3A_64 = tpu.memref_slice %arg6[%dma_start3A_57, %dma_start3A_63] : memref<80x128xi32, #tpu.memory_space<vmem>> -> memref<1x128xi32, #tpu.memory_space<vmem>>
    %dma_start3A_65 = tpu.memref_squeeze %dma_start3A_64 : memref<1x128xi32, #tpu.memory_space<vmem>> -> memref<128xi32, #tpu.memory_space<vmem>>
    %dma_start3A_66 = arith.constant 0 : i32
    %dma_start3A_67 = arith.constant 0 : i32
    %dma_start3A_68 = tpu.memref_slice %arg2[%dma_start3A_66, %dma_start3A_67] : memref<10240x64xf32, #tpu.memory_space<hbm>> -> memref<10240x64xf32, #tpu.memory_space<hbm>>
    tpu.enqueue_indirect_dma source(%dma_start3A_68 : memref<10240x64xf32, #tpu.memory_space<hbm>>) target(%dma_start3A_62 : memref<128x64xf32, #tpu.memory_space<vmem>>) offsets(%dma_start3A_65 : memref<128xi32, #tpu.memory_space<vmem>>) semaphore(%arg11 : memref<!tpu.dma_semaphore, #tpu.memory_space<semaphore_mem>>)
    %dma_start3A_69 = arith.constant 3 : i32
    %dma_start3A_70 = arith.constant 3 : i32
    %dma_start3A_71 = arith.constant 0 : i32
    %dma_start3A_72 = arith.constant 0 : i32
    %dma_start3A_73 = tpu.memref_slice %arg8[%dma_start3A_70, %dma_start3A_71, %dma_start3A_72] : memref<8x128x64xf32, #tpu.memory_space<vmem>> -> memref<1x128x64xf32, #tpu.memory_space<vmem>>
    %dma_start3A_74 = tpu.memref_squeeze %dma_start3A_73 : memref<1x128x64xf32, #tpu.memory_space<vmem>> -> memref<128x64xf32, #tpu.memory_space<vmem>>
    %dma_start3A_75 = arith.constant 0 : i32
    %dma_start3A_76 = tpu.memref_slice %arg6[%dma_start3A_69, %dma_start3A_75] : memref<80x128xi32, #tpu.memory_space<vmem>> -> memref<1x128xi32, #tpu.memory_space<vmem>>
    %dma_start3A_77 = tpu.memref_squeeze %dma_start3A_76 : memref<1x128xi32, #tpu.memory_space<vmem>> -> memref<128xi32, #tpu.memory_space<vmem>>
    %dma_start3A_78 = arith.constant 0 : i32
    %dma_start3A_79 = arith.constant 0 : i32
    %dma_start3A_80 = tpu.memref_slice %arg2[%dma_start3A_78, %dma_start3A_79] : memref<10240x64xf32, #tpu.memory_space<hbm>> -> memref<10240x64xf32, #tpu.memory_space<hbm>>
    tpu.enqueue_indirect_dma source(%dma_start3A_80 : memref<10240x64xf32, #tpu.memory_space<hbm>>) target(%dma_start3A_74 : memref<128x64xf32, #tpu.memory_space<vmem>>) offsets(%dma_start3A_77 : memref<128xi32, #tpu.memory_space<vmem>>) semaphore(%arg12 : memref<!tpu.dma_semaphore, #tpu.memory_space<semaphore_mem>>)
    %dma_start3A_81 = arith.constant 4 : i32
    %dma_start3A_82 = arith.constant 4 : i32
    %dma_start3A_83 = arith.constant 0 : i32
    %dma_start3A_84 = arith.constant 0 : i32
    %dma_start3A_85 = tpu.memref_slice %arg8[%dma_start3A_82, %dma_start3A_83, %dma_start3A_84] : memref<8x128x64xf32, #tpu.memory_space<vmem>> -> memref<1x128x64xf32, #tpu.memory_space<vmem>>
    %dma_start3A_86 = tpu.memref_squeeze %dma_start3A_85 : memref<1x128x64xf32, #tpu.memory_space<vmem>> -> memref<128x64xf32, #tpu.memory_space<vmem>>
    %dma_start3A_87 = arith.constant 0 : i32
    %dma_start3A_88 = tpu.memref_slice %arg6[%dma_start3A_81, %dma_start3A_87] : memref<80x128xi32, #tpu.memory_space<vmem>> -> memref<1x128xi32, #tpu.memory_space<vmem>>
    %dma_start3A_89 = tpu.memref_squeeze %dma_start3A_88 : memref<1x128xi32, #tpu.memory_space<vmem>> -> memref<128xi32, #tpu.memory_space<vmem>>
    %dma_start3A_90 = arith.constant 0 : i32
    %dma_start3A_91 = arith.constant 0 : i32
    %dma_start3A_92 = tpu.memref_slice %arg2[%dma_start3A_90, %dma_start3A_91] : memref<10240x64xf32, #tpu.memory_space<hbm>> -> memref<10240x64xf32, #tpu.memory_space<hbm>>
    tpu.enqueue_indirect_dma source(%dma_start3A_92 : memref<10240x64xf32, #tpu.memory_space<hbm>>) target(%dma_start3A_86 : memref<128x64xf32, #tpu.memory_space<vmem>>) offsets(%dma_start3A_89 : memref<128xi32, #tpu.memory_space<vmem>>) semaphore(%arg13 : memref<!tpu.dma_semaphore, #tpu.memory_space<semaphore_mem>>)
    %dma_start3A_93 = arith.constant 5 : i32
    %dma_start3A_94 = arith.constant 5 : i32
    %dma_start3A_95 = arith.constant 0 : i32
    %dma_start3A_96 = arith.constant 0 : i32
    %dma_start3A_97 = tpu.memref_slice %arg8[%dma_start3A_94, %dma_start3A_95, %dma_start3A_96] : memref<8x128x64xf32, #tpu.memory_space<vmem>> -> memref<1x128x64xf32, #tpu.memory_space<vmem>>
    %dma_start3A_98 = tpu.memref_squeeze %dma_start3A_97 : memref<1x128x64xf32, #tpu.memory_space<vmem>> -> memref<128x64xf32, #tpu.memory_space<vmem>>
    %dma_start3A_99 = arith.constant 0 : i32
    %dma_start3A_100 = tpu.memref_slice %arg6[%dma_start3A_93, %dma_start3A_99] : memref<80x128xi32, #tpu.memory_space<vmem>> -> memref<1x128xi32, #tpu.memory_space<vmem>>
    %dma_start3A_101 = tpu.memref_squeeze %dma_start3A_100 : memref<1x128xi32, #tpu.memory_space<vmem>> -> memref<128xi32, #tpu.memory_space<vmem>>
    %dma_start3A_102 = arith.constant 0 : i32
    %dma_start3A_103 = arith.constant 0 : i32
    %dma_start3A_104 = tpu.memref_slice %arg2[%dma_start3A_102, %dma_start3A_103] : memref<10240x64xf32, #tpu.memory_space<hbm>> -> memref<10240x64xf32, #tpu.memory_space<hbm>>
    tpu.enqueue_indirect_dma source(%dma_start3A_104 : memref<10240x64xf32, #tpu.memory_space<hbm>>) target(%dma_start3A_98 : memref<128x64xf32, #tpu.memory_space<vmem>>) offsets(%dma_start3A_101 : memref<128xi32, #tpu.memory_space<vmem>>) semaphore(%arg14 : memref<!tpu.dma_semaphore, #tpu.memory_space<semaphore_mem>>)
    %dma_start3A_105 = arith.constant 6 : i32
    %dma_start3A_106 = arith.constant 6 : i32
    %dma_start3A_107 = arith.constant 0 : i32
    %dma_start3A_108 = arith.constant 0 : i32
    %dma_start3A_109 = tpu.memref_slice %arg8[%dma_start3A_106, %dma_start3A_107, %dma_start3A_108] : memref<8x128x64xf32, #tpu.memory_space<vmem>> -> memref<1x128x64xf32, #tpu.memory_space<vmem>>
    %dma_start3A_110 = tpu.memref_squeeze %dma_start3A_109 : memref<1x128x64xf32, #tpu.memory_space<vmem>> -> memref<128x64xf32, #tpu.memory_space<vmem>>
    %dma_start3A_111 = arith.constant 0 : i32
    %dma_start3A_112 = tpu.memref_slice %arg6[%dma_start3A_105, %dma_start3A_111] : memref<80x128xi32, #tpu.memory_space<vmem>> -> memref<1x128xi32, #tpu.memory_space<vmem>>
    %dma_start3A_113 = tpu.memref_squeeze %dma_start3A_112 : memref<1x128xi32, #tpu.memory_space<vmem>> -> memref<128xi32, #tpu.memory_space<vmem>>
    %dma_start3A_114 = arith.constant 0 : i32
    %dma_start3A_115 = arith.constant 0 : i32
    %dma_start3A_116 = tpu.memref_slice %arg2[%dma_start3A_114, %dma_start3A_115] : memref<10240x64xf32, #tpu.memory_space<hbm>> -> memref<10240x64xf32, #tpu.memory_space<hbm>>
    tpu.enqueue_indirect_dma source(%dma_start3A_116 : memref<10240x64xf32, #tpu.memory_space<hbm>>) target(%dma_start3A_110 : memref<128x64xf32, #tpu.memory_space<vmem>>) offsets(%dma_start3A_113 : memref<128xi32, #tpu.memory_space<vmem>>) semaphore(%arg15 : memref<!tpu.dma_semaphore, #tpu.memory_space<semaphore_mem>>)
    %dma_start3A_117 = arith.constant 7 : i32
    %dma_start3A_118 = arith.constant 7 : i32
    %dma_start3A_119 = arith.constant 0 : i32
    %dma_start3A_120 = arith.constant 0 : i32
    %dma_start3A_121 = tpu.memref_slice %arg8[%dma_start3A_118, %dma_start3A_119, %dma_start3A_120] : memref<8x128x64xf32, #tpu.memory_space<vmem>> -> memref<1x128x64xf32, #tpu.memory_space<vmem>>
    %dma_start3A_122 = tpu.memref_squeeze %dma_start3A_121 : memref<1x128x64xf32, #tpu.memory_space<vmem>> -> memref<128x64xf32, #tpu.memory_space<vmem>>
    %dma_start3A_123 = arith.constant 0 : i32
    %dma_start3A_124 = tpu.memref_slice %arg6[%dma_start3A_117, %dma_start3A_123] : memref<80x128xi32, #tpu.memory_space<vmem>> -> memref<1x128xi32, #tpu.memory_space<vmem>>
    %dma_start3A_125 = tpu.memref_squeeze %dma_start3A_124 : memref<1x128xi32, #tpu.memory_space<vmem>> -> memref<128xi32, #tpu.memory_space<vmem>>
    %dma_start3A_126 = arith.constant 0 : i32
    %dma_start3A_127 = arith.constant 0 : i32
    %dma_start3A_128 = tpu.memref_slice %arg2[%dma_start3A_126, %dma_start3A_127] : memref<10240x64xf32, #tpu.memory_space<hbm>> -> memref<10240x64xf32, #tpu.memory_space<hbm>>
    tpu.enqueue_indirect_dma source(%dma_start3A_128 : memref<10240x64xf32, #tpu.memory_space<hbm>>) target(%dma_start3A_122 : memref<128x64xf32, #tpu.memory_space<vmem>>) offsets(%dma_start3A_125 : memref<128xi32, #tpu.memory_space<vmem>>) semaphore(%arg16 : memref<!tpu.dma_semaphore, #tpu.memory_space<semaphore_mem>>)
    %scan3A_129 = arith.constant 0 : i32
    %scan3A_130 = arith.constant 0 : i32
    %scan3A_131 = arith.constant 10 : i32
    %scan3A_132 = arith.addi %scan3A_130, %scan3A_131 : i32
    %scan3A_133 = arith.constant 1 : i32
    scf.for %scan3A_140 = %scan3A_130 to %scan3A_132 step %scan3A_133  : i32 {
      %mul3A_141 = arith.constant 8 : i32
      %mul3A_142 = arith.muli %scan3A_140, %mul3A_141 : i32
      %add3A_143 = arith.constant 0 : i32
      %add3A_144 = arith.addi %mul3A_142, %add3A_143 : i32
      %dma_wait3A = arith.constant 0 : i32
      %dma_wait3A_145 = arith.constant 0 : i32
      %dma_wait3A_146 = arith.constant 0 : i32
      %dma_wait3A_147 = tpu.memref_slice %arg8[%dma_wait3A, %dma_wait3A_145, %dma_wait3A_146] : memref<8x128x64xf32, #tpu.memory_space<vmem>> -> memref<1x128x64xf32, #tpu.memory_space<vmem>>
      %dma_wait3A_148 = tpu.memref_squeeze %dma_wait3A_147 : memref<1x128x64xf32, #tpu.memory_space<vmem>> -> memref<128x64xf32, #tpu.memory_space<vmem>>
      %dma_wait3A_149 = arith.constant 0 : i32
      %dma_wait3A_150 = tpu.memref_slice %arg6[%add3A_144, %dma_wait3A_149] : memref<80x128xi32, #tpu.memory_space<vmem>> -> memref<1x128xi32, #tpu.memory_space<vmem>>
      %dma_wait3A_151 = tpu.memref_squeeze %dma_wait3A_150 : memref<1x128xi32, #tpu.memory_space<vmem>> -> memref<128xi32, #tpu.memory_space<vmem>>
      %dma_wait3A_152 = arith.constant 0 : i32
      %dma_wait3A_153 = arith.constant 0 : i32
      %dma_wait3A_154 = tpu.memref_slice %arg2[%dma_wait3A_152, %dma_wait3A_153] : memref<10240x64xf32, #tpu.memory_space<hbm>> -> memref<10240x64xf32, #tpu.memory_space<hbm>>
      tpu.wait_indirect_dma semaphore(%arg9 : memref<!tpu.dma_semaphore, #tpu.memory_space<semaphore_mem>>) src(%dma_wait3A_154 : memref<10240x64xf32, #tpu.memory_space<hbm>>) dst(%dma_wait3A_148 : memref<128x64xf32, #tpu.memory_space<vmem>>)
      %run_scoped3A_155 = arith.constant 0 : i32
      "tpu.region"() ({
        %run_scoped3A_321 = tpu.sem_alloc : memref<!tpu.dma_semaphore, #tpu.memory_space<semaphore_mem>>
        %dma_start3A_322 = arith.constant 0 : i32
        %dma_start3A_323 = arith.constant 0 : i32
        %dma_start3A_324 = tpu.memref_slice %arg8[%run_scoped3A_155, %dma_start3A_322, %dma_start3A_323] : memref<8x128x64xf32, #tpu.memory_space<vmem>> -> memref<1x128x64xf32, #tpu.memory_space<vmem>>
        %dma_start3A_325 = tpu.memref_squeeze %dma_start3A_324 : memref<1x128x64xf32, #tpu.memory_space<vmem>> -> memref<128x64xf32, #tpu.memory_space<vmem>>
        %dma_start3A_326 = arith.constant 0 : i32
        %dma_start3A_327 = tpu.memref_slice %arg7[%add3A_144, %dma_start3A_326] : memref<80x128xi32, #tpu.memory_space<vmem>> -> memref<1x128xi32, #tpu.memory_space<vmem>>
        %dma_start3A_328 = tpu.memref_squeeze %dma_start3A_327 : memref<1x128xi32, #tpu.memory_space<vmem>> -> memref<128xi32, #tpu.memory_space<vmem>>
        %dma_start3A_329 = arith.constant 0 : i32
        %dma_start3A_330 = arith.constant 0 : i32
        %dma_start3A_331 = tpu.memref_slice %arg17[%dma_start3A_329, %dma_start3A_330] : memref<10240x64xf32, #tpu.memory_space<vmem_shared>> -> memref<10240x64xf32, #tpu.memory_space<vmem_shared>>
        tpu.enqueue_indirect_dma source(%dma_start3A_325 : memref<128x64xf32, #tpu.memory_space<vmem>>) target(%dma_start3A_331 : memref<10240x64xf32, #tpu.memory_space<vmem_shared>>) offsets(%dma_start3A_328 : memref<128xi32, #tpu.memory_space<vmem>>) semaphore(%run_scoped3A_321 : memref<!tpu.dma_semaphore, #tpu.memory_space<semaphore_mem>>) {add = true}
        %dma_wait3A_332 = arith.constant 0 : i32
        %dma_wait3A_333 = arith.constant 0 : i32
        %dma_wait3A_334 = tpu.memref_slice %arg8[%run_scoped3A_155, %dma_wait3A_332, %dma_wait3A_333] : memref<8x128x64xf32, #tpu.memory_space<vmem>> -> memref<1x128x64xf32, #tpu.memory_space<vmem>>
        %dma_wait3A_335 = tpu.memref_squeeze %dma_wait3A_334 : memref<1x128x64xf32, #tpu.memory_space<vmem>> -> memref<128x64xf32, #tpu.memory_space<vmem>>
        %dma_wait3A_336 = arith.constant 0 : i32
        %dma_wait3A_337 = tpu.memref_slice %arg7[%add3A_144, %dma_wait3A_336] : memref<80x128xi32, #tpu.memory_space<vmem>> -> memref<1x128xi32, #tpu.memory_space<vmem>>
        %dma_wait3A_338 = tpu.memref_squeeze %dma_wait3A_337 : memref<1x128xi32, #tpu.memory_space<vmem>> -> memref<128xi32, #tpu.memory_space<vmem>>
        %dma_wait3A_339 = arith.constant 0 : i32
        %dma_wait3A_340 = arith.constant 0 : i32
        %dma_wait3A_341 = tpu.memref_slice %arg17[%dma_wait3A_339, %dma_wait3A_340] : memref<10240x64xf32, #tpu.memory_space<vmem_shared>> -> memref<10240x64xf32, #tpu.memory_space<vmem_shared>>
        tpu.wait_indirect_dma semaphore(%run_scoped3A_321 : memref<!tpu.dma_semaphore, #tpu.memory_space<semaphore_mem>>) src(%dma_wait3A_335 : memref<128x64xf32, #tpu.memory_space<vmem>>) dst(%dma_wait3A_341 : memref<10240x64xf32, #tpu.memory_space<vmem_shared>>)
        tpu.yield
      }) : () -> ()
      %add3A_156 = arith.constant 8 : i32
      %add3A_157 = arith.addi %add3A_144, %add3A_156 : i32
      %lt3A = arith.constant 80 : i32
      %lt3A_158 = arith.cmpi slt, %add3A_157, %lt3A : i32
      %convert_element_type3A = arith.extui %lt3A_158 : i1 to i32
      %cond3A = arith.constant 0 : i32
      %cond3A_159 = arith.cmpi ne, %convert_element_type3A, %cond3A : i32
      scf.if %cond3A_159 {
        %dma_start3A_321 = arith.constant 0 : i32
        %dma_start3A_322 = arith.constant 0 : i32
        %dma_start3A_323 = arith.constant 0 : i32
        %dma_start3A_324 = tpu.memref_slice %arg8[%dma_start3A_321, %dma_start3A_322, %dma_start3A_323] : memref<8x128x64xf32, #tpu.memory_space<vmem>> -> memref<1x128x64xf32, #tpu.memory_space<vmem>>
        %dma_start3A_325 = tpu.memref_squeeze %dma_start3A_324 : memref<1x128x64xf32, #tpu.memory_space<vmem>> -> memref<128x64xf32, #tpu.memory_space<vmem>>
        %dma_start3A_326 = arith.constant 0 : i32
        %dma_start3A_327 = tpu.memref_slice %arg6[%add3A_157, %dma_start3A_326] : memref<80x128xi32, #tpu.memory_space<vmem>> -> memref<1x128xi32, #tpu.memory_space<vmem>>
        %dma_start3A_328 = tpu.memref_squeeze %dma_start3A_327 : memref<1x128xi32, #tpu.memory_space<vmem>> -> memref<128xi32, #tpu.memory_space<vmem>>
        %dma_start3A_329 = arith.constant 0 : i32
        %dma_start3A_330 = arith.constant 0 : i32
        %dma_start3A_331 = tpu.memref_slice %arg2[%dma_start3A_329, %dma_start3A_330] : memref<10240x64xf32, #tpu.memory_space<hbm>> -> memref<10240x64xf32, #tpu.memory_space<hbm>>
        tpu.enqueue_indirect_dma source(%dma_start3A_331 : memref<10240x64xf32, #tpu.memory_space<hbm>>) target(%dma_start3A_325 : memref<128x64xf32, #tpu.memory_space<vmem>>) offsets(%dma_start3A_328 : memref<128xi32, #tpu.memory_space<vmem>>) semaphore(%arg9 : memref<!tpu.dma_semaphore, #tpu.memory_space<semaphore_mem>>)
      } else {
      }
      %mul3A_160 = arith.constant 8 : i32
      %mul3A_161 = arith.muli %scan3A_140, %mul3A_160 : i32
      %add3A_162 = arith.constant 1 : i32
      %add3A_163 = arith.addi %mul3A_161, %add3A_162 : i32
      %dma_wait3A_164 = arith.constant 1 : i32
      %dma_wait3A_165 = arith.constant 0 : i32
      %dma_wait3A_166 = arith.constant 0 : i32
      %dma_wait3A_167 = tpu.memref_slice %arg8[%dma_wait3A_164, %dma_wait3A_165, %dma_wait3A_166] : memref<8x128x64xf32, #tpu.memory_space<vmem>> -> memref<1x128x64xf32, #tpu.memory_space<vmem>>
      %dma_wait3A_168 = tpu.memref_squeeze %dma_wait3A_167 : memref<1x128x64xf32, #tpu.memory_space<vmem>> -> memref<128x64xf32, #tpu.memory_space<vmem>>
      %dma_wait3A_169 = arith.constant 0 : i32
      %dma_wait3A_170 = tpu.memref_slice %arg6[%add3A_163, %dma_wait3A_169] : memref<80x128xi32, #tpu.memory_space<vmem>> -> memref<1x128xi32, #tpu.memory_space<vmem>>
      %dma_wait3A_171 = tpu.memref_squeeze %dma_wait3A_170 : memref<1x128xi32, #tpu.memory_space<vmem>> -> memref<128xi32, #tpu.memory_space<vmem>>
      %dma_wait3A_172 = arith.constant 0 : i32
      %dma_wait3A_173 = arith.constant 0 : i32
      %dma_wait3A_174 = tpu.memref_slice %arg2[%dma_wait3A_172, %dma_wait3A_173] : memref<10240x64xf32, #tpu.memory_space<hbm>> -> memref<10240x64xf32, #tpu.memory_space<hbm>>
      tpu.wait_indirect_dma semaphore(%arg10 : memref<!tpu.dma_semaphore, #tpu.memory_space<semaphore_mem>>) src(%dma_wait3A_174 : memref<10240x64xf32, #tpu.memory_space<hbm>>) dst(%dma_wait3A_168 : memref<128x64xf32, #tpu.memory_space<vmem>>)
      %run_scoped3A_175 = arith.constant 1 : i32
      "tpu.region"() ({
        %run_scoped3A_321 = tpu.sem_alloc : memref<!tpu.dma_semaphore, #tpu.memory_space<semaphore_mem>>
        %dma_start3A_322 = arith.constant 0 : i32
        %dma_start3A_323 = arith.constant 0 : i32
        %dma_start3A_324 = tpu.memref_slice %arg8[%run_scoped3A_175, %dma_start3A_322, %dma_start3A_323] : memref<8x128x64xf32, #tpu.memory_space<vmem>> -> memref<1x128x64xf32, #tpu.memory_space<vmem>>
        %dma_start3A_325 = tpu.memref_squeeze %dma_start3A_324 : memref<1x128x64xf32, #tpu.memory_space<vmem>> -> memref<128x64xf32, #tpu.memory_space<vmem>>
        %dma_start3A_326 = arith.constant 0 : i32
        %dma_start3A_327 = tpu.memref_slice %arg7[%add3A_163, %dma_start3A_326] : memref<80x128xi32, #tpu.memory_space<vmem>> -> memref<1x128xi32, #tpu.memory_space<vmem>>
        %dma_start3A_328 = tpu.memref_squeeze %dma_start3A_327 : memref<1x128xi32, #tpu.memory_space<vmem>> -> memref<128xi32, #tpu.memory_space<vmem>>
        %dma_start3A_329 = arith.constant 0 : i32
        %dma_start3A_330 = arith.constant 0 : i32
        %dma_start3A_331 = tpu.memref_slice %arg17[%dma_start3A_329, %dma_start3A_330] : memref<10240x64xf32, #tpu.memory_space<vmem_shared>> -> memref<10240x64xf32, #tpu.memory_space<vmem_shared>>
        tpu.enqueue_indirect_dma source(%dma_start3A_325 : memref<128x64xf32, #tpu.memory_space<vmem>>) target(%dma_start3A_331 : memref<10240x64xf32, #tpu.memory_space<vmem_shared>>) offsets(%dma_start3A_328 : memref<128xi32, #tpu.memory_space<vmem>>) semaphore(%run_scoped3A_321 : memref<!tpu.dma_semaphore, #tpu.memory_space<semaphore_mem>>) {add = true}
        %dma_wait3A_332 = arith.constant 0 : i32
        %dma_wait3A_333 = arith.constant 0 : i32
        %dma_wait3A_334 = tpu.memref_slice %arg8[%run_scoped3A_175, %dma_wait3A_332, %dma_wait3A_333] : memref<8x128x64xf32, #tpu.memory_space<vmem>> -> memref<1x128x64xf32, #tpu.memory_space<vmem>>
        %dma_wait3A_335 = tpu.memref_squeeze %dma_wait3A_334 : memref<1x128x64xf32, #tpu.memory_space<vmem>> -> memref<128x64xf32, #tpu.memory_space<vmem>>
        %dma_wait3A_336 = arith.constant 0 : i32
        %dma_wait3A_337 = tpu.memref_slice %arg7[%add3A_163, %dma_wait3A_336] : memref<80x128xi32, #tpu.memory_space<vmem>> -> memref<1x128xi32, #tpu.memory_space<vmem>>
        %dma_wait3A_338 = tpu.memref_squeeze %dma_wait3A_337 : memref<1x128xi32, #tpu.memory_space<vmem>> -> memref<128xi32, #tpu.memory_space<vmem>>
        %dma_wait3A_339 = arith.constant 0 : i32
        %dma_wait3A_340 = arith.constant 0 : i32
        %dma_wait3A_341 = tpu.memref_slice %arg17[%dma_wait3A_339, %dma_wait3A_340] : memref<10240x64xf32, #tpu.memory_space<vmem_shared>> -> memref<10240x64xf32, #tpu.memory_space<vmem_shared>>
        tpu.wait_indirect_dma semaphore(%run_scoped3A_321 : memref<!tpu.dma_semaphore, #tpu.memory_space<semaphore_mem>>) src(%dma_wait3A_335 : memref<128x64xf32, #tpu.memory_space<vmem>>) dst(%dma_wait3A_341 : memref<10240x64xf32, #tpu.memory_space<vmem_shared>>)
        tpu.yield
      }) : () -> ()
      %add3A_176 = arith.constant 8 : i32
      %add3A_177 = arith.addi %add3A_163, %add3A_176 : i32
      %lt3A_178 = arith.constant 80 : i32
      %lt3A_179 = arith.cmpi slt, %add3A_177, %lt3A_178 : i32
      %convert_element_type3A_180 = arith.extui %lt3A_179 : i1 to i32
      %cond3A_181 = arith.constant 0 : i32
      %cond3A_182 = arith.cmpi ne, %convert_element_type3A_180, %cond3A_181 : i32
      scf.if %cond3A_182 {
        %dma_start3A_321 = arith.constant 1 : i32
        %dma_start3A_322 = arith.constant 0 : i32
        %dma_start3A_323 = arith.constant 0 : i32
        %dma_start3A_324 = tpu.memref_slice %arg8[%dma_start3A_321, %dma_start3A_322, %dma_start3A_323] : memref<8x128x64xf32, #tpu.memory_space<vmem>> -> memref<1x128x64xf32, #tpu.memory_space<vmem>>
        %dma_start3A_325 = tpu.memref_squeeze %dma_start3A_324 : memref<1x128x64xf32, #tpu.memory_space<vmem>> -> memref<128x64xf32, #tpu.memory_space<vmem>>
        %dma_start3A_326 = arith.constant 0 : i32
        %dma_start3A_327 = tpu.memref_slice %arg6[%add3A_177, %dma_start3A_326] : memref<80x128xi32, #tpu.memory_space<vmem>> -> memref<1x128xi32, #tpu.memory_space<vmem>>
        %dma_start3A_328 = tpu.memref_squeeze %dma_start3A_327 : memref<1x128xi32, #tpu.memory_space<vmem>> -> memref<128xi32, #tpu.memory_space<vmem>>
        %dma_start3A_329 = arith.constant 0 : i32
        %dma_start3A_330 = arith.constant 0 : i32
        %dma_start3A_331 = tpu.memref_slice %arg2[%dma_start3A_329, %dma_start3A_330] : memref<10240x64xf32, #tpu.memory_space<hbm>> -> memref<10240x64xf32, #tpu.memory_space<hbm>>
        tpu.enqueue_indirect_dma source(%dma_start3A_331 : memref<10240x64xf32, #tpu.memory_space<hbm>>) target(%dma_start3A_325 : memref<128x64xf32, #tpu.memory_space<vmem>>) offsets(%dma_start3A_328 : memref<128xi32, #tpu.memory_space<vmem>>) semaphore(%arg10 : memref<!tpu.dma_semaphore, #tpu.memory_space<semaphore_mem>>)
      } else {
      }
      %mul3A_183 = arith.constant 8 : i32
      %mul3A_184 = arith.muli %scan3A_140, %mul3A_183 : i32
      %add3A_185 = arith.constant 2 : i32
      %add3A_186 = arith.addi %mul3A_184, %add3A_185 : i32
      %dma_wait3A_187 = arith.constant 2 : i32
      %dma_wait3A_188 = arith.constant 0 : i32
      %dma_wait3A_189 = arith.constant 0 : i32
      %dma_wait3A_190 = tpu.memref_slice %arg8[%dma_wait3A_187, %dma_wait3A_188, %dma_wait3A_189] : memref<8x128x64xf32, #tpu.memory_space<vmem>> -> memref<1x128x64xf32, #tpu.memory_space<vmem>>
      %dma_wait3A_191 = tpu.memref_squeeze %dma_wait3A_190 : memref<1x128x64xf32, #tpu.memory_space<vmem>> -> memref<128x64xf32, #tpu.memory_space<vmem>>
      %dma_wait3A_192 = arith.constant 0 : i32
      %dma_wait3A_193 = tpu.memref_slice %arg6[%add3A_186, %dma_wait3A_192] : memref<80x128xi32, #tpu.memory_space<vmem>> -> memref<1x128xi32, #tpu.memory_space<vmem>>
      %dma_wait3A_194 = tpu.memref_squeeze %dma_wait3A_193 : memref<1x128xi32, #tpu.memory_space<vmem>> -> memref<128xi32, #tpu.memory_space<vmem>>
      %dma_wait3A_195 = arith.constant 0 : i32
      %dma_wait3A_196 = arith.constant 0 : i32
      %dma_wait3A_197 = tpu.memref_slice %arg2[%dma_wait3A_195, %dma_wait3A_196] : memref<10240x64xf32, #tpu.memory_space<hbm>> -> memref<10240x64xf32, #tpu.memory_space<hbm>>
      tpu.wait_indirect_dma semaphore(%arg11 : memref<!tpu.dma_semaphore, #tpu.memory_space<semaphore_mem>>) src(%dma_wait3A_197 : memref<10240x64xf32, #tpu.memory_space<hbm>>) dst(%dma_wait3A_191 : memref<128x64xf32, #tpu.memory_space<vmem>>)
      %run_scoped3A_198 = arith.constant 2 : i32
      "tpu.region"() ({
        %run_scoped3A_321 = tpu.sem_alloc : memref<!tpu.dma_semaphore, #tpu.memory_space<semaphore_mem>>
        %dma_start3A_322 = arith.constant 0 : i32
        %dma_start3A_323 = arith.constant 0 : i32
        %dma_start3A_324 = tpu.memref_slice %arg8[%run_scoped3A_198, %dma_start3A_322, %dma_start3A_323] : memref<8x128x64xf32, #tpu.memory_space<vmem>> -> memref<1x128x64xf32, #tpu.memory_space<vmem>>
        %dma_start3A_325 = tpu.memref_squeeze %dma_start3A_324 : memref<1x128x64xf32, #tpu.memory_space<vmem>> -> memref<128x64xf32, #tpu.memory_space<vmem>>
        %dma_start3A_326 = arith.constant 0 : i32
        %dma_start3A_327 = tpu.memref_slice %arg7[%add3A_186, %dma_start3A_326] : memref<80x128xi32, #tpu.memory_space<vmem>> -> memref<1x128xi32, #tpu.memory_space<vmem>>
        %dma_start3A_328 = tpu.memref_squeeze %dma_start3A_327 : memref<1x128xi32, #tpu.memory_space<vmem>> -> memref<128xi32, #tpu.memory_space<vmem>>
        %dma_start3A_329 = arith.constant 0 : i32
        %dma_start3A_330 = arith.constant 0 : i32
        %dma_start3A_331 = tpu.memref_slice %arg17[%dma_start3A_329, %dma_start3A_330] : memref<10240x64xf32, #tpu.memory_space<vmem_shared>> -> memref<10240x64xf32, #tpu.memory_space<vmem_shared>>
        tpu.enqueue_indirect_dma source(%dma_start3A_325 : memref<128x64xf32, #tpu.memory_space<vmem>>) target(%dma_start3A_331 : memref<10240x64xf32, #tpu.memory_space<vmem_shared>>) offsets(%dma_start3A_328 : memref<128xi32, #tpu.memory_space<vmem>>) semaphore(%run_scoped3A_321 : memref<!tpu.dma_semaphore, #tpu.memory_space<semaphore_mem>>) {add = true}
        %dma_wait3A_332 = arith.constant 0 : i32
        %dma_wait3A_333 = arith.constant 0 : i32
        %dma_wait3A_334 = tpu.memref_slice %arg8[%run_scoped3A_198, %dma_wait3A_332, %dma_wait3A_333] : memref<8x128x64xf32, #tpu.memory_space<vmem>> -> memref<1x128x64xf32, #tpu.memory_space<vmem>>
        %dma_wait3A_335 = tpu.memref_squeeze %dma_wait3A_334 : memref<1x128x64xf32, #tpu.memory_space<vmem>> -> memref<128x64xf32, #tpu.memory_space<vmem>>
        %dma_wait3A_336 = arith.constant 0 : i32
        %dma_wait3A_337 = tpu.memref_slice %arg7[%add3A_186, %dma_wait3A_336] : memref<80x128xi32, #tpu.memory_space<vmem>> -> memref<1x128xi32, #tpu.memory_space<vmem>>
        %dma_wait3A_338 = tpu.memref_squeeze %dma_wait3A_337 : memref<1x128xi32, #tpu.memory_space<vmem>> -> memref<128xi32, #tpu.memory_space<vmem>>
        %dma_wait3A_339 = arith.constant 0 : i32
        %dma_wait3A_340 = arith.constant 0 : i32
        %dma_wait3A_341 = tpu.memref_slice %arg17[%dma_wait3A_339, %dma_wait3A_340] : memref<10240x64xf32, #tpu.memory_space<vmem_shared>> -> memref<10240x64xf32, #tpu.memory_space<vmem_shared>>
        tpu.wait_indirect_dma semaphore(%run_scoped3A_321 : memref<!tpu.dma_semaphore, #tpu.memory_space<semaphore_mem>>) src(%dma_wait3A_335 : memref<128x64xf32, #tpu.memory_space<vmem>>) dst(%dma_wait3A_341 : memref<10240x64xf32, #tpu.memory_space<vmem_shared>>)
        tpu.yield
      }) : () -> ()
      %add3A_199 = arith.constant 8 : i32
      %add3A_200 = arith.addi %add3A_186, %add3A_199 : i32
      %lt3A_201 = arith.constant 80 : i32
      %lt3A_202 = arith.cmpi slt, %add3A_200, %lt3A_201 : i32
      %convert_element_type3A_203 = arith.extui %lt3A_202 : i1 to i32
      %cond3A_204 = arith.constant 0 : i32
      %cond3A_205 = arith.cmpi ne, %convert_element_type3A_203, %cond3A_204 : i32
      scf.if %cond3A_205 {
        %dma_start3A_321 = arith.constant 2 : i32
        %dma_start3A_322 = arith.constant 0 : i32
        %dma_start3A_323 = arith.constant 0 : i32
        %dma_start3A_324 = tpu.memref_slice %arg8[%dma_start3A_321, %dma_start3A_322, %dma_start3A_323] : memref<8x128x64xf32, #tpu.memory_space<vmem>> -> memref<1x128x64xf32, #tpu.memory_space<vmem>>
        %dma_start3A_325 = tpu.memref_squeeze %dma_start3A_324 : memref<1x128x64xf32, #tpu.memory_space<vmem>> -> memref<128x64xf32, #tpu.memory_space<vmem>>
        %dma_start3A_326 = arith.constant 0 : i32
        %dma_start3A_327 = tpu.memref_slice %arg6[%add3A_200, %dma_start3A_326] : memref<80x128xi32, #tpu.memory_space<vmem>> -> memref<1x128xi32, #tpu.memory_space<vmem>>
        %dma_start3A_328 = tpu.memref_squeeze %dma_start3A_327 : memref<1x128xi32, #tpu.memory_space<vmem>> -> memref<128xi32, #tpu.memory_space<vmem>>
        %dma_start3A_329 = arith.constant 0 : i32
        %dma_start3A_330 = arith.constant 0 : i32
        %dma_start3A_331 = tpu.memref_slice %arg2[%dma_start3A_329, %dma_start3A_330] : memref<10240x64xf32, #tpu.memory_space<hbm>> -> memref<10240x64xf32, #tpu.memory_space<hbm>>
        tpu.enqueue_indirect_dma source(%dma_start3A_331 : memref<10240x64xf32, #tpu.memory_space<hbm>>) target(%dma_start3A_325 : memref<128x64xf32, #tpu.memory_space<vmem>>) offsets(%dma_start3A_328 : memref<128xi32, #tpu.memory_space<vmem>>) semaphore(%arg11 : memref<!tpu.dma_semaphore, #tpu.memory_space<semaphore_mem>>)
      } else {
      }
      %mul3A_206 = arith.constant 8 : i32
      %mul3A_207 = arith.muli %scan3A_140, %mul3A_206 : i32
      %add3A_208 = arith.constant 3 : i32
      %add3A_209 = arith.addi %mul3A_207, %add3A_208 : i32
      %dma_wait3A_210 = arith.constant 3 : i32
      %dma_wait3A_211 = arith.constant 0 : i32
      %dma_wait3A_212 = arith.constant 0 : i32
      %dma_wait3A_213 = tpu.memref_slice %arg8[%dma_wait3A_210, %dma_wait3A_211, %dma_wait3A_212] : memref<8x128x64xf32, #tpu.memory_space<vmem>> -> memref<1x128x64xf32, #tpu.memory_space<vmem>>
      %dma_wait3A_214 = tpu.memref_squeeze %dma_wait3A_213 : memref<1x128x64xf32, #tpu.memory_space<vmem>> -> memref<128x64xf32, #tpu.memory_space<vmem>>
      %dma_wait3A_215 = arith.constant 0 : i32
      %dma_wait3A_216 = tpu.memref_slice %arg6[%add3A_209, %dma_wait3A_215] : memref<80x128xi32, #tpu.memory_space<vmem>> -> memref<1x128xi32, #tpu.memory_space<vmem>>
      %dma_wait3A_217 = tpu.memref_squeeze %dma_wait3A_216 : memref<1x128xi32, #tpu.memory_space<vmem>> -> memref<128xi32, #tpu.memory_space<vmem>>
      %dma_wait3A_218 = arith.constant 0 : i32
      %dma_wait3A_219 = arith.constant 0 : i32
      %dma_wait3A_220 = tpu.memref_slice %arg2[%dma_wait3A_218, %dma_wait3A_219] : memref<10240x64xf32, #tpu.memory_space<hbm>> -> memref<10240x64xf32, #tpu.memory_space<hbm>>
      tpu.wait_indirect_dma semaphore(%arg12 : memref<!tpu.dma_semaphore, #tpu.memory_space<semaphore_mem>>) src(%dma_wait3A_220 : memref<10240x64xf32, #tpu.memory_space<hbm>>) dst(%dma_wait3A_214 : memref<128x64xf32, #tpu.memory_space<vmem>>)
      %run_scoped3A_221 = arith.constant 3 : i32
      "tpu.region"() ({
        %run_scoped3A_321 = tpu.sem_alloc : memref<!tpu.dma_semaphore, #tpu.memory_space<semaphore_mem>>
        %dma_start3A_322 = arith.constant 0 : i32
        %dma_start3A_323 = arith.constant 0 : i32
        %dma_start3A_324 = tpu.memref_slice %arg8[%run_scoped3A_221, %dma_start3A_322, %dma_start3A_323] : memref<8x128x64xf32, #tpu.memory_space<vmem>> -> memref<1x128x64xf32, #tpu.memory_space<vmem>>
        %dma_start3A_325 = tpu.memref_squeeze %dma_start3A_324 : memref<1x128x64xf32, #tpu.memory_space<vmem>> -> memref<128x64xf32, #tpu.memory_space<vmem>>
        %dma_start3A_326 = arith.constant 0 : i32
        %dma_start3A_327 = tpu.memref_slice %arg7[%add3A_209, %dma_start3A_326] : memref<80x128xi32, #tpu.memory_space<vmem>> -> memref<1x128xi32, #tpu.memory_space<vmem>>
        %dma_start3A_328 = tpu.memref_squeeze %dma_start3A_327 : memref<1x128xi32, #tpu.memory_space<vmem>> -> memref<128xi32, #tpu.memory_space<vmem>>
        %dma_start3A_329 = arith.constant 0 : i32
        %dma_start3A_330 = arith.constant 0 : i32
        %dma_start3A_331 = tpu.memref_slice %arg17[%dma_start3A_329, %dma_start3A_330] : memref<10240x64xf32, #tpu.memory_space<vmem_shared>> -> memref<10240x64xf32, #tpu.memory_space<vmem_shared>>
        tpu.enqueue_indirect_dma source(%dma_start3A_325 : memref<128x64xf32, #tpu.memory_space<vmem>>) target(%dma_start3A_331 : memref<10240x64xf32, #tpu.memory_space<vmem_shared>>) offsets(%dma_start3A_328 : memref<128xi32, #tpu.memory_space<vmem>>) semaphore(%run_scoped3A_321 : memref<!tpu.dma_semaphore, #tpu.memory_space<semaphore_mem>>) {add = true}
        %dma_wait3A_332 = arith.constant 0 : i32
        %dma_wait3A_333 = arith.constant 0 : i32
        %dma_wait3A_334 = tpu.memref_slice %arg8[%run_scoped3A_221, %dma_wait3A_332, %dma_wait3A_333] : memref<8x128x64xf32, #tpu.memory_space<vmem>> -> memref<1x128x64xf32, #tpu.memory_space<vmem>>
        %dma_wait3A_335 = tpu.memref_squeeze %dma_wait3A_334 : memref<1x128x64xf32, #tpu.memory_space<vmem>> -> memref<128x64xf32, #tpu.memory_space<vmem>>
        %dma_wait3A_336 = arith.constant 0 : i32
        %dma_wait3A_337 = tpu.memref_slice %arg7[%add3A_209, %dma_wait3A_336] : memref<80x128xi32, #tpu.memory_space<vmem>> -> memref<1x128xi32, #tpu.memory_space<vmem>>
        %dma_wait3A_338 = tpu.memref_squeeze %dma_wait3A_337 : memref<1x128xi32, #tpu.memory_space<vmem>> -> memref<128xi32, #tpu.memory_space<vmem>>
        %dma_wait3A_339 = arith.constant 0 : i32
        %dma_wait3A_340 = arith.constant 0 : i32
        %dma_wait3A_341 = tpu.memref_slice %arg17[%dma_wait3A_339, %dma_wait3A_340] : memref<10240x64xf32, #tpu.memory_space<vmem_shared>> -> memref<10240x64xf32, #tpu.memory_space<vmem_shared>>
        tpu.wait_indirect_dma semaphore(%run_scoped3A_321 : memref<!tpu.dma_semaphore, #tpu.memory_space<semaphore_mem>>) src(%dma_wait3A_335 : memref<128x64xf32, #tpu.memory_space<vmem>>) dst(%dma_wait3A_341 : memref<10240x64xf32, #tpu.memory_space<vmem_shared>>)
        tpu.yield
      }) : () -> ()
      %add3A_222 = arith.constant 8 : i32
      %add3A_223 = arith.addi %add3A_209, %add3A_222 : i32
      %lt3A_224 = arith.constant 80 : i32
      %lt3A_225 = arith.cmpi slt, %add3A_223, %lt3A_224 : i32
      %convert_element_type3A_226 = arith.extui %lt3A_225 : i1 to i32
      %cond3A_227 = arith.constant 0 : i32
      %cond3A_228 = arith.cmpi ne, %convert_element_type3A_226, %cond3A_227 : i32
      scf.if %cond3A_228 {
        %dma_start3A_321 = arith.constant 3 : i32
        %dma_start3A_322 = arith.constant 0 : i32
        %dma_start3A_323 = arith.constant 0 : i32
        %dma_start3A_324 = tpu.memref_slice %arg8[%dma_start3A_321, %dma_start3A_322, %dma_start3A_323] : memref<8x128x64xf32, #tpu.memory_space<vmem>> -> memref<1x128x64xf32, #tpu.memory_space<vmem>>
        %dma_start3A_325 = tpu.memref_squeeze %dma_start3A_324 : memref<1x128x64xf32, #tpu.memory_space<vmem>> -> memref<128x64xf32, #tpu.memory_space<vmem>>
        %dma_start3A_326 = arith.constant 0 : i32
        %dma_start3A_327 = tpu.memref_slice %arg6[%add3A_223, %dma_start3A_326] : memref<80x128xi32, #tpu.memory_space<vmem>> -> memref<1x128xi32, #tpu.memory_space<vmem>>
        %dma_start3A_328 = tpu.memref_squeeze %dma_start3A_327 : memref<1x128xi32, #tpu.memory_space<vmem>> -> memref<128xi32, #tpu.memory_space<vmem>>
        %dma_start3A_329 = arith.constant 0 : i32
        %dma_start3A_330 = arith.constant 0 : i32
        %dma_start3A_331 = tpu.memref_slice %arg2[%dma_start3A_329, %dma_start3A_330] : memref<10240x64xf32, #tpu.memory_space<hbm>> -> memref<10240x64xf32, #tpu.memory_space<hbm>>
        tpu.enqueue_indirect_dma source(%dma_start3A_331 : memref<10240x64xf32, #tpu.memory_space<hbm>>) target(%dma_start3A_325 : memref<128x64xf32, #tpu.memory_space<vmem>>) offsets(%dma_start3A_328 : memref<128xi32, #tpu.memory_space<vmem>>) semaphore(%arg12 : memref<!tpu.dma_semaphore, #tpu.memory_space<semaphore_mem>>)
      } else {
      }
      %mul3A_229 = arith.constant 8 : i32
      %mul3A_230 = arith.muli %scan3A_140, %mul3A_229 : i32
      %add3A_231 = arith.constant 4 : i32
      %add3A_232 = arith.addi %mul3A_230, %add3A_231 : i32
      %dma_wait3A_233 = arith.constant 4 : i32
      %dma_wait3A_234 = arith.constant 0 : i32
      %dma_wait3A_235 = arith.constant 0 : i32
      %dma_wait3A_236 = tpu.memref_slice %arg8[%dma_wait3A_233, %dma_wait3A_234, %dma_wait3A_235] : memref<8x128x64xf32, #tpu.memory_space<vmem>> -> memref<1x128x64xf32, #tpu.memory_space<vmem>>
      %dma_wait3A_237 = tpu.memref_squeeze %dma_wait3A_236 : memref<1x128x64xf32, #tpu.memory_space<vmem>> -> memref<128x64xf32, #tpu.memory_space<vmem>>
      %dma_wait3A_238 = arith.constant 0 : i32
      %dma_wait3A_239 = tpu.memref_slice %arg6[%add3A_232, %dma_wait3A_238] : memref<80x128xi32, #tpu.memory_space<vmem>> -> memref<1x128xi32, #tpu.memory_space<vmem>>
      %dma_wait3A_240 = tpu.memref_squeeze %dma_wait3A_239 : memref<1x128xi32, #tpu.memory_space<vmem>> -> memref<128xi32, #tpu.memory_space<vmem>>
      %dma_wait3A_241 = arith.constant 0 : i32
      %dma_wait3A_242 = arith.constant 0 : i32
      %dma_wait3A_243 = tpu.memref_slice %arg2[%dma_wait3A_241, %dma_wait3A_242] : memref<10240x64xf32, #tpu.memory_space<hbm>> -> memref<10240x64xf32, #tpu.memory_space<hbm>>
      tpu.wait_indirect_dma semaphore(%arg13 : memref<!tpu.dma_semaphore, #tpu.memory_space<semaphore_mem>>) src(%dma_wait3A_243 : memref<10240x64xf32, #tpu.memory_space<hbm>>) dst(%dma_wait3A_237 : memref<128x64xf32, #tpu.memory_space<vmem>>)
      %run_scoped3A_244 = arith.constant 4 : i32
      "tpu.region"() ({
        %run_scoped3A_321 = tpu.sem_alloc : memref<!tpu.dma_semaphore, #tpu.memory_space<semaphore_mem>>
        %dma_start3A_322 = arith.constant 0 : i32
        %dma_start3A_323 = arith.constant 0 : i32
        %dma_start3A_324 = tpu.memref_slice %arg8[%run_scoped3A_244, %dma_start3A_322, %dma_start3A_323] : memref<8x128x64xf32, #tpu.memory_space<vmem>> -> memref<1x128x64xf32, #tpu.memory_space<vmem>>
        %dma_start3A_325 = tpu.memref_squeeze %dma_start3A_324 : memref<1x128x64xf32, #tpu.memory_space<vmem>> -> memref<128x64xf32, #tpu.memory_space<vmem>>
        %dma_start3A_326 = arith.constant 0 : i32
        %dma_start3A_327 = tpu.memref_slice %arg7[%add3A_232, %dma_start3A_326] : memref<80x128xi32, #tpu.memory_space<vmem>> -> memref<1x128xi32, #tpu.memory_space<vmem>>
        %dma_start3A_328 = tpu.memref_squeeze %dma_start3A_327 : memref<1x128xi32, #tpu.memory_space<vmem>> -> memref<128xi32, #tpu.memory_space<vmem>>
        %dma_start3A_329 = arith.constant 0 : i32
        %dma_start3A_330 = arith.constant 0 : i32
        %dma_start3A_331 = tpu.memref_slice %arg17[%dma_start3A_329, %dma_start3A_330] : memref<10240x64xf32, #tpu.memory_space<vmem_shared>> -> memref<10240x64xf32, #tpu.memory_space<vmem_shared>>
        tpu.enqueue_indirect_dma source(%dma_start3A_325 : memref<128x64xf32, #tpu.memory_space<vmem>>) target(%dma_start3A_331 : memref<10240x64xf32, #tpu.memory_space<vmem_shared>>) offsets(%dma_start3A_328 : memref<128xi32, #tpu.memory_space<vmem>>) semaphore(%run_scoped3A_321 : memref<!tpu.dma_semaphore, #tpu.memory_space<semaphore_mem>>) {add = true}
        %dma_wait3A_332 = arith.constant 0 : i32
        %dma_wait3A_333 = arith.constant 0 : i32
        %dma_wait3A_334 = tpu.memref_slice %arg8[%run_scoped3A_244, %dma_wait3A_332, %dma_wait3A_333] : memref<8x128x64xf32, #tpu.memory_space<vmem>> -> memref<1x128x64xf32, #tpu.memory_space<vmem>>
        %dma_wait3A_335 = tpu.memref_squeeze %dma_wait3A_334 : memref<1x128x64xf32, #tpu.memory_space<vmem>> -> memref<128x64xf32, #tpu.memory_space<vmem>>
        %dma_wait3A_336 = arith.constant 0 : i32
        %dma_wait3A_337 = tpu.memref_slice %arg7[%add3A_232, %dma_wait3A_336] : memref<80x128xi32, #tpu.memory_space<vmem>> -> memref<1x128xi32, #tpu.memory_space<vmem>>
        %dma_wait3A_338 = tpu.memref_squeeze %dma_wait3A_337 : memref<1x128xi32, #tpu.memory_space<vmem>> -> memref<128xi32, #tpu.memory_space<vmem>>
        %dma_wait3A_339 = arith.constant 0 : i32
        %dma_wait3A_340 = arith.constant 0 : i32
        %dma_wait3A_341 = tpu.memref_slice %arg17[%dma_wait3A_339, %dma_wait3A_340] : memref<10240x64xf32, #tpu.memory_space<vmem_shared>> -> memref<10240x64xf32, #tpu.memory_space<vmem_shared>>
        tpu.wait_indirect_dma semaphore(%run_scoped3A_321 : memref<!tpu.dma_semaphore, #tpu.memory_space<semaphore_mem>>) src(%dma_wait3A_335 : memref<128x64xf32, #tpu.memory_space<vmem>>) dst(%dma_wait3A_341 : memref<10240x64xf32, #tpu.memory_space<vmem_shared>>)
        tpu.yield
      }) : () -> ()
      %add3A_245 = arith.constant 8 : i32
      %add3A_246 = arith.addi %add3A_232, %add3A_245 : i32
      %lt3A_247 = arith.constant 80 : i32
      %lt3A_248 = arith.cmpi slt, %add3A_246, %lt3A_247 : i32
      %convert_element_type3A_249 = arith.extui %lt3A_248 : i1 to i32
      %cond3A_250 = arith.constant 0 : i32
      %cond3A_251 = arith.cmpi ne, %convert_element_type3A_249, %cond3A_250 : i32
      scf.if %cond3A_251 {
        %dma_start3A_321 = arith.constant 4 : i32
        %dma_start3A_322 = arith.constant 0 : i32
        %dma_start3A_323 = arith.constant 0 : i32
        %dma_start3A_324 = tpu.memref_slice %arg8[%dma_start3A_321, %dma_start3A_322, %dma_start3A_323] : memref<8x128x64xf32, #tpu.memory_space<vmem>> -> memref<1x128x64xf32, #tpu.memory_space<vmem>>
        %dma_start3A_325 = tpu.memref_squeeze %dma_start3A_324 : memref<1x128x64xf32, #tpu.memory_space<vmem>> -> memref<128x64xf32, #tpu.memory_space<vmem>>
        %dma_start3A_326 = arith.constant 0 : i32
        %dma_start3A_327 = tpu.memref_slice %arg6[%add3A_246, %dma_start3A_326] : memref<80x128xi32, #tpu.memory_space<vmem>> -> memref<1x128xi32, #tpu.memory_space<vmem>>
        %dma_start3A_328 = tpu.memref_squeeze %dma_start3A_327 : memref<1x128xi32, #tpu.memory_space<vmem>> -> memref<128xi32, #tpu.memory_space<vmem>>
        %dma_start3A_329 = arith.constant 0 : i32
        %dma_start3A_330 = arith.constant 0 : i32
        %dma_start3A_331 = tpu.memref_slice %arg2[%dma_start3A_329, %dma_start3A_330] : memref<10240x64xf32, #tpu.memory_space<hbm>> -> memref<10240x64xf32, #tpu.memory_space<hbm>>
        tpu.enqueue_indirect_dma source(%dma_start3A_331 : memref<10240x64xf32, #tpu.memory_space<hbm>>) target(%dma_start3A_325 : memref<128x64xf32, #tpu.memory_space<vmem>>) offsets(%dma_start3A_328 : memref<128xi32, #tpu.memory_space<vmem>>) semaphore(%arg13 : memref<!tpu.dma_semaphore, #tpu.memory_space<semaphore_mem>>)
      } else {
      }
      %mul3A_252 = arith.constant 8 : i32
      %mul3A_253 = arith.muli %scan3A_140, %mul3A_252 : i32
      %add3A_254 = arith.constant 5 : i32
      %add3A_255 = arith.addi %mul3A_253, %add3A_254 : i32
      %dma_wait3A_256 = arith.constant 5 : i32
      %dma_wait3A_257 = arith.constant 0 : i32
      %dma_wait3A_258 = arith.constant 0 : i32
      %dma_wait3A_259 = tpu.memref_slice %arg8[%dma_wait3A_256, %dma_wait3A_257, %dma_wait3A_258] : memref<8x128x64xf32, #tpu.memory_space<vmem>> -> memref<1x128x64xf32, #tpu.memory_space<vmem>>
      %dma_wait3A_260 = tpu.memref_squeeze %dma_wait3A_259 : memref<1x128x64xf32, #tpu.memory_space<vmem>> -> memref<128x64xf32, #tpu.memory_space<vmem>>
      %dma_wait3A_261 = arith.constant 0 : i32
      %dma_wait3A_262 = tpu.memref_slice %arg6[%add3A_255, %dma_wait3A_261] : memref<80x128xi32, #tpu.memory_space<vmem>> -> memref<1x128xi32, #tpu.memory_space<vmem>>
      %dma_wait3A_263 = tpu.memref_squeeze %dma_wait3A_262 : memref<1x128xi32, #tpu.memory_space<vmem>> -> memref<128xi32, #tpu.memory_space<vmem>>
      %dma_wait3A_264 = arith.constant 0 : i32
      %dma_wait3A_265 = arith.constant 0 : i32
      %dma_wait3A_266 = tpu.memref_slice %arg2[%dma_wait3A_264, %dma_wait3A_265] : memref<10240x64xf32, #tpu.memory_space<hbm>> -> memref<10240x64xf32, #tpu.memory_space<hbm>>
      tpu.wait_indirect_dma semaphore(%arg14 : memref<!tpu.dma_semaphore, #tpu.memory_space<semaphore_mem>>) src(%dma_wait3A_266 : memref<10240x64xf32, #tpu.memory_space<hbm>>) dst(%dma_wait3A_260 : memref<128x64xf32, #tpu.memory_space<vmem>>)
      %run_scoped3A_267 = arith.constant 5 : i32
      "tpu.region"() ({
        %run_scoped3A_321 = tpu.sem_alloc : memref<!tpu.dma_semaphore, #tpu.memory_space<semaphore_mem>>
        %dma_start3A_322 = arith.constant 0 : i32
        %dma_start3A_323 = arith.constant 0 : i32
        %dma_start3A_324 = tpu.memref_slice %arg8[%run_scoped3A_267, %dma_start3A_322, %dma_start3A_323] : memref<8x128x64xf32, #tpu.memory_space<vmem>> -> memref<1x128x64xf32, #tpu.memory_space<vmem>>
        %dma_start3A_325 = tpu.memref_squeeze %dma_start3A_324 : memref<1x128x64xf32, #tpu.memory_space<vmem>> -> memref<128x64xf32, #tpu.memory_space<vmem>>
        %dma_start3A_326 = arith.constant 0 : i32
        %dma_start3A_327 = tpu.memref_slice %arg7[%add3A_255, %dma_start3A_326] : memref<80x128xi32, #tpu.memory_space<vmem>> -> memref<1x128xi32, #tpu.memory_space<vmem>>
        %dma_start3A_328 = tpu.memref_squeeze %dma_start3A_327 : memref<1x128xi32, #tpu.memory_space<vmem>> -> memref<128xi32, #tpu.memory_space<vmem>>
        %dma_start3A_329 = arith.constant 0 : i32
        %dma_start3A_330 = arith.constant 0 : i32
        %dma_start3A_331 = tpu.memref_slice %arg17[%dma_start3A_329, %dma_start3A_330] : memref<10240x64xf32, #tpu.memory_space<vmem_shared>> -> memref<10240x64xf32, #tpu.memory_space<vmem_shared>>
        tpu.enqueue_indirect_dma source(%dma_start3A_325 : memref<128x64xf32, #tpu.memory_space<vmem>>) target(%dma_start3A_331 : memref<10240x64xf32, #tpu.memory_space<vmem_shared>>) offsets(%dma_start3A_328 : memref<128xi32, #tpu.memory_space<vmem>>) semaphore(%run_scoped3A_321 : memref<!tpu.dma_semaphore, #tpu.memory_space<semaphore_mem>>) {add = true}
        %dma_wait3A_332 = arith.constant 0 : i32
        %dma_wait3A_333 = arith.constant 0 : i32
        %dma_wait3A_334 = tpu.memref_slice %arg8[%run_scoped3A_267, %dma_wait3A_332, %dma_wait3A_333] : memref<8x128x64xf32, #tpu.memory_space<vmem>> -> memref<1x128x64xf32, #tpu.memory_space<vmem>>
        %dma_wait3A_335 = tpu.memref_squeeze %dma_wait3A_334 : memref<1x128x64xf32, #tpu.memory_space<vmem>> -> memref<128x64xf32, #tpu.memory_space<vmem>>
        %dma_wait3A_336 = arith.constant 0 : i32
        %dma_wait3A_337 = tpu.memref_slice %arg7[%add3A_255, %dma_wait3A_336] : memref<80x128xi32, #tpu.memory_space<vmem>> -> memref<1x128xi32, #tpu.memory_space<vmem>>
        %dma_wait3A_338 = tpu.memref_squeeze %dma_wait3A_337 : memref<1x128xi32, #tpu.memory_space<vmem>> -> memref<128xi32, #tpu.memory_space<vmem>>
        %dma_wait3A_339 = arith.constant 0 : i32
        %dma_wait3A_340 = arith.constant 0 : i32
        %dma_wait3A_341 = tpu.memref_slice %arg17[%dma_wait3A_339, %dma_wait3A_340] : memref<10240x64xf32, #tpu.memory_space<vmem_shared>> -> memref<10240x64xf32, #tpu.memory_space<vmem_shared>>
        tpu.wait_indirect_dma semaphore(%run_scoped3A_321 : memref<!tpu.dma_semaphore, #tpu.memory_space<semaphore_mem>>) src(%dma_wait3A_335 : memref<128x64xf32, #tpu.memory_space<vmem>>) dst(%dma_wait3A_341 : memref<10240x64xf32, #tpu.memory_space<vmem_shared>>)
        tpu.yield
      }) : () -> ()
      %add3A_268 = arith.constant 8 : i32
      %add3A_269 = arith.addi %add3A_255, %add3A_268 : i32
      %lt3A_270 = arith.constant 80 : i32
      %lt3A_271 = arith.cmpi slt, %add3A_269, %lt3A_270 : i32
      %convert_element_type3A_272 = arith.extui %lt3A_271 : i1 to i32
      %cond3A_273 = arith.constant 0 : i32
      %cond3A_274 = arith.cmpi ne, %convert_element_type3A_272, %cond3A_273 : i32
      scf.if %cond3A_274 {
        %dma_start3A_321 = arith.constant 5 : i32
        %dma_start3A_322 = arith.constant 0 : i32
        %dma_start3A_323 = arith.constant 0 : i32
        %dma_start3A_324 = tpu.memref_slice %arg8[%dma_start3A_321, %dma_start3A_322, %dma_start3A_323] : memref<8x128x64xf32, #tpu.memory_space<vmem>> -> memref<1x128x64xf32, #tpu.memory_space<vmem>>
        %dma_start3A_325 = tpu.memref_squeeze %dma_start3A_324 : memref<1x128x64xf32, #tpu.memory_space<vmem>> -> memref<128x64xf32, #tpu.memory_space<vmem>>
        %dma_start3A_326 = arith.constant 0 : i32
        %dma_start3A_327 = tpu.memref_slice %arg6[%add3A_269, %dma_start3A_326] : memref<80x128xi32, #tpu.memory_space<vmem>> -> memref<1x128xi32, #tpu.memory_space<vmem>>
        %dma_start3A_328 = tpu.memref_squeeze %dma_start3A_327 : memref<1x128xi32, #tpu.memory_space<vmem>> -> memref<128xi32, #tpu.memory_space<vmem>>
        %dma_start3A_329 = arith.constant 0 : i32
        %dma_start3A_330 = arith.constant 0 : i32
        %dma_start3A_331 = tpu.memref_slice %arg2[%dma_start3A_329, %dma_start3A_330] : memref<10240x64xf32, #tpu.memory_space<hbm>> -> memref<10240x64xf32, #tpu.memory_space<hbm>>
        tpu.enqueue_indirect_dma source(%dma_start3A_331 : memref<10240x64xf32, #tpu.memory_space<hbm>>) target(%dma_start3A_325 : memref<128x64xf32, #tpu.memory_space<vmem>>) offsets(%dma_start3A_328 : memref<128xi32, #tpu.memory_space<vmem>>) semaphore(%arg14 : memref<!tpu.dma_semaphore, #tpu.memory_space<semaphore_mem>>)
      } else {
      }
      %mul3A_275 = arith.constant 8 : i32
      %mul3A_276 = arith.muli %scan3A_140, %mul3A_275 : i32
      %add3A_277 = arith.constant 6 : i32
      %add3A_278 = arith.addi %mul3A_276, %add3A_277 : i32
      %dma_wait3A_279 = arith.constant 6 : i32
      %dma_wait3A_280 = arith.constant 0 : i32
      %dma_wait3A_281 = arith.constant 0 : i32
      %dma_wait3A_282 = tpu.memref_slice %arg8[%dma_wait3A_279, %dma_wait3A_280, %dma_wait3A_281] : memref<8x128x64xf32, #tpu.memory_space<vmem>> -> memref<1x128x64xf32, #tpu.memory_space<vmem>>
      %dma_wait3A_283 = tpu.memref_squeeze %dma_wait3A_282 : memref<1x128x64xf32, #tpu.memory_space<vmem>> -> memref<128x64xf32, #tpu.memory_space<vmem>>
      %dma_wait3A_284 = arith.constant 0 : i32
      %dma_wait3A_285 = tpu.memref_slice %arg6[%add3A_278, %dma_wait3A_284] : memref<80x128xi32, #tpu.memory_space<vmem>> -> memref<1x128xi32, #tpu.memory_space<vmem>>
      %dma_wait3A_286 = tpu.memref_squeeze %dma_wait3A_285 : memref<1x128xi32, #tpu.memory_space<vmem>> -> memref<128xi32, #tpu.memory_space<vmem>>
      %dma_wait3A_287 = arith.constant 0 : i32
      %dma_wait3A_288 = arith.constant 0 : i32
      %dma_wait3A_289 = tpu.memref_slice %arg2[%dma_wait3A_287, %dma_wait3A_288] : memref<10240x64xf32, #tpu.memory_space<hbm>> -> memref<10240x64xf32, #tpu.memory_space<hbm>>
      tpu.wait_indirect_dma semaphore(%arg15 : memref<!tpu.dma_semaphore, #tpu.memory_space<semaphore_mem>>) src(%dma_wait3A_289 : memref<10240x64xf32, #tpu.memory_space<hbm>>) dst(%dma_wait3A_283 : memref<128x64xf32, #tpu.memory_space<vmem>>)
      %run_scoped3A_290 = arith.constant 6 : i32
      "tpu.region"() ({
        %run_scoped3A_321 = tpu.sem_alloc : memref<!tpu.dma_semaphore, #tpu.memory_space<semaphore_mem>>
        %dma_start3A_322 = arith.constant 0 : i32
        %dma_start3A_323 = arith.constant 0 : i32
        %dma_start3A_324 = tpu.memref_slice %arg8[%run_scoped3A_290, %dma_start3A_322, %dma_start3A_323] : memref<8x128x64xf32, #tpu.memory_space<vmem>> -> memref<1x128x64xf32, #tpu.memory_space<vmem>>
        %dma_start3A_325 = tpu.memref_squeeze %dma_start3A_324 : memref<1x128x64xf32, #tpu.memory_space<vmem>> -> memref<128x64xf32, #tpu.memory_space<vmem>>
        %dma_start3A_326 = arith.constant 0 : i32
        %dma_start3A_327 = tpu.memref_slice %arg7[%add3A_278, %dma_start3A_326] : memref<80x128xi32, #tpu.memory_space<vmem>> -> memref<1x128xi32, #tpu.memory_space<vmem>>
        %dma_start3A_328 = tpu.memref_squeeze %dma_start3A_327 : memref<1x128xi32, #tpu.memory_space<vmem>> -> memref<128xi32, #tpu.memory_space<vmem>>
        %dma_start3A_329 = arith.constant 0 : i32
        %dma_start3A_330 = arith.constant 0 : i32
        %dma_start3A_331 = tpu.memref_slice %arg17[%dma_start3A_329, %dma_start3A_330] : memref<10240x64xf32, #tpu.memory_space<vmem_shared>> -> memref<10240x64xf32, #tpu.memory_space<vmem_shared>>
        tpu.enqueue_indirect_dma source(%dma_start3A_325 : memref<128x64xf32, #tpu.memory_space<vmem>>) target(%dma_start3A_331 : memref<10240x64xf32, #tpu.memory_space<vmem_shared>>) offsets(%dma_start3A_328 : memref<128xi32, #tpu.memory_space<vmem>>) semaphore(%run_scoped3A_321 : memref<!tpu.dma_semaphore, #tpu.memory_space<semaphore_mem>>) {add = true}
        %dma_wait3A_332 = arith.constant 0 : i32
        %dma_wait3A_333 = arith.constant 0 : i32
        %dma_wait3A_334 = tpu.memref_slice %arg8[%run_scoped3A_290, %dma_wait3A_332, %dma_wait3A_333] : memref<8x128x64xf32, #tpu.memory_space<vmem>> -> memref<1x128x64xf32, #tpu.memory_space<vmem>>
        %dma_wait3A_335 = tpu.memref_squeeze %dma_wait3A_334 : memref<1x128x64xf32, #tpu.memory_space<vmem>> -> memref<128x64xf32, #tpu.memory_space<vmem>>
        %dma_wait3A_336 = arith.constant 0 : i32
        %dma_wait3A_337 = tpu.memref_slice %arg7[%add3A_278, %dma_wait3A_336] : memref<80x128xi32, #tpu.memory_space<vmem>> -> memref<1x128xi32, #tpu.memory_space<vmem>>
        %dma_wait3A_338 = tpu.memref_squeeze %dma_wait3A_337 : memref<1x128xi32, #tpu.memory_space<vmem>> -> memref<128xi32, #tpu.memory_space<vmem>>
        %dma_wait3A_339 = arith.constant 0 : i32
        %dma_wait3A_340 = arith.constant 0 : i32
        %dma_wait3A_341 = tpu.memref_slice %arg17[%dma_wait3A_339, %dma_wait3A_340] : memref<10240x64xf32, #tpu.memory_space<vmem_shared>> -> memref<10240x64xf32, #tpu.memory_space<vmem_shared>>
        tpu.wait_indirect_dma semaphore(%run_scoped3A_321 : memref<!tpu.dma_semaphore, #tpu.memory_space<semaphore_mem>>) src(%dma_wait3A_335 : memref<128x64xf32, #tpu.memory_space<vmem>>) dst(%dma_wait3A_341 : memref<10240x64xf32, #tpu.memory_space<vmem_shared>>)
        tpu.yield
      }) : () -> ()
      %add3A_291 = arith.constant 8 : i32
      %add3A_292 = arith.addi %add3A_278, %add3A_291 : i32
      %lt3A_293 = arith.constant 80 : i32
      %lt3A_294 = arith.cmpi slt, %add3A_292, %lt3A_293 : i32
      %convert_element_type3A_295 = arith.extui %lt3A_294 : i1 to i32
      %cond3A_296 = arith.constant 0 : i32
      %cond3A_297 = arith.cmpi ne, %convert_element_type3A_295, %cond3A_296 : i32
      scf.if %cond3A_297 {
        %dma_start3A_321 = arith.constant 6 : i32
        %dma_start3A_322 = arith.constant 0 : i32
        %dma_start3A_323 = arith.constant 0 : i32
        %dma_start3A_324 = tpu.memref_slice %arg8[%dma_start3A_321, %dma_start3A_322, %dma_start3A_323] : memref<8x128x64xf32, #tpu.memory_space<vmem>> -> memref<1x128x64xf32, #tpu.memory_space<vmem>>
        %dma_start3A_325 = tpu.memref_squeeze %dma_start3A_324 : memref<1x128x64xf32, #tpu.memory_space<vmem>> -> memref<128x64xf32, #tpu.memory_space<vmem>>
        %dma_start3A_326 = arith.constant 0 : i32
        %dma_start3A_327 = tpu.memref_slice %arg6[%add3A_292, %dma_start3A_326] : memref<80x128xi32, #tpu.memory_space<vmem>> -> memref<1x128xi32, #tpu.memory_space<vmem>>
        %dma_start3A_328 = tpu.memref_squeeze %dma_start3A_327 : memref<1x128xi32, #tpu.memory_space<vmem>> -> memref<128xi32, #tpu.memory_space<vmem>>
        %dma_start3A_329 = arith.constant 0 : i32
        %dma_start3A_330 = arith.constant 0 : i32
        %dma_start3A_331 = tpu.memref_slice %arg2[%dma_start3A_329, %dma_start3A_330] : memref<10240x64xf32, #tpu.memory_space<hbm>> -> memref<10240x64xf32, #tpu.memory_space<hbm>>
        tpu.enqueue_indirect_dma source(%dma_start3A_331 : memref<10240x64xf32, #tpu.memory_space<hbm>>) target(%dma_start3A_325 : memref<128x64xf32, #tpu.memory_space<vmem>>) offsets(%dma_start3A_328 : memref<128xi32, #tpu.memory_space<vmem>>) semaphore(%arg15 : memref<!tpu.dma_semaphore, #tpu.memory_space<semaphore_mem>>)
      } else {
      }
      %mul3A_298 = arith.constant 8 : i32
      %mul3A_299 = arith.muli %scan3A_140, %mul3A_298 : i32
      %add3A_300 = arith.constant 7 : i32
      %add3A_301 = arith.addi %mul3A_299, %add3A_300 : i32
      %dma_wait3A_302 = arith.constant 7 : i32
      %dma_wait3A_303 = arith.constant 0 : i32
      %dma_wait3A_304 = arith.constant 0 : i32
      %dma_wait3A_305 = tpu.memref_slice %arg8[%dma_wait3A_302, %dma_wait3A_303, %dma_wait3A_304] : memref<8x128x64xf32, #tpu.memory_space<vmem>> -> memref<1x128x64xf32, #tpu.memory_space<vmem>>
      %dma_wait3A_306 = tpu.memref_squeeze %dma_wait3A_305 : memref<1x128x64xf32, #tpu.memory_space<vmem>> -> memref<128x64xf32, #tpu.memory_space<vmem>>
      %dma_wait3A_307 = arith.constant 0 : i32
      %dma_wait3A_308 = tpu.memref_slice %arg6[%add3A_301, %dma_wait3A_307] : memref<80x128xi32, #tpu.memory_space<vmem>> -> memref<1x128xi32, #tpu.memory_space<vmem>>
      %dma_wait3A_309 = tpu.memref_squeeze %dma_wait3A_308 : memref<1x128xi32, #tpu.memory_space<vmem>> -> memref<128xi32, #tpu.memory_space<vmem>>
      %dma_wait3A_310 = arith.constant 0 : i32
      %dma_wait3A_311 = arith.constant 0 : i32
      %dma_wait3A_312 = tpu.memref_slice %arg2[%dma_wait3A_310, %dma_wait3A_311] : memref<10240x64xf32, #tpu.memory_space<hbm>> -> memref<10240x64xf32, #tpu.memory_space<hbm>>
      tpu.wait_indirect_dma semaphore(%arg16 : memref<!tpu.dma_semaphore, #tpu.memory_space<semaphore_mem>>) src(%dma_wait3A_312 : memref<10240x64xf32, #tpu.memory_space<hbm>>) dst(%dma_wait3A_306 : memref<128x64xf32, #tpu.memory_space<vmem>>)
      %run_scoped3A_313 = arith.constant 7 : i32
      "tpu.region"() ({
        %run_scoped3A_321 = tpu.sem_alloc : memref<!tpu.dma_semaphore, #tpu.memory_space<semaphore_mem>>
        %dma_start3A_322 = arith.constant 0 : i32
        %dma_start3A_323 = arith.constant 0 : i32
        %dma_start3A_324 = tpu.memref_slice %arg8[%run_scoped3A_313, %dma_start3A_322, %dma_start3A_323] : memref<8x128x64xf32, #tpu.memory_space<vmem>> -> memref<1x128x64xf32, #tpu.memory_space<vmem>>
        %dma_start3A_325 = tpu.memref_squeeze %dma_start3A_324 : memref<1x128x64xf32, #tpu.memory_space<vmem>> -> memref<128x64xf32, #tpu.memory_space<vmem>>
        %dma_start3A_326 = arith.constant 0 : i32
        %dma_start3A_327 = tpu.memref_slice %arg7[%add3A_301, %dma_start3A_326] : memref<80x128xi32, #tpu.memory_space<vmem>> -> memref<1x128xi32, #tpu.memory_space<vmem>>
        %dma_start3A_328 = tpu.memref_squeeze %dma_start3A_327 : memref<1x128xi32, #tpu.memory_space<vmem>> -> memref<128xi32, #tpu.memory_space<vmem>>
        %dma_start3A_329 = arith.constant 0 : i32
        %dma_start3A_330 = arith.constant 0 : i32
        %dma_start3A_331 = tpu.memref_slice %arg17[%dma_start3A_329, %dma_start3A_330] : memref<10240x64xf32, #tpu.memory_space<vmem_shared>> -> memref<10240x64xf32, #tpu.memory_space<vmem_shared>>
        tpu.enqueue_indirect_dma source(%dma_start3A_325 : memref<128x64xf32, #tpu.memory_space<vmem>>) target(%dma_start3A_331 : memref<10240x64xf32, #tpu.memory_space<vmem_shared>>) offsets(%dma_start3A_328 : memref<128xi32, #tpu.memory_space<vmem>>) semaphore(%run_scoped3A_321 : memref<!tpu.dma_semaphore, #tpu.memory_space<semaphore_mem>>) {add = true}
        %dma_wait3A_332 = arith.constant 0 : i32
        %dma_wait3A_333 = arith.constant 0 : i32
        %dma_wait3A_334 = tpu.memref_slice %arg8[%run_scoped3A_313, %dma_wait3A_332, %dma_wait3A_333] : memref<8x128x64xf32, #tpu.memory_space<vmem>> -> memref<1x128x64xf32, #tpu.memory_space<vmem>>
        %dma_wait3A_335 = tpu.memref_squeeze %dma_wait3A_334 : memref<1x128x64xf32, #tpu.memory_space<vmem>> -> memref<128x64xf32, #tpu.memory_space<vmem>>
        %dma_wait3A_336 = arith.constant 0 : i32
        %dma_wait3A_337 = tpu.memref_slice %arg7[%add3A_301, %dma_wait3A_336] : memref<80x128xi32, #tpu.memory_space<vmem>> -> memref<1x128xi32, #tpu.memory_space<vmem>>
        %dma_wait3A_338 = tpu.memref_squeeze %dma_wait3A_337 : memref<1x128xi32, #tpu.memory_space<vmem>> -> memref<128xi32, #tpu.memory_space<vmem>>
        %dma_wait3A_339 = arith.constant 0 : i32
        %dma_wait3A_340 = arith.constant 0 : i32
        %dma_wait3A_341 = tpu.memref_slice %arg17[%dma_wait3A_339, %dma_wait3A_340] : memref<10240x64xf32, #tpu.memory_space<vmem_shared>> -> memref<10240x64xf32, #tpu.memory_space<vmem_shared>>
        tpu.wait_indirect_dma semaphore(%run_scoped3A_321 : memref<!tpu.dma_semaphore, #tpu.memory_space<semaphore_mem>>) src(%dma_wait3A_335 : memref<128x64xf32, #tpu.memory_space<vmem>>) dst(%dma_wait3A_341 : memref<10240x64xf32, #tpu.memory_space<vmem_shared>>)
        tpu.yield
      }) : () -> ()
      %add3A_314 = arith.constant 8 : i32
      %add3A_315 = arith.addi %add3A_301, %add3A_314 : i32
      %lt3A_316 = arith.constant 80 : i32
      %lt3A_317 = arith.cmpi slt, %add3A_315, %lt3A_316 : i32
      %convert_element_type3A_318 = arith.extui %lt3A_317 : i1 to i32
      %cond3A_319 = arith.constant 0 : i32
      %cond3A_320 = arith.cmpi ne, %convert_element_type3A_318, %cond3A_319 : i32
      scf.if %cond3A_320 {
        %dma_start3A_321 = arith.constant 7 : i32
        %dma_start3A_322 = arith.constant 0 : i32
        %dma_start3A_323 = arith.constant 0 : i32
        %dma_start3A_324 = tpu.memref_slice %arg8[%dma_start3A_321, %dma_start3A_322, %dma_start3A_323] : memref<8x128x64xf32, #tpu.memory_space<vmem>> -> memref<1x128x64xf32, #tpu.memory_space<vmem>>
        %dma_start3A_325 = tpu.memref_squeeze %dma_start3A_324 : memref<1x128x64xf32, #tpu.memory_space<vmem>> -> memref<128x64xf32, #tpu.memory_space<vmem>>
        %dma_start3A_326 = arith.constant 0 : i32
        %dma_start3A_327 = tpu.memref_slice %arg6[%add3A_315, %dma_start3A_326] : memref<80x128xi32, #tpu.memory_space<vmem>> -> memref<1x128xi32, #tpu.memory_space<vmem>>
        %dma_start3A_328 = tpu.memref_squeeze %dma_start3A_327 : memref<1x128xi32, #tpu.memory_space<vmem>> -> memref<128xi32, #tpu.memory_space<vmem>>
        %dma_start3A_329 = arith.constant 0 : i32
        %dma_start3A_330 = arith.constant 0 : i32
        %dma_start3A_331 = tpu.memref_slice %arg2[%dma_start3A_329, %dma_start3A_330] : memref<10240x64xf32, #tpu.memory_space<hbm>> -> memref<10240x64xf32, #tpu.memory_space<hbm>>
        tpu.enqueue_indirect_dma source(%dma_start3A_331 : memref<10240x64xf32, #tpu.memory_space<hbm>>) target(%dma_start3A_325 : memref<128x64xf32, #tpu.memory_space<vmem>>) offsets(%dma_start3A_328 : memref<128xi32, #tpu.memory_space<vmem>>) semaphore(%arg16 : memref<!tpu.dma_semaphore, #tpu.memory_space<semaphore_mem>>)
      } else {
      }
    }
    %scan3A_134 = arith.constant 10 : i32
    %barrier3A_135 = arith.constant 0 : index
    tpu.barrier barrier_id(%barrier3A_135)
    %mul3A_136 = arith.constant 640 : i32
    %mul3A_137 = arith.muli %arg1, %mul3A_136 : i32
    %mul3A_138 = arith.constant 640 : i32
    %mul3A_139 = arith.muli %arg1, %mul3A_138 : i32
    "tpu.region"() ({
      %run_scoped3A_140 = tpu.sem_alloc : memref<!tpu.dma_semaphore, #tpu.memory_space<semaphore_mem>>
      %dma_start3A_141 = arith.constant 0 : i32
      %dma_start3A_142 = tpu.memref_slice %arg5[%arg0, %mul3A_139, %dma_start3A_141] : memref<2x10240x64xf32, #tpu.memory_space<hbm>> -> memref<1x640x64xf32, #tpu.memory_space<hbm>>
      %dma_start3A_143 = tpu.memref_squeeze %dma_start3A_142 : memref<1x640x64xf32, #tpu.memory_space<hbm>> -> memref<640x64xf32, #tpu.memory_space<hbm>>
      %dma_start3A_144 = arith.constant 0 : i32
      %dma_start3A_145 = tpu.memref_slice %arg17[%mul3A_137, %dma_start3A_144] : memref<10240x64xf32, #tpu.memory_space<vmem_shared>> -> memref<640x64xf32, #tpu.memory_space<vmem_shared>>
      tpu.enqueue_dma source(%dma_start3A_145 : memref<640x64xf32, #tpu.memory_space<vmem_shared>>) target(%dma_start3A_143 : memref<640x64xf32, #tpu.memory_space<hbm>>) target_semaphore(%run_scoped3A_140 : memref<!tpu.dma_semaphore, #tpu.memory_space<semaphore_mem>>)
      %dma_wait3A = arith.constant 0 : i32
      %dma_wait3A_146 = tpu.memref_slice %arg5[%arg0, %mul3A_139, %dma_wait3A] : memref<2x10240x64xf32, #tpu.memory_space<hbm>> -> memref<1x640x64xf32, #tpu.memory_space<hbm>>
      %dma_wait3A_147 = tpu.memref_squeeze %dma_wait3A_146 : memref<1x640x64xf32, #tpu.memory_space<hbm>> -> memref<640x64xf32, #tpu.memory_space<hbm>>
      %dma_wait3A_148 = arith.constant 0 : i32
      %dma_wait3A_149 = tpu.memref_slice %arg17[%mul3A_137, %dma_wait3A_148] : memref<10240x64xf32, #tpu.memory_space<vmem_shared>> -> memref<640x64xf32, #tpu.memory_space<vmem_shared>>
      tpu.wait_dma2 semaphore(%run_scoped3A_140 : memref<!tpu.dma_semaphore, #tpu.memory_space<semaphore_mem>>) src(%dma_wait3A_149 : memref<640x64xf32, #tpu.memory_space<vmem_shared>>) dst(%dma_wait3A_147 : memref<640x64xf32, #tpu.memory_space<hbm>>)
      tpu.yield
    }) : () -> ()
    return
  }
}

module attributes {stable_mosaic.version = 14 : i64} {
  func.func @_mm1_body(%arg0: i32, %arg1: memref<2048x128xf32, #tpu.memory_space<vmem>>, %arg2: memref<128x64xf32, #tpu.memory_space<vmem>>, %arg3: memref<2048x64xf32, #tpu.memory_space<vmem>>) attributes {dimension_semantics = [#tpu.dimension_semantics<arbitrary>], iteration_bounds = array<i64: 5>, scalar_prefetch = 0 : i64, scratch_operands = 0 : i64, tpu.core_type = #tpu.core_type<tc>, window_params = [{transform_indices = @transform_0, window_bounds = array<i64: 2048, 128>}, {pipeline_mode = #tpu.pipeline_mode<synchronous>, transform_indices = @transform_1, window_bounds = array<i64: 128, 64>}, {transform_indices = @transform_2, window_bounds = array<i64: 2048, 64>}]} {
    %get3A = arith.constant 0 : index
    %get3A_0 = arith.constant 0 : index
    %get3A_1 = vector.load %arg1[%get3A, %get3A_0] : memref<2048x128xf32, #tpu.memory_space<vmem>>, vector<2048x128xf32>
    %get3A_2 = arith.constant 0 : index
    %get3A_3 = arith.constant 0 : index
    %get3A_4 = vector.load %arg2[%get3A_2, %get3A_3] : memref<128x64xf32, #tpu.memory_space<vmem>>, vector<128x64xf32>
    %dot_general3A = arith.constant dense<0.000000e+00> : vector<2048x64xf32>
    %dot_general3A_5 = tpu.matmul %get3A_1, %get3A_4, %dot_general3A {dimension_numbers = #tpu.dot_dimension_numbers<[1], [0], [0], [1], [0, 0, 1, 1], [], []>, transpose_lhs_hint = false} : vector<2048x128xf32>, vector<128x64xf32>, vector<2048x64xf32> -> vector<2048x64xf32>
    %swap3A = arith.constant 0 : index
    %swap3A_6 = arith.constant 0 : index
    %swap3A_7 = vector.load %arg3[%swap3A, %swap3A_6] : memref<2048x64xf32, #tpu.memory_space<vmem>>, vector<2048x64xf32>
    tpu.vector_store %arg3[%swap3A, %swap3A_6], %dot_general3A_5 {strides = array<i32>} : memref<2048x64xf32, #tpu.memory_space<vmem>>, vector<2048x64xf32>,
    return
  }
  func.func @transform_0(%arg0: i32) -> (i32, i32) {
    %c0_i32 = arith.constant 0 : i32
    %c0_i32_0 = arith.constant 0 : i32
    return %arg0, %c0_i32 : i32, i32
  }
  func.func @transform_1(%arg0: i32) -> (i32, i32) {
    %c0_i32 = arith.constant 0 : i32
    %c0_i32_0 = arith.constant 0 : i32
    %c0_i32_1 = arith.constant 0 : i32
    return %c0_i32, %c0_i32_0 : i32, i32
  }
  func.func @transform_2(%arg0: i32) -> (i32, i32) {
    %c0_i32 = arith.constant 0 : i32
    %c0_i32_0 = arith.constant 0 : i32
    return %arg0, %c0_i32 : i32, i32
  }
}

module attributes {stable_mosaic.version = 14 : i64} {
  func.func @_scale_body(%arg0: i32, %arg1: memref<2x2048x1xf32, #tpu.memory_space<vmem>>, %arg2: memref<2048x64xf32, #tpu.memory_space<vmem>>, %arg3: memref<2048x1xf32, #tpu.memory_space<vmem>>, %arg4: memref<2048x64xf32, #tpu.memory_space<vmem>>) attributes {dimension_semantics = [#tpu.dimension_semantics<arbitrary>], iteration_bounds = array<i64: 5>, scalar_prefetch = 0 : i64, scratch_operands = 0 : i64, tpu.core_type = #tpu.core_type<tc>, window_params = [{transform_indices = @transform_0, window_bounds = array<i64: 2, 2048, 1>}, {transform_indices = @transform_1, window_bounds = array<i64: 2048, 64>}, {transform_indices = @transform_2, window_bounds = array<i64: 2048, 1>}, {transform_indices = @transform_3, window_bounds = array<i64: 2048, 64>}]} {
    %get3A = arith.constant 0 : index
    %get3A_0 = arith.constant 0 : index
    %get3A_1 = arith.constant 0 : index
    %get3A_2 = vector.load %arg1[%get3A, %get3A_0, %get3A_1] : memref<2x2048x1xf32, #tpu.memory_space<vmem>>, vector<1x2048x1xf32>
    %get3A_3 = vector.shape_cast %get3A_2 : vector<1x2048x1xf32> to vector<2048x1xf32>
    %get3A_4 = arith.constant 1 : index
    %get3A_5 = arith.constant 0 : index
    %get3A_6 = arith.constant 0 : index
    %get3A_7 = vector.load %arg1[%get3A_4, %get3A_5, %get3A_6] : memref<2x2048x1xf32, #tpu.memory_space<vmem>>, vector<1x2048x1xf32>
    %get3A_8 = vector.shape_cast %get3A_7 : vector<1x2048x1xf32> to vector<2048x1xf32>
    %add3A = arith.addf %get3A_3, %get3A_8 : vector<2048x1xf32>
    %add3A_9 = arith.constant 1.000000e+00 : f32
    %add3A_10 = vector.broadcast %add3A_9 : f32 to vector<2048x1xf32>
    %add3A_11 = arith.addf %add3A, %add3A_10 : vector<2048x1xf32>
    %gt3A = arith.constant 0.000000e+00 : f32
    %gt3A_12 = vector.broadcast %gt3A : f32 to vector<2048x1xf32>
    %gt3A_13 = arith.cmpf ogt, %add3A_11, %gt3A_12 : vector<2048x1xf32>
    %rsqrt3A = math.rsqrt %add3A_11 : vector<2048x1xf32>
    %jit3A = arith.constant 0.000000e+00 : f32
    %broadcast_in_dim3A = vector.broadcast %jit3A : f32 to vector<2048x1xf32>
    %select_n3A = arith.select %gt3A_13, %rsqrt3A, %broadcast_in_dim3A : vector<2048x1xi1>, vector<2048x1xf32>
    %swap3A = arith.constant 0 : index
    %swap3A_14 = arith.constant 0 : index
    %swap3A_15 = vector.load %arg3[%swap3A, %swap3A_14] : memref<2048x1xf32, #tpu.memory_space<vmem>>, vector<2048x1xf32>
    tpu.vector_store %arg3[%swap3A, %swap3A_14], %select_n3A {strides = array<i32>} : memref<2048x1xf32, #tpu.memory_space<vmem>>, vector<2048x1xf32>,
    %get3A_16 = arith.constant 0 : index
    %get3A_17 = arith.constant 0 : index
    %get3A_18 = vector.load %arg2[%get3A_16, %get3A_17] : memref<2048x64xf32, #tpu.memory_space<vmem>>, vector<2048x64xf32>
    %mul3A = vector.broadcast %select_n3A : vector<2048x1xf32> to vector<2048x64xf32>
    %mul3A_19 = arith.mulf %get3A_18, %mul3A : vector<2048x64xf32>
    %swap3A_20 = arith.constant 0 : index
    %swap3A_21 = arith.constant 0 : index
    %swap3A_22 = vector.load %arg4[%swap3A_20, %swap3A_21] : memref<2048x64xf32, #tpu.memory_space<vmem>>, vector<2048x64xf32>
    tpu.vector_store %arg4[%swap3A_20, %swap3A_21], %mul3A_19 {strides = array<i32>} : memref<2048x64xf32, #tpu.memory_space<vmem>>, vector<2048x64xf32>,
    return
  }
  func.func @transform_0(%arg0: i32) -> (i32, i32, i32) {
    %c0_i32 = arith.constant 0 : i32
    %c0_i32_0 = arith.constant 0 : i32
    %c0_i32_1 = arith.constant 0 : i32
    return %c0_i32, %arg0, %c0_i32_0 : i32, i32, i32
  }
  func.func @transform_1(%arg0: i32) -> (i32, i32) {
    %c0_i32 = arith.constant 0 : i32
    %c0_i32_0 = arith.constant 0 : i32
    return %arg0, %c0_i32 : i32, i32
  }
  func.func @transform_2(%arg0: i32) -> (i32, i32) {
    %c0_i32 = arith.constant 0 : i32
    %c0_i32_0 = arith.constant 0 : i32
    return %arg0, %c0_i32 : i32, i32
  }
  func.func @transform_3(%arg0: i32) -> (i32, i32) {
    %c0_i32 = arith.constant 0 : i32
    %c0_i32_0 = arith.constant 0 : i32
    return %arg0, %c0_i32 : i32, i32
  }
}

module attributes {stable_mosaic.version = 14 : i64} {
  func.func @_mid_body(%arg0: i32, %arg1: memref<2x2048x64xf32, #tpu.memory_space<vmem>>, %arg2: memref<2048x64xf32, #tpu.memory_space<vmem>>, %arg3: memref<2048x1xf32, #tpu.memory_space<vmem>>, %arg4: memref<1x64xf32, #tpu.memory_space<vmem>>, %arg5: memref<64x64xf32, #tpu.memory_space<vmem>>, %arg6: memref<2048x64xf32, #tpu.memory_space<vmem>>) attributes {dimension_semantics = [#tpu.dimension_semantics<arbitrary>], iteration_bounds = array<i64: 5>, scalar_prefetch = 0 : i64, scratch_operands = 0 : i64, tpu.core_type = #tpu.core_type<tc>, window_params = [{transform_indices = @transform_0, window_bounds = array<i64: 2, 2048, 64>}, {transform_indices = @transform_1, window_bounds = array<i64: 2048, 64>}, {transform_indices = @transform_2, window_bounds = array<i64: 2048, 1>}, {pipeline_mode = #tpu.pipeline_mode<synchronous>, transform_indices = @transform_3, window_bounds = array<i64: 1, 64>}, {pipeline_mode = #tpu.pipeline_mode<synchronous>, transform_indices = @transform_4, window_bounds = array<i64: 64, 64>}, {transform_indices = @transform_5, window_bounds = array<i64: 2048, 64>}]} {
    %get3A = arith.constant 0 : index
    %get3A_0 = arith.constant 0 : index
    %get3A_1 = vector.load %arg3[%get3A, %get3A_0] : memref<2048x1xf32, #tpu.memory_space<vmem>>, vector<2048x1xf32>
    %get3A_2 = arith.constant 0 : index
    %get3A_3 = arith.constant 0 : index
    %get3A_4 = arith.constant 0 : index
    %get3A_5 = vector.load %arg1[%get3A_2, %get3A_3, %get3A_4] : memref<2x2048x64xf32, #tpu.memory_space<vmem>>, vector<1x2048x64xf32>
    %get3A_6 = vector.shape_cast %get3A_5 : vector<1x2048x64xf32> to vector<2048x64xf32>
    %get3A_7 = arith.constant 1 : index
    %get3A_8 = arith.constant 0 : index
    %get3A_9 = arith.constant 0 : index
    %get3A_10 = vector.load %arg1[%get3A_7, %get3A_8, %get3A_9] : memref<2x2048x64xf32, #tpu.memory_space<vmem>>, vector<1x2048x64xf32>
    %get3A_11 = vector.shape_cast %get3A_10 : vector<1x2048x64xf32> to vector<2048x64xf32>
    %add3A = arith.addf %get3A_6, %get3A_11 : vector<2048x64xf32>
    %get3A_12 = arith.constant 0 : index
    %get3A_13 = arith.constant 0 : index
    %get3A_14 = vector.load %arg2[%get3A_12, %get3A_13] : memref<2048x64xf32, #tpu.memory_space<vmem>>, vector<2048x64xf32>
    %add3A_15 = arith.addf %add3A, %get3A_14 : vector<2048x64xf32>
    %mul3A = vector.broadcast %get3A_1 : vector<2048x1xf32> to vector<2048x64xf32>
    %mul3A_16 = arith.mulf %mul3A, %add3A_15 : vector<2048x64xf32>
    %get3A_17 = arith.constant 0 : index
    %get3A_18 = arith.constant 0 : index
    %get3A_19 = vector.load %arg4[%get3A_17, %get3A_18] : memref<1x64xf32, #tpu.memory_space<vmem>>, vector<1x64xf32>
    %add3A_20 = vector.broadcast %get3A_19 : vector<1x64xf32> to vector<2048x64xf32>
    %add3A_21 = arith.addf %mul3A_16, %add3A_20 : vector<2048x64xf32>
    %max3A = arith.constant 0.000000e+00 : f32
    %max3A_22 = vector.broadcast %max3A : f32 to vector<2048x64xf32>
    %max3A_23 = arith.maximumf %add3A_21, %max3A_22 : vector<2048x64xf32>
    %get3A_24 = arith.constant 0 : index
    %get3A_25 = arith.constant 0 : index
    %get3A_26 = vector.load %arg5[%get3A_24, %get3A_25] : memref<64x64xf32, #tpu.memory_space<vmem>>, vector<64x64xf32>
    %dot_general3A = arith.constant dense<0.000000e+00> : vector<2048x64xf32>
    %dot_general3A_27 = tpu.matmul %max3A_23, %get3A_26, %dot_general3A {dimension_numbers = #tpu.dot_dimension_numbers<[1], [0], [0], [1], [0, 0, 1, 1], [], []>, transpose_lhs_hint = false} : vector<2048x64xf32>, vector<64x64xf32>, vector<2048x64xf32> -> vector<2048x64xf32>
    %mul3A_28 = vector.broadcast %get3A_1 : vector<2048x1xf32> to vector<2048x64xf32>
    %mul3A_29 = arith.mulf %dot_general3A_27, %mul3A_28 : vector<2048x64xf32>
    %swap3A = arith.constant 0 : index
    %swap3A_30 = arith.constant 0 : index
    %swap3A_31 = vector.load %arg6[%swap3A, %swap3A_30] : memref<2048x64xf32, #tpu.memory_space<vmem>>, vector<2048x64xf32>
    tpu.vector_store %arg6[%swap3A, %swap3A_30], %mul3A_29 {strides = array<i32>} : memref<2048x64xf32, #tpu.memory_space<vmem>>, vector<2048x64xf32>,
    return
  }
  func.func @transform_0(%arg0: i32) -> (i32, i32, i32) {
    %c0_i32 = arith.constant 0 : i32
    %c0_i32_0 = arith.constant 0 : i32
    %c0_i32_1 = arith.constant 0 : i32
    return %c0_i32, %arg0, %c0_i32_0 : i32, i32, i32
  }
  func.func @transform_1(%arg0: i32) -> (i32, i32) {
    %c0_i32 = arith.constant 0 : i32
    %c0_i32_0 = arith.constant 0 : i32
    return %arg0, %c0_i32 : i32, i32
  }
  func.func @transform_2(%arg0: i32) -> (i32, i32) {
    %c0_i32 = arith.constant 0 : i32
    %c0_i32_0 = arith.constant 0 : i32
    return %arg0, %c0_i32 : i32, i32
  }
  func.func @transform_3(%arg0: i32) -> (i32, i32) {
    %c0_i32 = arith.constant 0 : i32
    %c0_i32_0 = arith.constant 0 : i32
    %c0_i32_1 = arith.constant 0 : i32
    return %c0_i32, %c0_i32_0 : i32, i32
  }
  func.func @transform_4(%arg0: i32) -> (i32, i32) {
    %c0_i32 = arith.constant 0 : i32
    %c0_i32_0 = arith.constant 0 : i32
    %c0_i32_1 = arith.constant 0 : i32
    return %c0_i32, %c0_i32_0 : i32, i32
  }
  func.func @transform_5(%arg0: i32) -> (i32, i32) {
    %c0_i32 = arith.constant 0 : i32
    %c0_i32_0 = arith.constant 0 : i32
    return %arg0, %c0_i32 : i32, i32
  }
}

module attributes {stable_mosaic.version = 14 : i64} {
  func.func @_head_body(%arg0: i32, %arg1: memref<2x2048x64xf32, #tpu.memory_space<vmem>>, %arg2: memref<2048x64xf32, #tpu.memory_space<vmem>>, %arg3: memref<2048x1xf32, #tpu.memory_space<vmem>>, %arg4: memref<1x64xf32, #tpu.memory_space<vmem>>, %arg5: memref<64x1xf32, #tpu.memory_space<vmem>>, %arg6: memref<1x1xf32, #tpu.memory_space<vmem>>, %arg7: memref<2048x1xf32, #tpu.memory_space<vmem>>) attributes {dimension_semantics = [#tpu.dimension_semantics<arbitrary>], iteration_bounds = array<i64: 5>, scalar_prefetch = 0 : i64, scratch_operands = 0 : i64, tpu.core_type = #tpu.core_type<tc>, window_params = [{transform_indices = @transform_0, window_bounds = array<i64: 2, 2048, 64>}, {transform_indices = @transform_1, window_bounds = array<i64: 2048, 64>}, {transform_indices = @transform_2, window_bounds = array<i64: 2048, 1>}, {pipeline_mode = #tpu.pipeline_mode<synchronous>, transform_indices = @transform_3, window_bounds = array<i64: 1, 64>}, {pipeline_mode = #tpu.pipeline_mode<synchronous>, transform_indices = @transform_4, window_bounds = array<i64: 64, 1>}, {pipeline_mode = #tpu.pipeline_mode<synchronous>, transform_indices = @transform_5, window_bounds = array<i64: 1, 1>}, {transform_indices = @transform_6, window_bounds = array<i64: 2048, 1>}]} {
    %get3A = arith.constant 0 : index
    %get3A_0 = arith.constant 0 : index
    %get3A_1 = vector.load %arg3[%get3A, %get3A_0] : memref<2048x1xf32, #tpu.memory_space<vmem>>, vector<2048x1xf32>
    %get3A_2 = arith.constant 0 : index
    %get3A_3 = arith.constant 0 : index
    %get3A_4 = arith.constant 0 : index
    %get3A_5 = vector.load %arg1[%get3A_2, %get3A_3, %get3A_4] : memref<2x2048x64xf32, #tpu.memory_space<vmem>>, vector<1x2048x64xf32>
    %get3A_6 = vector.shape_cast %get3A_5 : vector<1x2048x64xf32> to vector<2048x64xf32>
    %get3A_7 = arith.constant 1 : index
    %get3A_8 = arith.constant 0 : index
    %get3A_9 = arith.constant 0 : index
    %get3A_10 = vector.load %arg1[%get3A_7, %get3A_8, %get3A_9] : memref<2x2048x64xf32, #tpu.memory_space<vmem>>, vector<1x2048x64xf32>
    %get3A_11 = vector.shape_cast %get3A_10 : vector<1x2048x64xf32> to vector<2048x64xf32>
    %add3A = arith.addf %get3A_6, %get3A_11 : vector<2048x64xf32>
    %get3A_12 = arith.constant 0 : index
    %get3A_13 = arith.constant 0 : index
    %get3A_14 = vector.load %arg2[%get3A_12, %get3A_13] : memref<2048x64xf32, #tpu.memory_space<vmem>>, vector<2048x64xf32>
    %add3A_15 = arith.addf %add3A, %get3A_14 : vector<2048x64xf32>
    %mul3A = vector.broadcast %get3A_1 : vector<2048x1xf32> to vector<2048x64xf32>
    %mul3A_16 = arith.mulf %mul3A, %add3A_15 : vector<2048x64xf32>
    %get3A_17 = arith.constant 0 : index
    %get3A_18 = arith.constant 0 : index
    %get3A_19 = vector.load %arg4[%get3A_17, %get3A_18] : memref<1x64xf32, #tpu.memory_space<vmem>>, vector<1x64xf32>
    %add3A_20 = vector.broadcast %get3A_19 : vector<1x64xf32> to vector<2048x64xf32>
    %add3A_21 = arith.addf %mul3A_16, %add3A_20 : vector<2048x64xf32>
    %max3A = arith.constant 0.000000e+00 : f32
    %max3A_22 = vector.broadcast %max3A : f32 to vector<2048x64xf32>
    %max3A_23 = arith.maximumf %add3A_21, %max3A_22 : vector<2048x64xf32>
    %get3A_24 = arith.constant 0 : index
    %get3A_25 = arith.constant 0 : index
    %get3A_26 = vector.load %arg5[%get3A_24, %get3A_25] : memref<64x1xf32, #tpu.memory_space<vmem>>, vector<64x1xf32>
    %dot_general3A = arith.constant dense<0.000000e+00> : vector<2048x1xf32>
    %dot_general3A_27 = tpu.matmul %max3A_23, %get3A_26, %dot_general3A {dimension_numbers = #tpu.dot_dimension_numbers<[1], [0], [0], [1], [0, 0, 1, 1], [], []>, transpose_lhs_hint = false} : vector<2048x64xf32>, vector<64x1xf32>, vector<2048x1xf32> -> vector<2048x1xf32>
    %get3A_28 = arith.constant 0 : index
    %get3A_29 = arith.constant 0 : index
    %get3A_30 = vector.load %arg6[%get3A_28, %get3A_29] : memref<1x1xf32, #tpu.memory_space<vmem>>, vector<1x1xf32>
    %add3A_31 = vector.broadcast %get3A_30 : vector<1x1xf32> to vector<2048x1xf32>
    %add3A_32 = arith.addf %dot_general3A_27, %add3A_31 : vector<2048x1xf32>
    %swap3A = arith.constant 0 : index
    %swap3A_33 = arith.constant 0 : index
    %swap3A_34 = vector.load %arg7[%swap3A, %swap3A_33] : memref<2048x1xf32, #tpu.memory_space<vmem>>, vector<2048x1xf32>
    tpu.vector_store %arg7[%swap3A, %swap3A_33], %add3A_32 {strides = array<i32>} : memref<2048x1xf32, #tpu.memory_space<vmem>>, vector<2048x1xf32>,
    return
  }
  func.func @transform_0(%arg0: i32) -> (i32, i32, i32) {
    %c0_i32 = arith.constant 0 : i32
    %c0_i32_0 = arith.constant 0 : i32
    %c0_i32_1 = arith.constant 0 : i32
    return %c0_i32, %arg0, %c0_i32_0 : i32, i32, i32
  }
  func.func @transform_1(%arg0: i32) -> (i32, i32) {
    %c0_i32 = arith.constant 0 : i32
    %c0_i32_0 = arith.constant 0 : i32
    return %arg0, %c0_i32 : i32, i32
  }
  func.func @transform_2(%arg0: i32) -> (i32, i32) {
    %c0_i32 = arith.constant 0 : i32
    %c0_i32_0 = arith.constant 0 : i32
    return %arg0, %c0_i32 : i32, i32
  }
  func.func @transform_3(%arg0: i32) -> (i32, i32) {
    %c0_i32 = arith.constant 0 : i32
    %c0_i32_0 = arith.constant 0 : i32
    %c0_i32_1 = arith.constant 0 : i32
    return %c0_i32, %c0_i32_0 : i32, i32
  }
  func.func @transform_4(%arg0: i32) -> (i32, i32) {
    %c0_i32 = arith.constant 0 : i32
    %c0_i32_0 = arith.constant 0 : i32
    %c0_i32_1 = arith.constant 0 : i32
    return %c0_i32, %c0_i32_0 : i32, i32
  }
  func.func @transform_5(%arg0: i32) -> (i32, i32) {
    %c0_i32 = arith.constant 0 : i32
    %c0_i32_0 = arith.constant 0 : i32
    %c0_i32_1 = arith.constant 0 : i32
    return %c0_i32, %c0_i32_0 : i32, i32
  }
  func.func @transform_6(%arg0: i32) -> (i32, i32) {
    %c0_i32 = arith.constant 0 : i32
    %c0_i32_0 = arith.constant 0 : i32
    return %arg0, %c0_i32 : i32, i32
  }
}

</mosaic_0001>

<sc_bundles>
// kernel: gcn_degree_hist.3.cloned.1.call-start
scs
__scs_entry_jumppad:
0x0: {  	(pc) =	sbr.rel $0x88, $3  }
0x1: {  	(tag) =	ssettag $0x0;
	lr =	simm.s32 $0x1  }
0x2: {  	[smem:$0x3F99] =	sst lr;
	_ =	strace $0xD0000000  }
0x3: {  	_ = 	snop  }
0x4: {  	_ = 	snop  }
0x5: {  	_ = 	snop  }
0x6: {  	_ = 	snop  }
0x7: {  	_ = 	snop  }
__scs_overlays_trampoline_lowered:
0x8: {  	[smem:$0x3FA8] =	sst s0  }
0x9: {  	[smem:$0x3FA9] =	sst s1  }
0xa: {  	[smem:$0x3FAA] =	sst s2  }
0xb: {  	[smem:$0x3FAB] =	sst s3  }
0xc: {  	[smem:$0x3FAC] =	sst s4  }
0xd: {  	[smem:$0x3FAD] =	sst s5  }
0xe: {  	[smem:$0x3FAE] =	sst s6  }
0xf: {  	[smem:$0x3FAF] =	sst s7  }
0x10: {  	[smem:$0x3FB0] =	sst s8  }
0x11: {  	[smem:$0x3FB1] =	sst s9;
	s0 =	simm.s32 @!p0 $0x0  }
0x12: {  	s1 =	sld [smem:$0x3F97];
	s0 =	simm.s32 @p0 $0x1  }
0x13: {  	[smem:$0x3FB2] =	sst s0;
	s0 =	simm.s32 @!p1 $0x0  }
0x14: {  	s2 =	sld [smem:$0x3F96];
	s0 =	simm.s32 @p1 $0x1  }
0x15: {  	[smem:$0x3FB3] =	sst s0;
	s0 =	simm.s32 @!p2 $0x0  }
0x16: {  	s3 =	sld [smem:$0x3FDB];
	s0 =	simm.s32 @p2 $0x1  }
0x17: {  	s4 =	simm.s32 $0x1BF5;
	[smem:$0x3FB5] =	sst s0  }
0x18: {  	s0 =	sld [smem:$0x3F98];
	_ =	swait.ge [sflag:s4], $0x0  }
0x19: {  	s7 =	sld [smem:$0x3F99]  }
0x1a: {  	s8 =	sadd.s32 $0xFFFFE003, lr  }
0x1b: {  	s9 =	sadd.s32 $0xFFFFFEF7, lr;
	s5 =	simm.s32 $0xFFFFFFFF;
	p2 =	slt.u32 s8, $0xFFFFF086  }
0x1c: {  	p1 =	slt.u32 s9, $0xF7A;
	s5 =	simm.s32 @!p2 $0x0  }
0x1d: {  	s5 =	simm.s32 @p1 $0x1;
	p0 =	seq.s32 s7, s2  }
0x1e: {  	s7 =	smul.u32 @!p0 $0xF7A, s2;
	p2 =	seq.s32 @!p0 s5, $0x0  }
0x1f: {  	s9 =	smul.u32 $0xF7A, s1;
	s8 =	simm.s32 @!p0 $0x1BF5;
	p2 =	por !p2, p0  }
0x20: {  	[sflag:s8] =	ssyncset.s32 @!p0 $0xFFFFF086;
	s6 =	sadd.s32 @!p0 s3, s7;
	s7 =	simm.s32 @!p0 $0x108  }
0x21: {  	s3 =	sadd.s32 s3, s9;
	s6 =	sadd.s32 @!p0 $0x88, s6;
	s7 =	simm.s32 @p2 $0x1082  }
0x22: {  	[simem:s7], [sflag:s8] =	dma.local @!p0 [hbm:s6], $0xF7A  }
0x23: {  	s9 =	sor.u32 $0xD0000000, s2;
	s6 =	simm.s32 $0x108;
	_ =	swait.ge @!p0 [sflag:s8], $0x0  }
0x24: {  	s3 =	sadd.s32 $0x88, s3;
	s6 =	simm.s32 @!p1 $0x1082;
	[sflag:s4] =	ssyncset.s32 $0xFFFFF086  }
0x25: {  	[simem:s6], [sflag:s4] =	dma.local [hbm:s3], $0xF7A  }
0x26: {  	[smem:$0x3F99] =	sst s1;
	(tag) =	ssettag s2;
	_ =	strace s9  }
0x27: {  	s1 =	sld [smem:$0x3FA9]  }
0x28: {  	s2 =	sld [smem:$0x3FAA]  }
0x29: {  	s4 =	sld [smem:$0x3FAC]  }
0x2a: {  	p0 =	seq.s32 s5, $0x0;
	s5 =	sld [smem:$0x3FAD]  }
0x2b: {  	s6 =	sld [smem:$0x3FAE]  }
0x2c: {  	s7 =	sld [smem:$0x3FAF]  }
0x2d: {  	s3 =	simm.s32 $0x108;
	s8 =	sld [smem:$0x3FB0]  }
0x2e: {  	s3 =	simm.s32 @!p0 $0x1082;
	s9 =	sld [smem:$0x3FB1]  }
0x2f: {  	lr =	sadd.s32 s0, s3;
	s0 =	sld [smem:$0x3FA8]  }
0x30: {  	s3 =	sld [smem:$0x3FAB]  }
0x31: {  	[smem:$0x3FB4] =	sst s10  }
0x32: {  	s10 =	sld [smem:$0x3FB2];
	_ =	sdelay $0x3  }
0x33: {  	p0 =	seq.s32 s10, $0x1;
	s10 =	sld [smem:$0x3FB4];
	_ =	sdelay $0x3  }
0x34: {  	[smem:$0x3FB4] =	sst s10  }
0x35: {  	s10 =	sld [smem:$0x3FB3];
	_ =	sdelay $0x3  }
0x36: {  	p1 =	seq.s32 s10, $0x1;
	s10 =	sld [smem:$0x3FB4];
	_ =	sdelay $0x3  }
0x37: {  	[smem:$0x3FB4] =	sst s10  }
0x38: {  	s10 =	sld [smem:$0x3FB5]  }
0x39: {  	_ = 	snop;
	(pc) =	sbr.ind lr, $3  }
0x3a: {  	_ = 	snop  }
0x3b: {  	_ = 	snop  }
0x3c: {  	p2 =	seq.s32 s10, $0x1;
	s10 =	sld [smem:$0x3FB4]  }
0x3d: {  	_ =	shalt  }
0x3e: {  	_ =	shalt  }
0x3f: {  	_ =	shalt  }
0x40: {  	_ =	shalt  }
0x41: {  	_ =	shalt  }
0x42: {  	_ =	shalt  }
0x43: {  	_ =	shalt  }
0x44: {  	_ =	shalt  }
0x45: {  	_ =	shalt  }
0x46: {  	_ =	shalt  }
0x47: {  	_ =	shalt  }
0x48: {  	_ =	shalt  }
0x49: {  	_ =	shalt  }
0x4a: {  	_ =	shalt  }
0x4b: {  	_ =	shalt  }
0x4c: {  	_ =	shalt  }
0x4d: {  	_ =	shalt  }
0x4e: {  	_ =	shalt  }
0x4f: {  	_ =	shalt  }
0x50: {  	_ =	shalt  }
0x51: {  	_ =	shalt  }
0x52: {  	_ =	shalt  }
0x53: {  	_ =	shalt  }
0x54: {  	_ =	shalt  }
0x55: {  	_ =	shalt  }
0x56: {  	_ =	shalt  }
0x57: {  	_ =	shalt  }
0x58: {  	_ =	shalt  }
0x59: {  	_ =	shalt  }
0x5a: {  	_ =	shalt  }
0x5b: {  	_ =	shalt  }
0x5c: {  	_ =	shalt  }
0x5d: {  	_ =	shalt  }
0x5e: {  	_ =	shalt  }
0x5f: {  	_ =	shalt  }
0x60: {  	_ =	shalt  }
0x61: {  	_ =	shalt  }
0x62: {  	_ =	shalt  }
0x63: {  	_ =	shalt  }
0x64: {  	_ =	shalt  }
0x65: {  	_ =	shalt  }
0x66: {  	_ =	shalt  }
0x67: {  	_ =	shalt  }
0x68: {  	_ =	shalt  }
0x69: {  	_ =	shalt  }
0x6a: {  	_ =	shalt  }
0x6b: {  	_ =	shalt  }
0x6c: {  	_ =	shalt  }
0x6d: {  	_ =	shalt  }
0x6e: {  	_ =	shalt  }
0x6f: {  	_ =	shalt  }
0x70: {  	_ =	shalt  }
0x71: {  	_ =	shalt  }
0x72: {  	_ =	shalt  }
0x73: {  	_ =	shalt  }
0x74: {  	_ =	shalt  }
0x75: {  	_ =	shalt  }
0x76: {  	_ =	shalt  }
0x77: {  	_ =	shalt  }
0x78: {  	_ =	shalt  }
0x79: {  	_ =	shalt  }
0x7a: {  	_ =	shalt  }
0x7b: {  	_ =	shalt  }
0x7c: {  	_ =	shalt  }
0x7d: {  	_ =	shalt  }
0x7e: {  	_ =	shalt  }
0x7f: {  	_ =	shalt  }
0x80: {  	_ =	shalt  }
0x81: {  	_ =	shalt  }
0x82: {  	_ =	shalt  }
0x83: {  	_ =	shalt  }
0x84: {  	_ =	shalt  }
0x85: {  	_ =	shalt  }
0x86: {  	_ =	shalt  }
0x87: {  	_ =	shalt  }
.Lfunc_end0:
.L_simem_size_0:
called_computation_lowered:
.L_overlay_start_0:
0x88: {  	s2 =	sld [smem:$0x3FD9]  }
0x89: {  	s3 =	sld [smem:$0x3FFE];
	_ =	sdelay $0x1  }
0x8a: {  	s1 =	srdreg.scid  }
0x8b: {  	s0 =	sand.u32 $0x1, s1  }
0x8c: {  	s17 =	sshll.u32 s0, $0xA;
	s2 =	sadd.s32 s3, s2  }
0x8d: {  	s2 =	sadd.s32 s2, s17  }
0x8e: {  	[smem:$0x3FC0] =	sst s2  }
0x8f: {  	_ = 	snop  }
0x90: {  	s2 =	sld [smem:$0x3FD0];
	(tm) =	ssettm $0x1  }
0x91: {  	s18 =	sld [smem:$0x3FFB];
	_ =	sdelay $0x3  }
0x92: {  	_ =	strace s18  }
0x93: {  	s3 =	sld [smem:$0x3FFC];
	_ =	sdelay $0x3  }
0x94: {  	_ =	strace s3  }
0x95: {  	s3 =	sld [smem:$0x3FFD];
	_ =	sdelay $0x3  }
0x96: {  	_ =	strace s3  }
0x97: {  	_ =	strace $0x8FFFFFFF  }
0x98: {  	s19 =	sld [smem:$0x3FDB];
	_ =	sdelay $0x1  }
0x99: {  	s4 =	simm.s32 $_scs_section_size  }
0x9a: {  	s5 =	simm.s32 $_size__tile_overlayer_lowered;
	s6 =	simm.s32 $_tile_overlayer_lowered  }
0x9b: {  	s22 =	simm.s32 $0x1BFF;
	s21 =	sshll.u32 s6, $0x1;
	s3 =	sadd.s32 s4, s19  }
0x9c: {  	s7 =	simm.s32 $0x0;
	s20 =	sshll.u32 s5, $0x1;
	s5 =	sadd.s32 s21, s3  }
0x9d: {  	[timem:s7], [sflag:s22] =	dma.local [hbm:s5], s20  }
0x9e: {  	_ =	swait.ge [sflag:s22], s20  }
0x9f: {  	s4 =	ssub.s32 $0x0, s20;
	[sflag:s22] =	ssyncset.done $0x0  }
0xa0: {  	[sflag:s22] =	ssyncadd.s32 s4;
	_ =	sdelay $0x1  }
0xa1: {  	s23 =	simm.s32 $0x1B8B  }
0xa2: {  	_ =	swait.ge [sflag:s23], $0x1  }
0xa3: {  	[sflag:s23] =	ssyncset.done $0x0  }
0xa4: {  	s25 =	simm.s32 $0x1B8E;
	s24 =	sld [smem:$0x3FFE];
	[sflag:s23] =	ssyncadd.s32 $0xFFFFFFFF  }
0xa5: {  	s26 =	simm.s32 $execute0_lowered;
	[smem:$0x3FD2] =	sst s25  }
0xa6: {  	s5 =	sshll.u32 s26, $0x1;
	_ =	strace $0x80000046;
	[dreg:$0x1] =	wrdreg $0xFFFFFFFF  }
0xa7: {  	s28 =	simm.s32 $_size_execute0_lowered;
	s3 =	sadd.s32 s3, s5;
	[dreg:$0x0] =	wrdreg $0x0  }
0xa8: {  	s5 =	sshll.u32 s28, $0x1;
	[dreg:$0x2] =	wrdreg s3  }
0xa9: {  	[dreg:$0x3] =	wrdreg s5  }
0xaa: {  	[dreg:$0x4] =	wrdreg $0xC0  }
0xab: {  	_ =	task [dreg:s7], $0x5FFFF  }
0xac: {  	[dreg:$0x1] =	wrdreg $0xFFFFFFFF  }
0xad: {  	[dreg:$0x0] =	wrdreg $0x60  }
0xae: {  	[dreg:$0x2] =	wrdreg s24  }
0xaf: {  	[dreg:$0x3] =	wrdreg s2  }
0xb0: {  	[dreg:$0x4] =	wrdreg $0x28800  }
0xb1: {  	[dreg:$0x5] =	wrdreg $0x9  }
0xb2: {  	_ =	task.clear_ibuf [dreg:s7], $0x6FFFF;
	_ =	strace $0x90000046  }
0xb3: {  	s29 =	simm.s32 $0x9;
	_ =	strace $0x80000048  }
0xb4: {  	_ =	swait.ge [sflag:s29], $0x1  }
0xb5: {  	[sflag:s29] =	ssyncadd.s32 $0xFFFFFFFF  }
0xb6: {  	_ =	strace $0x90000048  }
0xb7: {  	_ =	sfence  }
0xb8: {  	s30 =	sld [smem:$0x0];
	_ =	sdelay $0x2  }
0xb9: {  	s31 =	sshll.u32 s1, $0xD;
	s1 =	sshrl.u32 s1, $0x2  }
0xba: {  	s3 =	sand.u32 $0x4000, s31;
	s1 =	sadd.s32 s1, s30  }
0xbb: {  	s0 =	sor.u32 s3, s0;
	s1 =	sshll.u32 s1, $0x11  }
0xbc: {  	s0 =	sor.u32 s1, s0  }
0xbd: {  	s0 =	sadd.s32 $0x8F2B, s0  }
0xbe: {  	[sflag:s0] =	ssyncadd.remote.s32 $0x1  }
0xbf: {  	_ =	sfence.sel $0xFFFF  }
0xc0: {  	[dreg:$0x0] =	wrdreg $0xFFFFFFFF;
	(pc) =	sbr.abs _section_cstart, $3  }
0xc1: {  	[dreg:$0x1] =	wrdreg $0xFFFFFFFF  }
0xc2: {  	_ =	task.clear_ibuf [dreg:s7], $0x2FFFF;
	_ =	strace $0x9FFFFFFF  }
0xc3: {  	(tm) =	ssettm $0x7FFFFFFF  }
tec
execute0_lowered:
.L_overlay_start_1:
0x0: {  	(tag) =	ssettag $0x1  }
0x1: {  	s4 =	rddreg [dreg:$0x0]  }
0x2: {  	s5 =	rddreg [dreg:$0x1]  }
0x3: {  	s2 =	rddreg [dreg:$0x2]  }
0x4: {  	s0 =	rddreg [dreg:$0x3];
	s3 =	srdreg.scid  }
0x5: {  	s1 =	stileid.u32;
	s12 =	simm.s32 $0x2800;
	s13 =	simm.s32 $0x0  }
0x6: {  	s6 =	sand.u32 $0x1, s3;
	s7 =	sshll.u32 s1, $0x1;
	s8 =	smul.u32 $0x280, s1  }
0x7: {  	s3 =	simm.s32 $0x0;
	s31 =	sshll.u32 s1, $0x6;
	s7 =	sor.u32 s6, s7  }
0x8: {  	s9 =	smul.u32 $0x2800, s6;
	[smem:$0x7FF] =	sst s3;
	s6 =	ssub.s32 $0x2, s6  }
0x9: {  	s7 =	smul.u32 $0x500, s7;
	_ =	strace $0x80000047;
	s10 =	sshrl.u32 s6, $0x1  }
0xa: {  	s30 =	sshrl.u32 s8, $0x3;
	s11 =	sadd.s32 s8, s2;
	s9 =	sadd.s32 s8, s9  }
0xb: {  	s10 =	ssub.s32 s6, s10;
	s7 =	sadd.s32 s7, s4;
	s9 =	sshrl.u32 s9, $0x3  }
0xc: {  	s8 =	smax.u32 s10, $0x1;
	s10 =	simm.s32 $0x1;
	s9 =	sadd.s32 s9, s4  }
0xd: {  	s4 =	sadd.s32 s5, s30;
	s5 =	sor.u32 $0x1C01, s31;
	s6 =	sadd.s32 $0xBE00, s7  }
0xe: {  	v0 =	vimm.f32 $1.000000000e+00;
	s7 =	sadd.s32 $0x15E00, s9;
	s9 =	sshrl.u32 s11, $0x3;
	s11 =	simm.s32 $0x80  }
.LBB2_1:
0xf: {  	[tilespmem:$0x2800] =	vst v0  }
0x10: {  	[tilespmem:$0x2810] =	vst v0  }
0x11: {  	[tilespmem:$0x2820] =	vst v0  }
0x12: {  	[tilespmem:$0x2830] =	vst v0  }
0x13: {  	[tilespmem:$0x2840] =	vst v0  }
0x14: {  	[tilespmem:$0x2850] =	vst v0  }
0x15: {  	[tilespmem:$0x2860] =	vst v0  }
0x16: {  	[tilespmem:$0x2870] =	vst v0  }
0x17: {  	[spmem:s9], [sflag:s5] =	dma.local [hbm:s4], $0x50  }
0x18: {  	_ =	swait.ge [sflag:s10], $0x50  }
0x19: {  	[sflag:s10] =	ssyncset.done $0x0  }
0x1a: {  	[sflag:s10] =	ssyncadd.s32 $0xFFFFFFB0  }
0x1b: {  	[tilespmem:s3], [sflag:$0x1] =	stream.linear.gather [hbm4b:s6+s3], $0x2800, $0x38;
	[tilespmem:$0x2B00] =	vst v63  }
0x1c: {  	_ =	swait.ge [sflag:s10], $0x2800  }
0x1d: {  	[sflag:s10] =	ssyncset.done $0x0  }
0x1e: {  	[sflag:s10] =	ssyncadd.s32 $0xFFFFD800  }
0x1f: {  	s14 =	simm.s32 $0x0;
	[bflag:$0x0] =	sbarrier.arrive $0xFFFF  }
0x20: {  	[spmem:s2] =	stream.indirect.scatter.add.f32 [tilespmem:s12], [sflag:$0x1], $0x1, s14, s11, $0xb8;
	[tilespmem:$0x2B00] =	vst v63  }
0x21: {  	_ =	swait.ge [sflag:s10], $0x80  }
0x22: {  	s14 =	simm.s32 $0x200;
	[sflag:s10] =	ssyncset.done $0x0  }
.LBB2_2:
0x23: {  	s15 =	sshra.s32 s14, $0x2;
	[sflag:s10] =	ssyncadd.s32 $0xFFFFFF80;
	p0 =	sne.s32 s14, $0x9E00  }
0x24: {  	[spmem:s2] =	stream.indirect.scatter.add.f32 [tilespmem:s12], [sflag:$0x1], $0x1, s15, s11, $0xb8;
	[tilespmem:$0x2B00] =	vst v63  }
.Ltmp0:
0x25: {  	_ = 	snop;
	(pc) =	sbr.rel @p0 .LBB2_2-.Ltmp0, $4  }
0x26: {  	_ = 	snop  }
0x27: {  	s14 =	sadd.s32 $0x200, s14  }
0x28: {  	_ =	swait.ge [sflag:s10], $0x80  }
0x29: {  	[sflag:s10] =	ssyncset.done $0x0  }
0x2a: {  	s13 =	sadd.s32 $0x1, s13  }
0x2b: {  	[sflag:s10] =	ssyncadd.s32 $0xFFFFFF80;
	p0 =	sne.s32 s13, s8  }
.Ltmp1:
0x2c: {  	[bflag:$0x0] =	sbarrier.arrive $0xFFFF;
	(pc) =	sbr.rel @p0 .LBB2_1-.Ltmp1, $4  }
0x2d: {  	[hbm:s7], [sflag:s5] =	dma.local [spmem:s9], $0x50  }
0x2e: {  	_ =	swait.ge [sflag:s10], $0x50  }
0x2f: {  	[sflag:s10] =	ssyncset.done $0x0  }
0x30: {  	[sflag:s10] =	ssyncadd.s32 $0xFFFFFFB0  }
0x31: {  	_ =	sfence.sel $0x180000  }
0x32: {  	[bflag:$0x0] =	sbarrier.arrive $0xFFFF  }
0x33: {  	p0 =	sne.s32 s1, $0x0;
	_ =	strace $0x90000047  }
0x34: {  	s0 =	sadd.s32 @!p0 $0x100000, s0;
	[bflag:$0x2] =	sbarrier.arrive $0xFFFF  }
0x35: {  	[sflag:s0] =	ssyncadd.tile.s32 @!p0 $0x1;
	_ =	shalt  }
.Lfunc_end2:
_tile_overlayer_lowered:
.L_overlay_start_2:
0x36: {  	(tag) =	ssettag $0x2  }
0x37: {  	s0 =	rddreg [dreg:$0x0];
	s2 =	stileid.u32  }
0x38: {  	s1 =	rddreg [dreg:$0x1];
	p0 =	sne.s32 s2, $0x0  }
0x39: {  	s3 =	rddreg [dreg:$0x2];
	[bflag:$0x3] =	sbarrier.arrive $0xFFFF;
	s2 =	simm.s32 @!p0 $0x1C01  }
0x3a: {  	[timem:s3], [sflag:s2] =	dma.local @!p0 [hbm:s0], s1  }
0x3b: {  	s0 =	simm.s32 @!p0 $0x1  }
0x3c: {  	_ =	swait.ge @!p0 [sflag:s0], s1  }
0x3d: {  	s1 =	ssub.s32 @!p0 $0x0, s1;
	[sflag:s0] =	ssyncset.done @!p0 $0x0  }
0x3e: {  	[sflag:s0] =	ssyncadd.s32 @!p0 s1  }
0x3f: {  	[bflag:$0x3] =	sbarrier.arrive $0xFFFF  }
0x40: {  	_ =	shalt  }

// kernel: gcn_edge_agg.4.cloned.1.call-start
scs
__scs_entry_jumppad:
0x0: {  	(pc) =	sbr.rel $0x88, $3  }
0x1: {  	(tag) =	ssettag $0x0;
	lr =	simm.s32 $0x1  }
0x2: {  	[smem:$0x3F99] =	sst lr;
	_ =	strace $0xD0000000  }
0x3: {  	_ = 	snop  }
0x4: {  	_ = 	snop  }
0x5: {  	_ = 	snop  }
0x6: {  	_ = 	snop  }
0x7: {  	_ = 	snop  }
__scs_overlays_trampoline_lowered:
0x8: {  	[smem:$0x3FA8] =	sst s0  }
0x9: {  	[smem:$0x3FA9] =	sst s1  }
0xa: {  	[smem:$0x3FAA] =	sst s2  }
0xb: {  	[smem:$0x3FAB] =	sst s3  }
0xc: {  	[smem:$0x3FAC] =	sst s4  }
0xd: {  	[smem:$0x3FAD] =	sst s5  }
0xe: {  	[smem:$0x3FAE] =	sst s6  }
0xf: {  	[smem:$0x3FAF] =	sst s7  }
0x10: {  	[smem:$0x3FB0] =	sst s8  }
0x11: {  	[smem:$0x3FB1] =	sst s9;
	s0 =	simm.s32 @!p0 $0x0  }
0x12: {  	s1 =	sld [smem:$0x3F97];
	s0 =	simm.s32 @p0 $0x1  }
0x13: {  	[smem:$0x3FB2] =	sst s0;
	s0 =	simm.s32 @!p1 $0x0  }
0x14: {  	s2 =	sld [smem:$0x3F96];
	s0 =	simm.s32 @p1 $0x1  }
0x15: {  	[smem:$0x3FB3] =	sst s0;
	s0 =	simm.s32 @!p2 $0x0  }
0x16: {  	s3 =	sld [smem:$0x3FDB];
	s0 =	simm.s32 @p2 $0x1  }
0x17: {  	s4 =	simm.s32 $0x1BF5;
	[smem:$0x3FB5] =	sst s0  }
0x18: {  	s0 =	sld [smem:$0x3F98];
	_ =	swait.ge [sflag:s4], $0x0  }
0x19: {  	s7 =	sld [smem:$0x3F99]  }
0x1a: {  	s8 =	sadd.s32 $0xFFFFE003, lr  }
0x1b: {  	s9 =	sadd.s32 $0xFFFFFEF7, lr;
	s5 =	simm.s32 $0xFFFFFFFF;
	p2 =	slt.u32 s8, $0xFFFFF086  }
0x1c: {  	p1 =	slt.u32 s9, $0xF7A;
	s5 =	simm.s32 @!p2 $0x0  }
0x1d: {  	s5 =	simm.s32 @p1 $0x1;
	p0 =	seq.s32 s7, s2  }
0x1e: {  	s7 =	smul.u32 @!p0 $0xF7A, s2;
	p2 =	seq.s32 @!p0 s5, $0x0  }
0x1f: {  	s9 =	smul.u32 $0xF7A, s1;
	s8 =	simm.s32 @!p0 $0x1BF5;
	p2 =	por !p2, p0  }
0x20: {  	[sflag:s8] =	ssyncset.s32 @!p0 $0xFFFFF086;
	s6 =	sadd.s32 @!p0 s3, s7;
	s7 =	simm.s32 @!p0 $0x108  }
0x21: {  	s3 =	sadd.s32 s3, s9;
	s6 =	sadd.s32 @!p0 $0x88, s6;
	s7 =	simm.s32 @p2 $0x1082  }
0x22: {  	[simem:s7], [sflag:s8] =	dma.local @!p0 [hbm:s6], $0xF7A  }
0x23: {  	s9 =	sor.u32 $0xD0000000, s2;
	s6 =	simm.s32 $0x108;
	_ =	swait.ge @!p0 [sflag:s8], $0x0  }
0x24: {  	s3 =	sadd.s32 $0x88, s3;
	s6 =	simm.s32 @!p1 $0x1082;
	[sflag:s4] =	ssyncset.s32 $0xFFFFF086  }
0x25: {  	[simem:s6], [sflag:s4] =	dma.local [hbm:s3], $0xF7A  }
0x26: {  	[smem:$0x3F99] =	sst s1;
	(tag) =	ssettag s2;
	_ =	strace s9  }
0x27: {  	s1 =	sld [smem:$0x3FA9]  }
0x28: {  	s2 =	sld [smem:$0x3FAA]  }
0x29: {  	s4 =	sld [smem:$0x3FAC]  }
0x2a: {  	p0 =	seq.s32 s5, $0x0;
	s5 =	sld [smem:$0x3FAD]  }
0x2b: {  	s6 =	sld [smem:$0x3FAE]  }
0x2c: {  	s7 =	sld [smem:$0x3FAF]  }
0x2d: {  	s3 =	simm.s32 $0x108;
	s8 =	sld [smem:$0x3FB0]  }
0x2e: {  	s3 =	simm.s32 @!p0 $0x1082;
	s9 =	sld [smem:$0x3FB1]  }
0x2f: {  	lr =	sadd.s32 s0, s3;
	s0 =	sld [smem:$0x3FA8]  }
0x30: {  	s3 =	sld [smem:$0x3FAB]  }
0x31: {  	[smem:$0x3FB4] =	sst s10  }
0x32: {  	s10 =	sld [smem:$0x3FB2];
	_ =	sdelay $0x3  }
0x33: {  	p0 =	seq.s32 s10, $0x1;
	s10 =	sld [smem:$0x3FB4];
	_ =	sdelay $0x3  }
0x34: {  	[smem:$0x3FB4] =	sst s10  }
0x35: {  	s10 =	sld [smem:$0x3FB3];
	_ =	sdelay $0x3  }
0x36: {  	p1 =	seq.s32 s10, $0x1;
	s10 =	sld [smem:$0x3FB4];
	_ =	sdelay $0x3  }
0x37: {  	[smem:$0x3FB4] =	sst s10  }
0x38: {  	s10 =	sld [smem:$0x3FB5]  }
0x39: {  	_ = 	snop;
	(pc) =	sbr.ind lr, $3  }
0x3a: {  	_ = 	snop  }
0x3b: {  	_ = 	snop  }
0x3c: {  	p2 =	seq.s32 s10, $0x1;
	s10 =	sld [smem:$0x3FB4]  }
0x3d: {  	_ =	shalt  }
0x3e: {  	_ =	shalt  }
0x3f: {  	_ =	shalt  }
0x40: {  	_ =	shalt  }
0x41: {  	_ =	shalt  }
0x42: {  	_ =	shalt  }
0x43: {  	_ =	shalt  }
0x44: {  	_ =	shalt  }
0x45: {  	_ =	shalt  }
0x46: {  	_ =	shalt  }
0x47: {  	_ =	shalt  }
0x48: {  	_ =	shalt  }
0x49: {  	_ =	shalt  }
0x4a: {  	_ =	shalt  }
0x4b: {  	_ =	shalt  }
0x4c: {  	_ =	shalt  }
0x4d: {  	_ =	shalt  }
0x4e: {  	_ =	shalt  }
0x4f: {  	_ =	shalt  }
0x50: {  	_ =	shalt  }
0x51: {  	_ =	shalt  }
0x52: {  	_ =	shalt  }
0x53: {  	_ =	shalt  }
0x54: {  	_ =	shalt  }
0x55: {  	_ =	shalt  }
0x56: {  	_ =	shalt  }
0x57: {  	_ =	shalt  }
0x58: {  	_ =	shalt  }
0x59: {  	_ =	shalt  }
0x5a: {  	_ =	shalt  }
0x5b: {  	_ =	shalt  }
0x5c: {  	_ =	shalt  }
0x5d: {  	_ =	shalt  }
0x5e: {  	_ =	shalt  }
0x5f: {  	_ =	shalt  }
0x60: {  	_ =	shalt  }
0x61: {  	_ =	shalt  }
0x62: {  	_ =	shalt  }
0x63: {  	_ =	shalt  }
0x64: {  	_ =	shalt  }
0x65: {  	_ =	shalt  }
0x66: {  	_ =	shalt  }
0x67: {  	_ =	shalt  }
0x68: {  	_ =	shalt  }
0x69: {  	_ =	shalt  }
0x6a: {  	_ =	shalt  }
0x6b: {  	_ =	shalt  }
0x6c: {  	_ =	shalt  }
0x6d: {  	_ =	shalt  }
0x6e: {  	_ =	shalt  }
0x6f: {  	_ =	shalt  }
0x70: {  	_ =	shalt  }
0x71: {  	_ =	shalt  }
0x72: {  	_ =	shalt  }
0x73: {  	_ =	shalt  }
0x74: {  	_ =	shalt  }
0x75: {  	_ =	shalt  }
0x76: {  	_ =	shalt  }
0x77: {  	_ =	shalt  }
0x78: {  	_ =	shalt  }
0x79: {  	_ =	shalt  }
0x7a: {  	_ =	shalt  }
0x7b: {  	_ =	shalt  }
0x7c: {  	_ =	shalt  }
0x7d: {  	_ =	shalt  }
0x7e: {  	_ =	shalt  }
0x7f: {  	_ =	shalt  }
0x80: {  	_ =	shalt  }
0x81: {  	_ =	shalt  }
0x82: {  	_ =	shalt  }
0x83: {  	_ =	shalt  }
0x84: {  	_ =	shalt  }
0x85: {  	_ =	shalt  }
0x86: {  	_ =	shalt  }
0x87: {  	_ =	shalt  }
.Lfunc_end0:
.L_simem_size_0:
called_computation.1_lowered:
.L_overlay_start_0:
0x88: {  	s2 =	sld [smem:$0x3FD9]  }
0x89: {  	s3 =	sld [smem:$0x3FFE];
	_ =	sdelay $0x1  }
0x8a: {  	s1 =	srdreg.scid  }
0x8b: {  	s0 =	sand.u32 $0x1, s1  }
0x8c: {  	s16 =	sshll.u32 s0, $0xA;
	s2 =	sadd.s32 s3, s2  }
0x8d: {  	s2 =	sadd.s32 s2, s16  }
0x8e: {  	[smem:$0x3FC0] =	sst s2  }
0x8f: {  	_ = 	snop  }
0x90: {  	(tm) =	ssettm $0x1  }
0x91: {  	s17 =	sld [smem:$0x3FFB];
	_ =	sdelay $0x3  }
0x92: {  	_ =	strace s17  }
0x93: {  	s2 =	sld [smem:$0x3FFC];
	_ =	sdelay $0x3  }
0x94: {  	_ =	strace s2  }
0x95: {  	s2 =	sld [smem:$0x3FFD];
	_ =	sdelay $0x3  }
0x96: {  	_ =	strace s2  }
0x97: {  	_ =	strace $0x8FFFFFFF  }
0x98: {  	s18 =	sld [smem:$0x3FDB];
	_ =	sdelay $0x1  }
0x99: {  	s19 =	simm.s32 $_scs_section_size  }
0x9a: {  	s4 =	simm.s32 $_size__tile_overlayer_lowered;
	s5 =	simm.s32 $_tile_overlayer_lowered  }
0x9b: {  	s22 =	simm.s32 $0x1BFF;
	s21 =	sshll.u32 s5, $0x1;
	s2 =	sadd.s32 s19, s18  }
0x9c: {  	s6 =	simm.s32 $0x0;
	s20 =	sshll.u32 s4, $0x1;
	s4 =	sadd.s32 s21, s2  }
0x9d: {  	[timem:s6], [sflag:s22] =	dma.local [hbm:s4], s20  }
0x9e: {  	_ =	swait.ge [sflag:s22], s20  }
0x9f: {  	s3 =	ssub.s32 $0x0, s20;
	[sflag:s22] =	ssyncset.done $0x0  }
0xa0: {  	[sflag:s22] =	ssyncadd.s32 s3;
	_ =	sdelay $0x1  }
0xa1: {  	s23 =	simm.s32 $0x1B8B  }
0xa2: {  	_ =	swait.ge [sflag:s23], $0x1  }
0xa3: {  	[sflag:s23] =	ssyncset.done $0x0  }
0xa4: {  	s25 =	simm.s32 $0x1B8E;
	s24 =	sld [smem:$0x3FFE];
	[sflag:s23] =	ssyncadd.s32 $0xFFFFFFFF  }
0xa5: {  	s26 =	simm.s32 $execute0_lowered;
	[smem:$0x3FD2] =	sst s25  }
0xa6: {  	s4 =	sshll.u32 s26, $0x1;
	_ =	strace $0x80000049;
	[dreg:$0x1] =	wrdreg $0xFFFFFFFF  }
0xa7: {  	s28 =	simm.s32 $_size_execute0_lowered;
	s2 =	sadd.s32 s2, s4;
	[dreg:$0x0] =	wrdreg $0x0  }
0xa8: {  	s4 =	sshll.u32 s28, $0x1;
	[dreg:$0x2] =	wrdreg s2  }
0xa9: {  	[dreg:$0x3] =	wrdreg s4  }
0xaa: {  	[dreg:$0x4] =	wrdreg $0xC0  }
0xab: {  	_ =	task [dreg:s6], $0x5FFFF  }
0xac: {  	[dreg:$0x1] =	wrdreg $0xFFFFFFFF  }
0xad: {  	[dreg:$0x0] =	wrdreg $0x60  }
0xae: {  	[dreg:$0x2] =	wrdreg s24  }
0xaf: {  	[dreg:$0x3] =	wrdreg $0x150000  }
0xb0: {  	[dreg:$0x4] =	wrdreg $0x9  }
0xb1: {  	_ =	task.clear_ibuf [dreg:s6], $0x5FFFF;
	_ =	strace $0x90000049  }
0xb2: {  	s29 =	simm.s32 $0x9;
	_ =	strace $0x8000004B  }
0xb3: {  	_ =	swait.ge [sflag:s29], $0x1  }
0xb4: {  	[sflag:s29] =	ssyncadd.s32 $0xFFFFFFFF  }
0xb5: {  	_ =	strace $0x9000004B  }
0xb6: {  	_ =	sfence  }
0xb7: {  	s30 =	sld [smem:$0x0];
	_ =	sdelay $0x2  }
0xb8: {  	s31 =	sshll.u32 s1, $0xD;
	s1 =	sshrl.u32 s1, $0x2  }
0xb9: {  	s3 =	sand.u32 $0x4000, s31;
	s1 =	sadd.s32 s1, s30  }
0xba: {  	s0 =	sor.u32 s3, s0;
	s1 =	sshll.u32 s1, $0x11  }
0xbb: {  	s0 =	sor.u32 s1, s0  }
0xbc: {  	s0 =	sadd.s32 $0x8F2B, s0  }
0xbd: {  	[sflag:s0] =	ssyncadd.remote.s32 $0x1  }
0xbe: {  	_ =	sfence.sel $0xFFFF  }
0xbf: {  	[dreg:$0x0] =	wrdreg $0xFFFFFFFF;
	(pc) =	sbr.abs _section_cstart, $3  }
0xc0: {  	[dreg:$0x1] =	wrdreg $0xFFFFFFFF  }
0xc1: {  	_ =	task.clear_ibuf [dreg:s6], $0x2FFFF;
	_ =	strace $0x9FFFFFFF  }
0xc2: {  	(tm) =	ssettm $0x7FFFFFFF  }
0xc3: {  	_ =	shalt  }
tec
execute0_lowered:
.L_overlay_start_1:
0x0: {  	(tag) =	ssettag $0x1  }
0x1: {  	s0 =	rddreg [dreg:$0x0]  }
0x2: {  	s2 =	rddreg [dreg:$0x1];
	s3 =	simm.s32 $0x0;
	s1 =	srdreg.scid  }
0x3: {  	s8 =	stileid.u32;
	s14 =	simm.s32 $0x5000;
	s15 =	simm.s32 $0x9  }
0x4: {  	s17 =	simm.s32 $0x80;
	s20 =	simm.s32 $0x9000;
	s29 =	simm.s32 $0x11000  }
0x5: {  	s31 =	simm.s32 $0x13000;
	s16 =	simm.s32 $0x5;
	s18 =	simm.s32 $0x7  }
0x6: {  	s19 =	simm.s32 $0x8;
	s1 =	sand.u32 $0x1, s1;
	s5 =	smul.u32 $0xA000, s8  }
0x7: {  	s4 =	sshll.u32 s8, $0x1;
	[smem:$0x7FF] =	sst s3;
	s8 =	smul.u32 $0x28000, s8  }
0x8: {  	s4 =	sor.u32 s1, s4;
	s6 =	smul.u32 $0xA0000, s1;
	_ =	strace $0x8000004A  }
0x9: {  	s1 =	ssub.s32 $0x2, s1;
	s7 =	smul.u32 $0x500, s4;
	s4 =	sadd.s32 $0x15E00, s0  }
0xa: {  	s24 =	sshrl.u32 s1, $0x1;
	s25 =	sshrl.u32 s8, $0x2;
	s6 =	sadd.s32 s5, s6  }
0xb: {  	s1 =	ssub.s32 s1, s24;
	s5 =	sadd.s32 s5, s2;
	s26 =	sadd.s32 s25, s2  }
0xc: {  	s24 =	simm.s32 $0xD000;
	s11 =	sadd.s32 s7, s0;
	s6 =	sshrl.u32 s6, $0x3  }
.Ltmp0:
0xd: {  	s7 =	sadd.s32 $0x2000, s26;
	s28 =	sadd.s32 $0x4000, s26;
	(pc) =	sbr.rel .LBB2_1-.Ltmp0, $4  }
0xe: {  	s30 =	sadd.s32 $0x6000, s26;
	s9 =	sadd.s32 $0x8000, s26;
	[dreg:$0x3] =	wrdreg s7  }
0xf: {  	s13 =	smax.u32 s1, $0x1;
	s1 =	simm.s32 $0x3;
	[dreg:$0x4] =	wrdreg s28  }
0x10: {  	s0 =	sadd.s32 s6, s0;
	[dreg:$0x5] =	wrdreg s30;
	s10 =	sadd.s32 $0x1E00, s11  }
0x11: {  	v0 =	vimm.f32 $0.0e+00;
	s11 =	sadd.s32 $0xBE00, s11;
	s12 =	sadd.s32 $0x29E00, s0;
	s0 =	simm.s32 $0x1  }
.LBB2_6:
0x12: {  	_ =	swait.ge [sflag:s19], $0x2000  }
0x13: {  	[sflag:s19] =	ssyncset.done $0x0  }
0x14: {  	[sflag:s19] =	ssyncadd.s32 $0xFFFFE000  }
0x15: {  	[spmem:s2] =	stream.indirect.scatter.add.f32 [tilespmem:s31], [sflag:$0x9], $0x40, s6, s17, $0xb8;
	[tilespmem:$0x1F000] =	vst v63  }
0x16: {  	s30 =	stileid.u32;
	_ =	swait.ge [sflag:s15], $0x2000  }
0x17: {  	s7 =	sshrl.u32 s5, $0x3;
	s3 =	sadd.s32 $0x1, s3;
	[sflag:s15] =	ssyncset.done $0x0  }
0x18: {  	p0 =	sne.s32 s3, s13;
	s6 =	sshll.u32 s30, $0x6;
	[sflag:s15] =	ssyncadd.s32 $0xFFFFE000  }
.Ltmp1:
0x19: {  	s6 =	sor.u32 $0x1C09, s6;
	[bflag:$0x0] =	sbarrier.arrive $0xFFFF;
	(pc) =	sbr.rel @!p0 .LBB2_7-.Ltmp1, $4  }
0x1a: {  	[hbm:s12], [sflag:s6] =	dma.local [spmem:s7], $0x1400  }
0x1b: {  	_ =	swait.ge [sflag:s15], $0x1400  }
0x1c: {  	[sflag:s15] =	ssyncset.done $0x0  }
0x1d: {  	[sflag:s15] =	ssyncadd.s32 $0xFFFFEC00  }
.LBB2_1:
0x1e: {  	s21 =	simm.s32 $0x100;
	s6 =	simm.s32 $0x0  }
.LBB2_2:
0x1f: {  	p0 =	sne.s32 s21, $0x7F00;
	[tilespmem:s6+$0x5030] =	vst v0;
	s22 =	smov.u32 s21;
	s21 =	sadd.s32 $0x100, s21  }
.Ltmp2:
0x20: {  	[tilespmem:s6+$0x5020] =	vst v0;
	(pc) =	sbr.rel @p0 .LBB2_2-.Ltmp2, $3  }
0x21: {  	[tilespmem:s6+$0x5000] =	vst v0  }
0x22: {  	[tilespmem:s6+$0x5010] =	vst v0;
	_ =	sdelay $0x1  }
0x23: {  	s6 =	sshra.s32 s22, $0x2  }
0x24: {  	[tilespmem:s6+$0x5030] =	vst v0  }
0x25: {  	[tilespmem:s6+$0x5020] =	vst v0  }
0x26: {  	[tilespmem:s6+$0x5000] =	vst v0  }
0x27: {  	[tilespmem:s6+$0x5010] =	vst v0  }
0x28: {  	[spmem:s5] =	stream.linear.scatter [tilespmem:s14], [sflag:$0x9], $0x2000, $0x38;
	[tilespmem:$0x1F000] =	vst v63  }
0x29: {  	_ =	swait.ge [sflag:s15], $0x2000  }
0x2a: {  	[sflag:s15] =	ssyncset.done $0x0  }
0x2b: {  	s25 =	rddreg [dreg:$0x3];
	[sflag:s15] =	ssyncadd.s32 $0xFFFFE000  }
0x2c: {  	[spmem:s25] =	stream.linear.scatter [tilespmem:s14], [sflag:$0x9], $0x2000, $0x38;
	[tilespmem:$0x1F000] =	vst v63  }
0x2d: {  	_ =	swait.ge [sflag:s15], $0x2000  }
0x2e: {  	[sflag:s15] =	ssyncset.done $0x0  }
0x2f: {  	s26 =	rddreg [dreg:$0x4];
	[sflag:s15] =	ssyncadd.s32 $0xFFFFE000  }
0x30: {  	[spmem:s26] =	stream.linear.scatter [tilespmem:s14], [sflag:$0x9], $0x2000, $0x38;
	[tilespmem:$0x1F000] =	vst v63  }
0x31: {  	_ =	swait.ge [sflag:s15], $0x2000  }
0x32: {  	[sflag:s15] =	ssyncset.done $0x0  }
0x33: {  	s28 =	rddreg [dreg:$0x5];
	[sflag:s15] =	ssyncadd.s32 $0xFFFFE000  }
0x34: {  	[spmem:s28] =	stream.linear.scatter [tilespmem:s14], [sflag:$0x9], $0x2000, $0x38;
	[tilespmem:$0x1F000] =	vst v63  }
0x35: {  	_ =	swait.ge [sflag:s15], $0x2000  }
0x36: {  	[sflag:s15] =	ssyncset.done $0x0  }
0x37: {  	[sflag:s15] =	ssyncadd.s32 $0xFFFFE000  }
0x38: {  	[spmem:s9] =	stream.linear.scatter [tilespmem:s14], [sflag:$0x9], $0x2000, $0x38;
	[tilespmem:$0x1F000] =	vst v63  }
0x39: {  	_ =	swait.ge [sflag:s15], $0x2000  }
0x3a: {  	[sflag:s15] =	ssyncset.done $0x0  }
0x3b: {  	[sflag:s15] =	ssyncadd.s32 $0xFFFFE000  }
0x3c: {  	s21 =	simm.s32 $0x0;
	[bflag:$0x0] =	sbarrier.arrive $0xFFFF  }
0x3d: {  	[tilespmem:s21], [sflag:$0x9] =	stream.linear.gather [hbm4b:s10+s21], $0x2800, $0x38;
	[tilespmem:$0x1F000] =	vst v63  }
0x3e: {  	_ =	swait.ge [sflag:s15], $0x2800  }
0x3f: {  	[sflag:s15] =	ssyncset.done $0x0  }
0x40: {  	s30 =	simm.s32 $0x2800;
	[sflag:s15] =	ssyncadd.s32 $0xFFFFD800  }
0x41: {  	[tilespmem:s30], [sflag:$0x9] =	stream.linear.gather [hbm4b:s11+s21], $0x2800, $0x38;
	[tilespmem:$0x1F000] =	vst v63  }
0x42: {  	_ =	swait.ge [sflag:s15], $0x2800  }
0x43: {  	[sflag:s15] =	ssyncset.done $0x0  }
0x44: {  	[sflag:s15] =	ssyncadd.s32 $0xFFFFD800  }
0x45: {  	[tilespmem:s14], [sflag:$0x1] =	stream.indirect.gather [hbm4b:s4+s17], $0x40, s21, s17, $0xb8;
	[tilespmem:$0x1F000] =	vst v63  }
0x46: {  	s7 =	simm.s32 $0x7000  }
0x47: {  	[tilespmem:s7], [sflag:$0x2] =	stream.indirect.gather [hbm4b:s4+s17], $0x40, s17, s17, $0xb8;
	[tilespmem:$0x1F000] =	vst v63  }
0x48: {  	s8 =	simm.s32 $0x100  }
0x49: {  	[tilespmem:s20], [sflag:$0x3] =	stream.indirect.gather [hbm4b:s4+s17], $0x40, s8, s17, $0xb8;
	[tilespmem:$0x1F000] =	vst v63  }
0x4a: {  	s22 =	simm.s32 $0x180;
	s7 =	simm.s32 $0xB000  }
0x4b: {  	[tilespmem:s7], [sflag:$0x4] =	stream.indirect.gather [hbm4b:s4+s17], $0x40, s22, s17, $0xb8;
	[tilespmem:$0x1F000] =	vst v63  }
0x4c: {  	s23 =	simm.s32 $0x200  }
0x4d: {  	[tilespmem:s24], [sflag:$0x5] =	stream.indirect.gather [hbm4b:s4+s17], $0x40, s23, s17, $0xb8;
	[tilespmem:$0x1F000] =	vst v63  }
0x4e: {  	s25 =	simm.s32 $0x280;
	s26 =	simm.s32 $0xF000  }
0x4f: {  	[tilespmem:s26], [sflag:$0x6] =	stream.indirect.gather [hbm4b:s4+s17], $0x40, s25, s17, $0xb8;
	[tilespmem:$0x1F000] =	vst v63  }
0x50: {  	s28 =	simm.s32 $0x300  }
0x51: {  	[tilespmem:s29], [sflag:$0x7] =	stream.indirect.gather [hbm4b:s4+s17], $0x40, s28, s17, $0xb8;
	[tilespmem:$0x1F000] =	vst v63  }
0x52: {  	s30 =	simm.s32 $0x380  }
0x53: {  	[tilespmem:s31], [sflag:$0x8] =	stream.indirect.gather [hbm4b:s4+s17], $0x40, s30, s17, $0xb8;
	[tilespmem:$0x1F000] =	vst v63  }
.LBB2_4:
0x54: {  	_ =	swait.ge [sflag:s0], $0x2000  }
0x55: {  	s22 =	sshra.s32 s21, $0x2;
	[sflag:s0] =	ssyncset.done $0x0  }
0x56: {  	s6 =	sadd.s32 $0x2800, s22;
	[sflag:s0] =	ssyncadd.s32 $0xFFFFE000  }
0x57: {  	[spmem:s2] =	stream.indirect.scatter.add.f32 [tilespmem:s14], [sflag:$0x9], $0x40, s6, s17, $0xb8;
	[tilespmem:$0x1F000] =	vst v63  }
0x58: {  	_ =	swait.ge [sflag:s15], $0x2000  }
0x59: {  	p0 =	seq.s32 s21, $0x9000;
	[sflag:s15] =	ssyncset.done $0x0  }
0x5a: {  	s6 =	simm.s32 @p0 $0x2;
	[sflag:s15] =	ssyncadd.s32 $0xFFFFE000  }
0x5b: {  	s26 =	sshra.s32 @p0 s21, $0x2;
	_ =	swait.ge @p0 [sflag:s6], $0x2000  }
0x5c: {  	s28 =	simm.s32 @p0 $0x80;
	s23 =	simm.s32 @p0 $0x7000;
	[sflag:s6] =	ssyncset.done @p0 $0x0  }
0x5d: {  	s30 =	simm.s32 @p0 $0x9;
	[sflag:s6] =	ssyncadd.s32 @p0 $0xFFFFE000;
	s6 =	sadd.s32 @p0 $0x2880, s26  }
0x5e: {  	[spmem:s2] =	stream.indirect.scatter.add.f32 @p0 [tilespmem:s23], [sflag:$0x9], $0x40, s6, s28, $0xb8;
	[tilespmem:$0x1F000] =	vst v63  }
0x5f: {  	_ =	swait.ge @p0 [sflag:s30], $0x2000  }
0x60: {  	s25 =	simm.s32 @!p0 $0x80;
	s23 =	sshra.s32 @!p0 s21, $0x2;
	[sflag:s30] =	ssyncset.done @p0 $0x0  }
0x61: {  	s7 =	simm.s32 @!p0 $0x5000;
	s6 =	sadd.s32 @!p0 $0x400, s23;
	[sflag:s30] =	ssyncadd.s32 @p0 $0xFFFFE000  }
0x62: {  	[tilespmem:s7], [sflag:$0x1] =	stream.indirect.gather @!p0 [hbm4b:s4+s25], $0x40, s6, s25, $0xb8;
	[tilespmem:$0x1F000] =	vst v63  }
0x63: {  	s6 =	simm.s32 @!p0 $0x2  }
0x64: {  	_ =	swait.ge @!p0 [sflag:s6], $0x2000  }
0x65: {  	[sflag:s6] =	ssyncset.done @!p0 $0x0  }
0x66: {  	s7 =	simm.s32 @!p0 $0x7000;
	[sflag:s6] =	ssyncadd.s32 @!p0 $0xFFFFE000;
	s6 =	sadd.s32 @!p0 $0x2880, s23  }
0x67: {  	[spmem:s2] =	stream.indirect.scatter.add.f32 @!p0 [tilespmem:s7], [sflag:$0x9], $0x40, s6, s25, $0xb8;
	[tilespmem:$0x1F000] =	vst v63  }
0x68: {  	s6 =	simm.s32 @!p0 $0x9  }
0x69: {  	_ =	swait.ge @!p0 [sflag:s6], $0x2000  }
0x6a: {  	[sflag:s6] =	ssyncset.done @!p0 $0x0  }
0x6b: {  	s8 =	sadd.s32 @!p0 $0x480, s23;
	[sflag:s6] =	ssyncadd.s32 @!p0 $0xFFFFE000  }
0x6c: {  	[tilespmem:s7], [sflag:$0x2] =	stream.indirect.gather @!p0 [hbm4b:s4+s25], $0x40, s8, s25, $0xb8;
	[tilespmem:$0x1F000] =	vst v63  }
0x6d: {  	_ =	swait.ge [sflag:s1], $0x2000  }
0x6e: {  	[sflag:s1] =	ssyncset.done $0x0  }
0x6f: {  	s8 =	sadd.s32 $0x2900, s22;
	[sflag:s1] =	ssyncadd.s32 $0xFFFFE000  }
0x70: {  	[spmem:s2] =	stream.indirect.scatter.add.f32 [tilespmem:s20], [sflag:$0x9], $0x40, s8, s17, $0xb8;
	[tilespmem:$0x1F000] =	vst v63  }
0x71: {  	_ =	swait.ge [sflag:s15], $0x2000  }
0x72: {  	[sflag:s15] =	ssyncset.done $0x0  }
0x73: {  	s7 =	simm.s32 @p0 $0x4;
	[sflag:s15] =	ssyncadd.s32 $0xFFFFE000  }
0x74: {  	_ =	swait.ge @p0 [sflag:s7], $0x2000  }
0x75: {  	[sflag:s7] =	ssyncset.done @p0 $0x0  }
0x76: {  	s8 =	simm.s32 @p0 $0xB000;
	[sflag:s7] =	ssyncadd.s32 @p0 $0xFFFFE000;
	s7 =	sadd.s32 @p0 $0x2980, s26  }
0x77: {  	[spmem:s2] =	stream.indirect.scatter.add.f32 @p0 [tilespmem:s8], [sflag:$0x9], $0x40, s7, s28, $0xb8;
	[tilespmem:$0x1F000] =	vst v63  }
0x78: {  	_ =	swait.ge @p0 [sflag:s30], $0x2000  }
0x79: {  	[sflag:s30] =	ssyncset.done @p0 $0x0  }
0x7a: {  	s7 =	sadd.s32 @!p0 $0x500, s23;
	s8 =	simm.s32 @!p0 $0x9000;
	[sflag:s30] =	ssyncadd.s32 @p0 $0xFFFFE000  }
0x7b: {  	[tilespmem:s8], [sflag:$0x3] =	stream.indirect.gather @!p0 [hbm4b:s4+s25], $0x40, s7, s25, $0xb8;
	[tilespmem:$0x1F000] =	vst v63  }
0x7c: {  	s7 =	simm.s32 @!p0 $0x4  }
0x7d: {  	_ =	swait.ge @!p0 [sflag:s7], $0x2000  }
0x7e: {  	[sflag:s7] =	ssyncset.done @!p0 $0x0  }
0x7f: {  	s8 =	simm.s32 @!p0 $0xB000;
	[sflag:s7] =	ssyncadd.s32 @!p0 $0xFFFFE000;
	s7 =	sadd.s32 @!p0 $0x2980, s23  }
0x80: {  	[spmem:s2] =	stream.indirect.scatter.add.f32 @!p0 [tilespmem:s8], [sflag:$0x9], $0x40, s7, s25, $0xb8;
	[tilespmem:$0x1F000] =	vst v63  }
0x81: {  	_ =	swait.ge @!p0 [sflag:s6], $0x2000  }
0x82: {  	[sflag:s6] =	ssyncset.done @!p0 $0x0  }
0x83: {  	s7 =	sadd.s32 @!p0 $0x580, s23;
	[sflag:s6] =	ssyncadd.s32 @!p0 $0xFFFFE000  }
0x84: {  	[tilespmem:s8], [sflag:$0x4] =	stream.indirect.gather @!p0 [hbm4b:s4+s25], $0x40, s7, s25, $0xb8;
	[tilespmem:$0x1F000] =	vst v63  }
0x85: {  	_ =	swait.ge [sflag:s16], $0x2000  }
0x86: {  	[sflag:s16] =	ssyncset.done $0x0  }
0x87: {  	s8 =	sadd.s32 $0x2A00, s22;
	[sflag:s16] =	ssyncadd.s32 $0xFFFFE000  }
0x88: {  	[spmem:s2] =	stream.indirect.scatter.add.f32 [tilespmem:s24], [sflag:$0x9], $0x40, s8, s17, $0xb8;
	[tilespmem:$0x1F000] =	vst v63  }
0x89: {  	_ =	swait.ge [sflag:s15], $0x2000  }
0x8a: {  	[sflag:s15] =	ssyncset.done $0x0  }
0x8b: {  	s7 =	simm.s32 @p0 $0x6;
	[sflag:s15] =	ssyncadd.s32 $0xFFFFE000  }
0x8c: {  	_ =	swait.ge @p0 [sflag:s7], $0x2000  }
0x8d: {  	[sflag:s7] =	ssyncset.done @p0 $0x0  }
0x8e: {  	s8 =	simm.s32 @p0 $0xF000;
	[sflag:s7] =	ssyncadd.s32 @p0 $0xFFFFE000;
	s7 =	sadd.s32 @p0 $0x2A80, s26  }
0x8f: {  	[spmem:s2] =	stream.indirect.scatter.add.f32 @p0 [tilespmem:s8], [sflag:$0x9], $0x40, s7, s28, $0xb8;
	[tilespmem:$0x1F000] =	vst v63  }
0x90: {  	_ =	swait.ge @p0 [sflag:s30], $0x2000  }
0x91: {  	[sflag:s30] =	ssyncset.done @p0 $0x0  }
0x92: {  	s7 =	sadd.s32 @!p0 $0x600, s23;
	s8 =	simm.s32 @!p0 $0xD000;
	[sflag:s30] =	ssyncadd.s32 @p0 $0xFFFFE000  }
0x93: {  	[tilespmem:s8], [sflag:$0x5] =	stream.indirect.gather @!p0 [hbm4b:s4+s25], $0x40, s7, s25, $0xb8;
	[tilespmem:$0x1F000] =	vst v63  }
0x94: {  	s7 =	simm.s32 @!p0 $0x6  }
0x95: {  	_ =	swait.ge @!p0 [sflag:s7], $0x2000  }
0x96: {  	[sflag:s7] =	ssyncset.done @!p0 $0x0  }
0x97: {  	s8 =	simm.s32 @!p0 $0xF000;
	[sflag:s7] =	ssyncadd.s32 @!p0 $0xFFFFE000;
	s7 =	sadd.s32 @!p0 $0x2A80, s23  }
0x98: {  	[spmem:s2] =	stream.indirect.scatter.add.f32 @!p0 [tilespmem:s8], [sflag:$0x9], $0x40, s7, s25, $0xb8;
	[tilespmem:$0x1F000] =	vst v63  }
0x99: {  	_ =	swait.ge @!p0 [sflag:s6], $0x2000  }
0x9a: {  	[sflag:s6] =	ssyncset.done @!p0 $0x0  }
0x9b: {  	[sflag:s6] =	ssyncadd.s32 @!p0 $0xFFFFE000;
	s6 =	sadd.s32 @!p0 $0x680, s23  }
0x9c: {  	[tilespmem:s8], [sflag:$0x6] =	stream.indirect.gather @!p0 [hbm4b:s4+s25], $0x40, s6, s25, $0xb8;
	[tilespmem:$0x1F000] =	vst v63  }
0x9d: {  	_ =	swait.ge [sflag:s18], $0x2000  }
0x9e: {  	[sflag:s18] =	ssyncset.done $0x0  }
.Ltmp3:
0x9f: {  	s30 =	sadd.s32 $0x2B00, s22;
	[sflag:s18] =	ssyncadd.s32 $0xFFFFE000;
	(pc) =	sbr.rel @p0 .LBB2_6-.Ltmp3, $4  }
0xa0: {  	[spmem:s2] =	stream.indirect.scatter.add.f32 [tilespmem:s29], [sflag:$0x9], $0x40, s30, s17, $0xb8;
	[tilespmem:$0x1F000] =	vst v63  }
0xa1: {  	_ =	swait.ge [sflag:s15], $0x2000  }
0xa2: {  	[sflag:s15] =	ssyncset.done $0x0  }
0xa3: {  	s6 =	sadd.s32 $0x2B80, s22;
	[sflag:s15] =	ssyncadd.s32 $0xFFFFE000  }
0xa4: {  	s7 =	sadd.s32 $0x700, s22  }
0xa5: {  	[tilespmem:s29], [sflag:$0x7] =	stream.indirect.gather [hbm4b:s4+s17], $0x40, s7, s17, $0xb8;
	[tilespmem:$0x1F000] =	vst v63  }
0xa6: {  	_ =	swait.ge [sflag:s19], $0x2000  }
0xa7: {  	[sflag:s19] =	ssyncset.done $0x0  }
0xa8: {  	[sflag:s19] =	ssyncadd.s32 $0xFFFFE000  }
0xa9: {  	[spmem:s2] =	stream.indirect.scatter.add.f32 [tilespmem:s31], [sflag:$0x9], $0x40, s6, s17, $0xb8;
	[tilespmem:$0x1F000] =	vst v63  }
.Ltmp4:
0xaa: {  	_ = 	snop;
	(pc) =	sbr.rel .LBB2_4-.Ltmp4, $4  }
0xab: {  	_ =	swait.ge [sflag:s15], $0x2000  }
0xac: {  	[sflag:s15] =	ssyncset.done $0x0  }
0xad: {  	s30 =	sadd.s32 $0x780, s22;
	s21 =	sadd.s32 $0x1000, s21;
	[sflag:s15] =	ssyncadd.s32 $0xFFFFE000  }
0xae: {  	[tilespmem:s31], [sflag:$0x8] =	stream.indirect.gather [hbm4b:s4+s17], $0x40, s30, s17, $0xb8;
	[tilespmem:$0x1F000] =	vst v63  }
.LBB2_7:
0xaf: {  	_ =	sfence.sel $0x180000  }
0xb0: {  	[bflag:$0x0] =	sbarrier.arrive $0xFFFF  }
0xb1: {  	_ =	strace $0x9000004A  }
0xb2: {  	s0 =	stileid.u32;
	[bflag:$0x2] =	sbarrier.arrive $0xFFFF  }
0xb3: {  	p0 =	sne.s32 s0, $0x0;
	s0 =	rddreg [dreg:$0x2]  }
0xb4: {  	s0 =	sadd.s32 @!p0 $0x100000, s0  }
0xb5: {  	[sflag:s0] =	ssyncadd.tile.s32 @!p0 $0x1;
	_ =	shalt  }
.Lfunc_end2:
_tile_overlayer_lowered:
.L_overlay_start_2:
0xb6: {  	(tag) =	ssettag $0x2  }
0xb7: {  	s0 =	rddreg [dreg:$0x0];
	s2 =	stileid.u32  }
0xb8: {  	s1 =	rddreg [dreg:$0x1];
	p0 =	sne.s32 s2, $0x0  }
0xb9: {  	s3 =	rddreg [dreg:$0x2];
	[bflag:$0x3] =	sbarrier.arrive $0xFFFF;
	s2 =	simm.s32 @!p0 $0x1C09  }
0xba: {  	[timem:s3], [sflag:s2] =	dma.local @!p0 [hbm:s0], s1  }
0xbb: {  	s0 =	simm.s32 @!p0 $0x9  }
0xbc: {  	_ =	swait.ge @!p0 [sflag:s0], s1  }
0xbd: {  	s1 =	ssub.s32 @!p0 $0x0, s1;
	[sflag:s0] =	ssyncset.done @!p0 $0x0  }
0xbe: {  	[sflag:s0] =	ssyncadd.s32 @!p0 s1  }
0xbf: {  	[bflag:$0x3] =	sbarrier.arrive $0xFFFF  }
0xc0: {  	_ =	shalt  }

// kernel: gcn_edge_agg.7.cloned.1.call-start
scs
__scs_entry_jumppad:
0x0: {  	(pc) =	sbr.rel $0x88, $3  }
0x1: {  	(tag) =	ssettag $0x0;
	lr =	simm.s32 $0x1  }
0x2: {  	[smem:$0x3F99] =	sst lr;
	_ =	strace $0xD0000000  }
0x3: {  	_ = 	snop  }
0x4: {  	_ = 	snop  }
0x5: {  	_ = 	snop  }
0x6: {  	_ = 	snop  }
0x7: {  	_ = 	snop  }
__scs_overlays_trampoline_lowered:
0x8: {  	[smem:$0x3FA8] =	sst s0  }
0x9: {  	[smem:$0x3FA9] =	sst s1  }
0xa: {  	[smem:$0x3FAA] =	sst s2  }
0xb: {  	[smem:$0x3FAB] =	sst s3  }
0xc: {  	[smem:$0x3FAC] =	sst s4  }
0xd: {  	[smem:$0x3FAD] =	sst s5  }
0xe: {  	[smem:$0x3FAE] =	sst s6  }
0xf: {  	[smem:$0x3FAF] =	sst s7  }
0x10: {  	[smem:$0x3FB0] =	sst s8  }
0x11: {  	[smem:$0x3FB1] =	sst s9;
	s0 =	simm.s32 @!p0 $0x0  }
0x12: {  	s1 =	sld [smem:$0x3F97];
	s0 =	simm.s32 @p0 $0x1  }
0x13: {  	[smem:$0x3FB2] =	sst s0;
	s0 =	simm.s32 @!p1 $0x0  }
0x14: {  	s2 =	sld [smem:$0x3F96];
	s0 =	simm.s32 @p1 $0x1  }
0x15: {  	[smem:$0x3FB3] =	sst s0;
	s0 =	simm.s32 @!p2 $0x0  }
0x16: {  	s3 =	sld [smem:$0x3FDB];
	s0 =	simm.s32 @p2 $0x1  }
0x17: {  	s4 =	simm.s32 $0x1BF5;
	[smem:$0x3FB5] =	sst s0  }
0x18: {  	s0 =	sld [smem:$0x3F98];
	_ =	swait.ge [sflag:s4], $0x0  }
0x19: {  	s7 =	sld [smem:$0x3F99]  }
0x1a: {  	s8 =	sadd.s32 $0xFFFFE003, lr  }
0x1b: {  	s9 =	sadd.s32 $0xFFFFFEF7, lr;
	s5 =	simm.s32 $0xFFFFFFFF;
	p2 =	slt.u32 s8, $0xFFFFF086  }
0x1c: {  	p1 =	slt.u32 s9, $0xF7A;
	s5 =	simm.s32 @!p2 $0x0  }
0x1d: {  	s5 =	simm.s32 @p1 $0x1;
	p0 =	seq.s32 s7, s2  }
0x1e: {  	s7 =	smul.u32 @!p0 $0xF7A, s2;
	p2 =	seq.s32 @!p0 s5, $0x0  }
0x1f: {  	s9 =	smul.u32 $0xF7A, s1;
	s8 =	simm.s32 @!p0 $0x1BF5;
	p2 =	por !p2, p0  }
0x20: {  	[sflag:s8] =	ssyncset.s32 @!p0 $0xFFFFF086;
	s6 =	sadd.s32 @!p0 s3, s7;
	s7 =	simm.s32 @!p0 $0x108  }
0x21: {  	s3 =	sadd.s32 s3, s9;
	s6 =	sadd.s32 @!p0 $0x88, s6;
	s7 =	simm.s32 @p2 $0x1082  }
0x22: {  	[simem:s7], [sflag:s8] =	dma.local @!p0 [hbm:s6], $0xF7A  }
0x23: {  	s9 =	sor.u32 $0xD0000000, s2;
	s6 =	simm.s32 $0x108;
	_ =	swait.ge @!p0 [sflag:s8], $0x0  }
0x24: {  	s3 =	sadd.s32 $0x88, s3;
	s6 =	simm.s32 @!p1 $0x1082;
	[sflag:s4] =	ssyncset.s32 $0xFFFFF086  }
0x25: {  	[simem:s6], [sflag:s4] =	dma.local [hbm:s3], $0xF7A  }
0x26: {  	[smem:$0x3F99] =	sst s1;
	(tag) =	ssettag s2;
	_ =	strace s9  }
0x27: {  	s1 =	sld [smem:$0x3FA9]  }
0x28: {  	s2 =	sld [smem:$0x3FAA]  }
0x29: {  	s4 =	sld [smem:$0x3FAC]  }
0x2a: {  	p0 =	seq.s32 s5, $0x0;
	s5 =	sld [smem:$0x3FAD]  }
0x2b: {  	s6 =	sld [smem:$0x3FAE]  }
0x2c: {  	s7 =	sld [smem:$0x3FAF]  }
0x2d: {  	s3 =	simm.s32 $0x108;
	s8 =	sld [smem:$0x3FB0]  }
0x2e: {  	s3 =	simm.s32 @!p0 $0x1082;
	s9 =	sld [smem:$0x3FB1]  }
0x2f: {  	lr =	sadd.s32 s0, s3;
	s0 =	sld [smem:$0x3FA8]  }
0x30: {  	s3 =	sld [smem:$0x3FAB]  }
0x31: {  	[smem:$0x3FB4] =	sst s10  }
0x32: {  	s10 =	sld [smem:$0x3FB2];
	_ =	sdelay $0x3  }
0x33: {  	p0 =	seq.s32 s10, $0x1;
	s10 =	sld [smem:$0x3FB4];
	_ =	sdelay $0x3  }
0x34: {  	[smem:$0x3FB4] =	sst s10  }
0x35: {  	s10 =	sld [smem:$0x3FB3];
	_ =	sdelay $0x3  }
0x36: {  	p1 =	seq.s32 s10, $0x1;
	s10 =	sld [smem:$0x3FB4];
	_ =	sdelay $0x3  }
0x37: {  	[smem:$0x3FB4] =	sst s10  }
0x38: {  	s10 =	sld [smem:$0x3FB5]  }
0x39: {  	_ = 	snop;
	(pc) =	sbr.ind lr, $3  }
0x3a: {  	_ = 	snop  }
0x3b: {  	_ = 	snop  }
0x3c: {  	p2 =	seq.s32 s10, $0x1;
	s10 =	sld [smem:$0x3FB4]  }
0x3d: {  	_ =	shalt  }
0x3e: {  	_ =	shalt  }
0x3f: {  	_ =	shalt  }
0x40: {  	_ =	shalt  }
0x41: {  	_ =	shalt  }
0x42: {  	_ =	shalt  }
0x43: {  	_ =	shalt  }
0x44: {  	_ =	shalt  }
0x45: {  	_ =	shalt  }
0x46: {  	_ =	shalt  }
0x47: {  	_ =	shalt  }
0x48: {  	_ =	shalt  }
0x49: {  	_ =	shalt  }
0x4a: {  	_ =	shalt  }
0x4b: {  	_ =	shalt  }
0x4c: {  	_ =	shalt  }
0x4d: {  	_ =	shalt  }
0x4e: {  	_ =	shalt  }
0x4f: {  	_ =	shalt  }
0x50: {  	_ =	shalt  }
0x51: {  	_ =	shalt  }
0x52: {  	_ =	shalt  }
0x53: {  	_ =	shalt  }
0x54: {  	_ =	shalt  }
0x55: {  	_ =	shalt  }
0x56: {  	_ =	shalt  }
0x57: {  	_ =	shalt  }
0x58: {  	_ =	shalt  }
0x59: {  	_ =	shalt  }
0x5a: {  	_ =	shalt  }
0x5b: {  	_ =	shalt  }
0x5c: {  	_ =	shalt  }
0x5d: {  	_ =	shalt  }
0x5e: {  	_ =	shalt  }
0x5f: {  	_ =	shalt  }
0x60: {  	_ =	shalt  }
0x61: {  	_ =	shalt  }
0x62: {  	_ =	shalt  }
0x63: {  	_ =	shalt  }
0x64: {  	_ =	shalt  }
0x65: {  	_ =	shalt  }
0x66: {  	_ =	shalt  }
0x67: {  	_ =	shalt  }
0x68: {  	_ =	shalt  }
0x69: {  	_ =	shalt  }
0x6a: {  	_ =	shalt  }
0x6b: {  	_ =	shalt  }
0x6c: {  	_ =	shalt  }
0x6d: {  	_ =	shalt  }
0x6e: {  	_ =	shalt  }
0x6f: {  	_ =	shalt  }
0x70: {  	_ =	shalt  }
0x71: {  	_ =	shalt  }
0x72: {  	_ =	shalt  }
0x73: {  	_ =	shalt  }
0x74: {  	_ =	shalt  }
0x75: {  	_ =	shalt  }
0x76: {  	_ =	shalt  }
0x77: {  	_ =	shalt  }
0x78: {  	_ =	shalt  }
0x79: {  	_ =	shalt  }
0x7a: {  	_ =	shalt  }
0x7b: {  	_ =	shalt  }
0x7c: {  	_ =	shalt  }
0x7d: {  	_ =	shalt  }
0x7e: {  	_ =	shalt  }
0x7f: {  	_ =	shalt  }
0x80: {  	_ =	shalt  }
0x81: {  	_ =	shalt  }
0x82: {  	_ =	shalt  }
0x83: {  	_ =	shalt  }
0x84: {  	_ =	shalt  }
0x85: {  	_ =	shalt  }
0x86: {  	_ =	shalt  }
0x87: {  	_ =	shalt  }
.Lfunc_end0:
.L_simem_size_0:
called_computation.2_lowered:
.L_overlay_start_0:
0x88: {  	s2 =	sld [smem:$0x3FD9]  }
0x89: {  	s3 =	sld [smem:$0x3FFE];
	_ =	sdelay $0x1  }
0x8a: {  	s1 =	srdreg.scid  }
0x8b: {  	s0 =	sand.u32 $0x1, s1  }
0x8c: {  	s16 =	sshll.u32 s0, $0xA;
	s2 =	sadd.s32 s3, s2  }
0x8d: {  	s2 =	sadd.s32 s2, s16  }
0x8e: {  	[smem:$0x3FC0] =	sst s2  }
0x8f: {  	_ = 	snop  }
0x90: {  	(tm) =	ssettm $0x1  }
0x91: {  	s17 =	sld [smem:$0x3FFB];
	_ =	sdelay $0x3  }
0x92: {  	_ =	strace s17  }
0x93: {  	s2 =	sld [smem:$0x3FFC];
	_ =	sdelay $0x3  }
0x94: {  	_ =	strace s2  }
0x95: {  	s2 =	sld [smem:$0x3FFD];
	_ =	sdelay $0x3  }
0x96: {  	_ =	strace s2  }
0x97: {  	_ =	strace $0x8FFFFFFF  }
0x98: {  	s18 =	sld [smem:$0x3FDB];
	_ =	sdelay $0x1  }
0x99: {  	s19 =	simm.s32 $_scs_section_size  }
0x9a: {  	s4 =	simm.s32 $_size__tile_overlayer_lowered;
	s5 =	simm.s32 $_tile_overlayer_lowered  }
0x9b: {  	s22 =	simm.s32 $0x1BFF;
	s21 =	sshll.u32 s5, $0x1;
	s2 =	sadd.s32 s19, s18  }
0x9c: {  	s6 =	simm.s32 $0x0;
	s20 =	sshll.u32 s4, $0x1;
	s4 =	sadd.s32 s21, s2  }
0x9d: {  	[timem:s6], [sflag:s22] =	dma.local [hbm:s4], s20  }
0x9e: {  	_ =	swait.ge [sflag:s22], s20  }
0x9f: {  	s3 =	ssub.s32 $0x0, s20;
	[sflag:s22] =	ssyncset.done $0x0  }
0xa0: {  	[sflag:s22] =	ssyncadd.s32 s3;
	_ =	sdelay $0x1  }
0xa1: {  	s23 =	simm.s32 $0x1B8B  }
0xa2: {  	_ =	swait.ge [sflag:s23], $0x1  }
0xa3: {  	[sflag:s23] =	ssyncset.done $0x0  }
0xa4: {  	s25 =	simm.s32 $0x1B8E;
	s24 =	sld [smem:$0x3FFE];
	[sflag:s23] =	ssyncadd.s32 $0xFFFFFFFF  }
0xa5: {  	s26 =	simm.s32 $execute0_lowered;
	[smem:$0x3FD2] =	sst s25  }
0xa6: {  	s4 =	sshll.u32 s26, $0x1;
	_ =	strace $0x8000004C;
	[dreg:$0x1] =	wrdreg $0xFFFFFFFF  }
0xa7: {  	s28 =	simm.s32 $_size_execute0_lowered;
	s2 =	sadd.s32 s2, s4;
	[dreg:$0x0] =	wrdreg $0x0  }
0xa8: {  	s4 =	sshll.u32 s28, $0x1;
	[dreg:$0x2] =	wrdreg s2  }
0xa9: {  	[dreg:$0x3] =	wrdreg s4  }
0xaa: {  	[dreg:$0x4] =	wrdreg $0xC0  }
0xab: {  	_ =	task [dreg:s6], $0x5FFFF  }
0xac: {  	[dreg:$0x1] =	wrdreg $0xFFFFFFFF  }
0xad: {  	[dreg:$0x0] =	wrdreg $0x60  }
0xae: {  	[dreg:$0x2] =	wrdreg s24  }
0xaf: {  	[dreg:$0x3] =	wrdreg $0x150000  }
0xb0: {  	[dreg:$0x4] =	wrdreg $0x9  }
0xb1: {  	_ =	task.clear_ibuf [dreg:s6], $0x5FFFF;
	_ =	strace $0x9000004C  }
0xb2: {  	s29 =	simm.s32 $0x9;
	_ =	strace $0x8000004E  }
0xb3: {  	_ =	swait.ge [sflag:s29], $0x1  }
0xb4: {  	[sflag:s29] =	ssyncadd.s32 $0xFFFFFFFF  }
0xb5: {  	_ =	strace $0x9000004E  }
0xb6: {  	_ =	sfence  }
0xb7: {  	s30 =	sld [smem:$0x0];
	_ =	sdelay $0x2  }
0xb8: {  	s31 =	sshll.u32 s1, $0xD;
	s1 =	sshrl.u32 s1, $0x2  }
0xb9: {  	s3 =	sand.u32 $0x4000, s31;
	s1 =	sadd.s32 s1, s30  }
0xba: {  	s0 =	sor.u32 s3, s0;
	s1 =	sshll.u32 s1, $0x11  }
0xbb: {  	s0 =	sor.u32 s1, s0  }
0xbc: {  	s0 =	sadd.s32 $0x8F2B, s0  }
0xbd: {  	[sflag:s0] =	ssyncadd.remote.s32 $0x1  }
0xbe: {  	_ =	sfence.sel $0xFFFF  }
0xbf: {  	[dreg:$0x0] =	wrdreg $0xFFFFFFFF;
	(pc) =	sbr.abs _section_cstart, $3  }
0xc0: {  	[dreg:$0x1] =	wrdreg $0xFFFFFFFF  }
0xc1: {  	_ =	task.clear_ibuf [dreg:s6], $0x2FFFF;
	_ =	strace $0x9FFFFFFF  }
0xc2: {  	(tm) =	ssettm $0x7FFFFFFF  }
0xc3: {  	_ =	shalt  }
tec
execute0_lowered:
.L_overlay_start_1:
0x0: {  	(tag) =	ssettag $0x1  }
0x1: {  	s0 =	rddreg [dreg:$0x0]  }
0x2: {  	s2 =	rddreg [dreg:$0x1];
	s3 =	simm.s32 $0x0;
	s1 =	srdreg.scid  }
0x3: {  	s8 =	stileid.u32;
	s14 =	simm.s32 $0x5000;
	s15 =	simm.s32 $0x9  }
0x4: {  	s17 =	simm.s32 $0x80;
	s20 =	simm.s32 $0x9000;
	s29 =	simm.s32 $0x11000  }
0x5: {  	s31 =	simm.s32 $0x13000;
	s16 =	simm.s32 $0x5;
	s18 =	simm.s32 $0x7  }
0x6: {  	s19 =	simm.s32 $0x8;
	s1 =	sand.u32 $0x1, s1;
	s5 =	smul.u32 $0xA000, s8  }
0x7: {  	s4 =	sshll.u32 s8, $0x1;
	[smem:$0x7FF] =	sst s3;
	s8 =	smul.u32 $0x28000, s8  }
0x8: {  	s4 =	sor.u32 s1, s4;
	s6 =	smul.u32 $0xA0000, s1;
	_ =	strace $0x8000004D  }
0x9: {  	s1 =	ssub.s32 $0x2, s1;
	s7 =	smul.u32 $0x500, s4;
	s4 =	sadd.s32 $0x15E00, s0  }
0xa: {  	s24 =	sshrl.u32 s1, $0x1;
	s25 =	sshrl.u32 s8, $0x2;
	s6 =	sadd.s32 s5, s6  }
0xb: {  	s1 =	ssub.s32 s1, s24;
	s5 =	sadd.s32 s5, s2;
	s26 =	sadd.s32 s25, s2  }
0xc: {  	s24 =	simm.s32 $0xD000;
	s11 =	sadd.s32 s7, s0;
	s6 =	sshrl.u32 s6, $0x3  }
.Ltmp0:
0xd: {  	s7 =	sadd.s32 $0x2000, s26;
	s28 =	sadd.s32 $0x4000, s26;
	(pc) =	sbr.rel .LBB2_1-.Ltmp0, $4  }
0xe: {  	s30 =	sadd.s32 $0x6000, s26;
	s9 =	sadd.s32 $0x8000, s26;
	[dreg:$0x3] =	wrdreg s7  }
0xf: {  	s13 =	smax.u32 s1, $0x1;
	s1 =	simm.s32 $0x3;
	[dreg:$0x4] =	wrdreg s28  }
0x10: {  	s0 =	sadd.s32 s6, s0;
	[dreg:$0x5] =	wrdreg s30;
	s10 =	sadd.s32 $0x1E00, s11  }
0x11: {  	v0 =	vimm.f32 $0.0e+00;
	s11 =	sadd.s32 $0xBE00, s11;
	s12 =	sadd.s32 $0x29E00, s0;
	s0 =	simm.s32 $0x1  }
.LBB2_6:
0x12: {  	_ =	swait.ge [sflag:s19], $0x2000  }
0x13: {  	[sflag:s19] =	ssyncset.done $0x0  }
0x14: {  	[sflag:s19] =	ssyncadd.s32 $0xFFFFE000  }
0x15: {  	[spmem:s2] =	stream.indirect.scatter.add.f32 [tilespmem:s31], [sflag:$0x9], $0x40, s6, s17, $0xb8;
	[tilespmem:$0x1F000] =	vst v63  }
0x16: {  	s30 =	stileid.u32;
	_ =	swait.ge [sflag:s15], $0x2000  }
0x17: {  	s7 =	sshrl.u32 s5, $0x3;
	s3 =	sadd.s32 $0x1, s3;
	[sflag:s15] =	ssyncset.done $0x0  }
0x18: {  	p0 =	sne.s32 s3, s13;
	s6 =	sshll.u32 s30, $0x6;
	[sflag:s15] =	ssyncadd.s32 $0xFFFFE000  }
.Ltmp1:
0x19: {  	s6 =	sor.u32 $0x1C09, s6;
	[bflag:$0x0] =	sbarrier.arrive $0xFFFF;
	(pc) =	sbr.rel @!p0 .LBB2_7-.Ltmp1, $4  }
0x1a: {  	[hbm:s12], [sflag:s6] =	dma.local [spmem:s7], $0x1400  }
0x1b: {  	_ =	swait.ge [sflag:s15], $0x1400  }
0x1c: {  	[sflag:s15] =	ssyncset.done $0x0  }
0x1d: {  	[sflag:s15] =	ssyncadd.s32 $0xFFFFEC00  }
.LBB2_1:
0x1e: {  	s21 =	simm.s32 $0x100;
	s6 =	simm.s32 $0x0  }
.LBB2_2:
0x1f: {  	p0 =	sne.s32 s21, $0x7F00;
	[tilespmem:s6+$0x5030] =	vst v0;
	s22 =	smov.u32 s21;
	s21 =	sadd.s32 $0x100, s21  }
.Ltmp2:
0x20: {  	[tilespmem:s6+$0x5020] =	vst v0;
	(pc) =	sbr.rel @p0 .LBB2_2-.Ltmp2, $3  }
0x21: {  	[tilespmem:s6+$0x5000] =	vst v0  }
0x22: {  	[tilespmem:s6+$0x5010] =	vst v0;
	_ =	sdelay $0x1  }
0x23: {  	s6 =	sshra.s32 s22, $0x2  }
0x24: {  	[tilespmem:s6+$0x5030] =	vst v0  }
0x25: {  	[tilespmem:s6+$0x5020] =	vst v0  }
0x26: {  	[tilespmem:s6+$0x5000] =	vst v0  }
0x27: {  	[tilespmem:s6+$0x5010] =	vst v0  }
0x28: {  	[spmem:s5] =	stream.linear.scatter [tilespmem:s14], [sflag:$0x9], $0x2000, $0x38;
	[tilespmem:$0x1F000] =	vst v63  }
0x29: {  	_ =	swait.ge [sflag:s15], $0x2000  }
0x2a: {  	[sflag:s15] =	ssyncset.done $0x0  }
0x2b: {  	s25 =	rddreg [dreg:$0x3];
	[sflag:s15] =	ssyncadd.s32 $0xFFFFE000  }
0x2c: {  	[spmem:s25] =	stream.linear.scatter [tilespmem:s14], [sflag:$0x9], $0x2000, $0x38;
	[tilespmem:$0x1F000] =	vst v63  }
0x2d: {  	_ =	swait.ge [sflag:s15], $0x2000  }
0x2e: {  	[sflag:s15] =	ssyncset.done $0x0  }
0x2f: {  	s26 =	rddreg [dreg:$0x4];
	[sflag:s15] =	ssyncadd.s32 $0xFFFFE000  }
0x30: {  	[spmem:s26] =	stream.linear.scatter [tilespmem:s14], [sflag:$0x9], $0x2000, $0x38;
	[tilespmem:$0x1F000] =	vst v63  }
0x31: {  	_ =	swait.ge [sflag:s15], $0x2000  }
0x32: {  	[sflag:s15] =	ssyncset.done $0x0  }
0x33: {  	s28 =	rddreg [dreg:$0x5];
	[sflag:s15] =	ssyncadd.s32 $0xFFFFE000  }
0x34: {  	[spmem:s28] =	stream.linear.scatter [tilespmem:s14], [sflag:$0x9], $0x2000, $0x38;
	[tilespmem:$0x1F000] =	vst v63  }
0x35: {  	_ =	swait.ge [sflag:s15], $0x2000  }
0x36: {  	[sflag:s15] =	ssyncset.done $0x0  }
0x37: {  	[sflag:s15] =	ssyncadd.s32 $0xFFFFE000  }
0x38: {  	[spmem:s9] =	stream.linear.scatter [tilespmem:s14], [sflag:$0x9], $0x2000, $0x38;
	[tilespmem:$0x1F000] =	vst v63  }
0x39: {  	_ =	swait.ge [sflag:s15], $0x2000  }
0x3a: {  	[sflag:s15] =	ssyncset.done $0x0  }
0x3b: {  	[sflag:s15] =	ssyncadd.s32 $0xFFFFE000  }
0x3c: {  	s21 =	simm.s32 $0x0;
	[bflag:$0x0] =	sbarrier.arrive $0xFFFF  }
0x3d: {  	[tilespmem:s21], [sflag:$0x9] =	stream.linear.gather [hbm4b:s10+s21], $0x2800, $0x38;
	[tilespmem:$0x1F000] =	vst v63  }
0x3e: {  	_ =	swait.ge [sflag:s15], $0x2800  }
0x3f: {  	[sflag:s15] =	ssyncset.done $0x0  }
0x40: {  	s30 =	simm.s32 $0x2800;
	[sflag:s15] =	ssyncadd.s32 $0xFFFFD800  }
0x41: {  	[tilespmem:s30], [sflag:$0x9] =	stream.linear.gather [hbm4b:s11+s21], $0x2800, $0x38;
	[tilespmem:$0x1F000] =	vst v63  }
0x42: {  	_ =	swait.ge [sflag:s15], $0x2800  }
0x43: {  	[sflag:s15] =	ssyncset.done $0x0  }
0x44: {  	[sflag:s15] =	ssyncadd.s32 $0xFFFFD800  }
0x45: {  	[tilespmem:s14], [sflag:$0x1] =	stream.indirect.gather [hbm4b:s4+s17], $0x40, s21, s17, $0xb8;
	[tilespmem:$0x1F000] =	vst v63  }
0x46: {  	s7 =	simm.s32 $0x7000  }
0x47: {  	[tilespmem:s7], [sflag:$0x2] =	stream.indirect.gather [hbm4b:s4+s17], $0x40, s17, s17, $0xb8;
	[tilespmem:$0x1F000] =	vst v63  }
0x48: {  	s8 =	simm.s32 $0x100  }
0x49: {  	[tilespmem:s20], [sflag:$0x3] =	stream.indirect.gather [hbm4b:s4+s17], $0x40, s8, s17, $0xb8;
	[tilespmem:$0x1F000] =	vst v63  }
0x4a: {  	s22 =	simm.s32 $0x180;
	s7 =	simm.s32 $0xB000  }
0x4b: {  	[tilespmem:s7], [sflag:$0x4] =	stream.indirect.gather [hbm4b:s4+s17], $0x40, s22, s17, $0xb8;
	[tilespmem:$0x1F000] =	vst v63  }
0x4c: {  	s23 =	simm.s32 $0x200  }
0x4d: {  	[tilespmem:s24], [sflag:$0x5] =	stream.indirect.gather [hbm4b:s4+s17], $0x40, s23, s17, $0xb8;
	[tilespmem:$0x1F000] =	vst v63  }
0x4e: {  	s25 =	simm.s32 $0x280;
	s26 =	simm.s32 $0xF000  }
0x4f: {  	[tilespmem:s26], [sflag:$0x6] =	stream.indirect.gather [hbm4b:s4+s17], $0x40, s25, s17, $0xb8;
	[tilespmem:$0x1F000] =	vst v63  }
0x50: {  	s28 =	simm.s32 $0x300  }
0x51: {  	[tilespmem:s29], [sflag:$0x7] =	stream.indirect.gather [hbm4b:s4+s17], $0x40, s28, s17, $0xb8;
	[tilespmem:$0x1F000] =	vst v63  }
0x52: {  	s30 =	simm.s32 $0x380  }
0x53: {  	[tilespmem:s31], [sflag:$0x8] =	stream.indirect.gather [hbm4b:s4+s17], $0x40, s30, s17, $0xb8;
	[tilespmem:$0x1F000] =	vst v63  }
.LBB2_4:
0x54: {  	_ =	swait.ge [sflag:s0], $0x2000  }
0x55: {  	s22 =	sshra.s32 s21, $0x2;
	[sflag:s0] =	ssyncset.done $0x0  }
0x56: {  	s6 =	sadd.s32 $0x2800, s22;
	[sflag:s0] =	ssyncadd.s32 $0xFFFFE000  }
0x57: {  	[spmem:s2] =	stream.indirect.scatter.add.f32 [tilespmem:s14], [sflag:$0x9], $0x40, s6, s17, $0xb8;
	[tilespmem:$0x1F000] =	vst v63  }
0x58: {  	_ =	swait.ge [sflag:s15], $0x2000  }
0x59: {  	p0 =	seq.s32 s21, $0x9000;
	[sflag:s15] =	ssyncset.done $0x0  }
0x5a: {  	s6 =	simm.s32 @p0 $0x2;
	[sflag:s15] =	ssyncadd.s32 $0xFFFFE000  }
0x5b: {  	s26 =	sshra.s32 @p0 s21, $0x2;
	_ =	swait.ge @p0 [sflag:s6], $0x2000  }
0x5c: {  	s28 =	simm.s32 @p0 $0x80;
	s23 =	simm.s32 @p0 $0x7000;
	[sflag:s6] =	ssyncset.done @p0 $0x0  }
0x5d: {  	s30 =	simm.s32 @p0 $0x9;
	[sflag:s6] =	ssyncadd.s32 @p0 $0xFFFFE000;
	s6 =	sadd.s32 @p0 $0x2880, s26  }
0x5e: {  	[spmem:s2] =	stream.indirect.scatter.add.f32 @p0 [tilespmem:s23], [sflag:$0x9], $0x40, s6, s28, $0xb8;
	[tilespmem:$0x1F000] =	vst v63  }
0x5f: {  	_ =	swait.ge @p0 [sflag:s30], $0x2000  }
0x60: {  	s25 =	simm.s32 @!p0 $0x80;
	s23 =	sshra.s32 @!p0 s21, $0x2;
	[sflag:s30] =	ssyncset.done @p0 $0x0  }
0x61: {  	s7 =	simm.s32 @!p0 $0x5000;
	s6 =	sadd.s32 @!p0 $0x400, s23;
	[sflag:s30] =	ssyncadd.s32 @p0 $0xFFFFE000  }
0x62: {  	[tilespmem:s7], [sflag:$0x1] =	stream.indirect.gather @!p0 [hbm4b:s4+s25], $0x40, s6, s25, $0xb8;
	[tilespmem:$0x1F000] =	vst v63  }
0x63: {  	s6 =	simm.s32 @!p0 $0x2  }
0x64: {  	_ =	swait.ge @!p0 [sflag:s6], $0x2000  }
0x65: {  	[sflag:s6] =	ssyncset.done @!p0 $0x0  }
0x66: {  	s7 =	simm.s32 @!p0 $0x7000;
	[sflag:s6] =	ssyncadd.s32 @!p0 $0xFFFFE000;
	s6 =	sadd.s32 @!p0 $0x2880, s23  }
0x67: {  	[spmem:s2] =	stream.indirect.scatter.add.f32 @!p0 [tilespmem:s7], [sflag:$0x9], $0x40, s6, s25, $0xb8;
	[tilespmem:$0x1F000] =	vst v63  }
0x68: {  	s6 =	simm.s32 @!p0 $0x9  }
0x69: {  	_ =	swait.ge @!p0 [sflag:s6], $0x2000  }
0x6a: {  	[sflag:s6] =	ssyncset.done @!p0 $0x0  }
0x6b: {  	s8 =	sadd.s32 @!p0 $0x480, s23;
	[sflag:s6] =	ssyncadd.s32 @!p0 $0xFFFFE000  }
0x6c: {  	[tilespmem:s7], [sflag:$0x2] =	stream.indirect.gather @!p0 [hbm4b:s4+s25], $0x40, s8, s25, $0xb8;
	[tilespmem:$0x1F000] =	vst v63  }
0x6d: {  	_ =	swait.ge [sflag:s1], $0x2000  }
0x6e: {  	[sflag:s1] =	ssyncset.done $0x0  }
0x6f: {  	s8 =	sadd.s32 $0x2900, s22;
	[sflag:s1] =	ssyncadd.s32 $0xFFFFE000  }
0x70: {  	[spmem:s2] =	stream.indirect.scatter.add.f32 [tilespmem:s20], [sflag:$0x9], $0x40, s8, s17, $0xb8;
	[tilespmem:$0x1F000] =	vst v63  }
0x71: {  	_ =	swait.ge [sflag:s15], $0x2000  }
0x72: {  	[sflag:s15] =	ssyncset.done $0x0  }
0x73: {  	s7 =	simm.s32 @p0 $0x4;
	[sflag:s15] =	ssyncadd.s32 $0xFFFFE000  }
0x74: {  	_ =	swait.ge @p0 [sflag:s7], $0x2000  }
0x75: {  	[sflag:s7] =	ssyncset.done @p0 $0x0  }
0x76: {  	s8 =	simm.s32 @p0 $0xB000;
	[sflag:s7] =	ssyncadd.s32 @p0 $0xFFFFE000;
	s7 =	sadd.s32 @p0 $0x2980, s26  }
0x77: {  	[spmem:s2] =	stream.indirect.scatter.add.f32 @p0 [tilespmem:s8], [sflag:$0x9], $0x40, s7, s28, $0xb8;
	[tilespmem:$0x1F000] =	vst v63  }
0x78: {  	_ =	swait.ge @p0 [sflag:s30], $0x2000  }
0x79: {  	[sflag:s30] =	ssyncset.done @p0 $0x0  }
0x7a: {  	s7 =	sadd.s32 @!p0 $0x500, s23;
	s8 =	simm.s32 @!p0 $0x9000;
	[sflag:s30] =	ssyncadd.s32 @p0 $0xFFFFE000  }
0x7b: {  	[tilespmem:s8], [sflag:$0x3] =	stream.indirect.gather @!p0 [hbm4b:s4+s25], $0x40, s7, s25, $0xb8;
	[tilespmem:$0x1F000] =	vst v63  }
0x7c: {  	s7 =	simm.s32 @!p0 $0x4  }
0x7d: {  	_ =	swait.ge @!p0 [sflag:s7], $0x2000  }
0x7e: {  	[sflag:s7] =	ssyncset.done @!p0 $0x0  }
0x7f: {  	s8 =	simm.s32 @!p0 $0xB000;
	[sflag:s7] =	ssyncadd.s32 @!p0 $0xFFFFE000;
	s7 =	sadd.s32 @!p0 $0x2980, s23  }
0x80: {  	[spmem:s2] =	stream.indirect.scatter.add.f32 @!p0 [tilespmem:s8], [sflag:$0x9], $0x40, s7, s25, $0xb8;
	[tilespmem:$0x1F000] =	vst v63  }
0x81: {  	_ =	swait.ge @!p0 [sflag:s6], $0x2000  }
0x82: {  	[sflag:s6] =	ssyncset.done @!p0 $0x0  }
0x83: {  	s7 =	sadd.s32 @!p0 $0x580, s23;
	[sflag:s6] =	ssyncadd.s32 @!p0 $0xFFFFE000  }
0x84: {  	[tilespmem:s8], [sflag:$0x4] =	stream.indirect.gather @!p0 [hbm4b:s4+s25], $0x40, s7, s25, $0xb8;
	[tilespmem:$0x1F000] =	vst v63  }
0x85: {  	_ =	swait.ge [sflag:s16], $0x2000  }
0x86: {  	[sflag:s16] =	ssyncset.done $0x0  }
0x87: {  	s8 =	sadd.s32 $0x2A00, s22;
	[sflag:s16] =	ssyncadd.s32 $0xFFFFE000  }
0x88: {  	[spmem:s2] =	stream.indirect.scatter.add.f32 [tilespmem:s24], [sflag:$0x9], $0x40, s8, s17, $0xb8;
	[tilespmem:$0x1F000] =	vst v63  }
0x89: {  	_ =	swait.ge [sflag:s15], $0x2000  }
0x8a: {  	[sflag:s15] =	ssyncset.done $0x0  }
0x8b: {  	s7 =	simm.s32 @p0 $0x6;
	[sflag:s15] =	ssyncadd.s32 $0xFFFFE000  }
0x8c: {  	_ =	swait.ge @p0 [sflag:s7], $0x2000  }
0x8d: {  	[sflag:s7] =	ssyncset.done @p0 $0x0  }
0x8e: {  	s8 =	simm.s32 @p0 $0xF000;
	[sflag:s7] =	ssyncadd.s32 @p0 $0xFFFFE000;
	s7 =	sadd.s32 @p0 $0x2A80, s26  }
0x8f: {  	[spmem:s2] =	stream.indirect.scatter.add.f32 @p0 [tilespmem:s8], [sflag:$0x9], $0x40, s7, s28, $0xb8;
	[tilespmem:$0x1F000] =	vst v63  }
0x90: {  	_ =	swait.ge @p0 [sflag:s30], $0x2000  }
0x91: {  	[sflag:s30] =	ssyncset.done @p0 $0x0  }
0x92: {  	s7 =	sadd.s32 @!p0 $0x600, s23;
	s8 =	simm.s32 @!p0 $0xD000;
	[sflag:s30] =	ssyncadd.s32 @p0 $0xFFFFE000  }
0x93: {  	[tilespmem:s8], [sflag:$0x5] =	stream.indirect.gather @!p0 [hbm4b:s4+s25], $0x40, s7, s25, $0xb8;
	[tilespmem:$0x1F000] =	vst v63  }
0x94: {  	s7 =	simm.s32 @!p0 $0x6  }
0x95: {  	_ =	swait.ge @!p0 [sflag:s7], $0x2000  }
0x96: {  	[sflag:s7] =	ssyncset.done @!p0 $0x0  }
0x97: {  	s8 =	simm.s32 @!p0 $0xF000;
	[sflag:s7] =	ssyncadd.s32 @!p0 $0xFFFFE000;
	s7 =	sadd.s32 @!p0 $0x2A80, s23  }
0x98: {  	[spmem:s2] =	stream.indirect.scatter.add.f32 @!p0 [tilespmem:s8], [sflag:$0x9], $0x40, s7, s25, $0xb8;
	[tilespmem:$0x1F000] =	vst v63  }
0x99: {  	_ =	swait.ge @!p0 [sflag:s6], $0x2000  }
0x9a: {  	[sflag:s6] =	ssyncset.done @!p0 $0x0  }
0x9b: {  	[sflag:s6] =	ssyncadd.s32 @!p0 $0xFFFFE000;
	s6 =	sadd.s32 @!p0 $0x680, s23  }
0x9c: {  	[tilespmem:s8], [sflag:$0x6] =	stream.indirect.gather @!p0 [hbm4b:s4+s25], $0x40, s6, s25, $0xb8;
	[tilespmem:$0x1F000] =	vst v63  }
0x9d: {  	_ =	swait.ge [sflag:s18], $0x2000  }
0x9e: {  	[sflag:s18] =	ssyncset.done $0x0  }
.Ltmp3:
0x9f: {  	s30 =	sadd.s32 $0x2B00, s22;
	[sflag:s18] =	ssyncadd.s32 $0xFFFFE000;
	(pc) =	sbr.rel @p0 .LBB2_6-.Ltmp3, $4  }
0xa0: {  	[spmem:s2] =	stream.indirect.scatter.add.f32 [tilespmem:s29], [sflag:$0x9], $0x40, s30, s17, $0xb8;
	[tilespmem:$0x1F000] =	vst v63  }
0xa1: {  	_ =	swait.ge [sflag:s15], $0x2000  }
0xa2: {  	[sflag:s15] =	ssyncset.done $0x0  }
0xa3: {  	s6 =	sadd.s32 $0x2B80, s22;
	[sflag:s15] =	ssyncadd.s32 $0xFFFFE000  }
0xa4: {  	s7 =	sadd.s32 $0x700, s22  }
0xa5: {  	[tilespmem:s29], [sflag:$0x7] =	stream.indirect.gather [hbm4b:s4+s17], $0x40, s7, s17, $0xb8;
	[tilespmem:$0x1F000] =	vst v63  }
0xa6: {  	_ =	swait.ge [sflag:s19], $0x2000  }
0xa7: {  	[sflag:s19] =	ssyncset.done $0x0  }
0xa8: {  	[sflag:s19] =	ssyncadd.s32 $0xFFFFE000  }
0xa9: {  	[spmem:s2] =	stream.indirect.scatter.add.f32 [tilespmem:s31], [sflag:$0x9], $0x40, s6, s17, $0xb8;
	[tilespmem:$0x1F000] =	vst v63  }
.Ltmp4:
0xaa: {  	_ = 	snop;
	(pc) =	sbr.rel .LBB2_4-.Ltmp4, $4  }
0xab: {  	_ =	swait.ge [sflag:s15], $0x2000  }
0xac: {  	[sflag:s15] =	ssyncset.done $0x0  }
0xad: {  	s30 =	sadd.s32 $0x780, s22;
	s21 =	sadd.s32 $0x1000, s21;
	[sflag:s15] =	ssyncadd.s32 $0xFFFFE000  }
0xae: {  	[tilespmem:s31], [sflag:$0x8] =	stream.indirect.gather [hbm4b:s4+s17], $0x40, s30, s17, $0xb8;
	[tilespmem:$0x1F000] =	vst v63  }
.LBB2_7:
0xaf: {  	_ =	sfence.sel $0x180000  }
0xb0: {  	[bflag:$0x0] =	sbarrier.arrive $0xFFFF  }
0xb1: {  	_ =	strace $0x9000004D  }
0xb2: {  	s0 =	stileid.u32;
	[bflag:$0x2] =	sbarrier.arrive $0xFFFF  }
0xb3: {  	p0 =	sne.s32 s0, $0x0;
	s0 =	rddreg [dreg:$0x2]  }
0xb4: {  	s0 =	sadd.s32 @!p0 $0x100000, s0  }
0xb5: {  	[sflag:s0] =	ssyncadd.tile.s32 @!p0 $0x1;
	_ =	shalt  }
.Lfunc_end2:
_tile_overlayer_lowered:
.L_overlay_start_2:
0xb6: {  	(tag) =	ssettag $0x2  }
0xb7: {  	s0 =	rddreg [dreg:$0x0];
	s2 =	stileid.u32  }
0xb8: {  	s1 =	rddreg [dreg:$0x1];
	p0 =	sne.s32 s2, $0x0  }
0xb9: {  	s3 =	rddreg [dreg:$0x2];
	[bflag:$0x3] =	sbarrier.arrive $0xFFFF;
	s2 =	simm.s32 @!p0 $0x1C09  }
0xba: {  	[timem:s3], [sflag:s2] =	dma.local @!p0 [hbm:s0], s1  }
0xbb: {  	s0 =	simm.s32 @!p0 $0x9  }
0xbc: {  	_ =	swait.ge @!p0 [sflag:s0], s1  }
0xbd: {  	s1 =	ssub.s32 @!p0 $0x0, s1;
	[sflag:s0] =	ssyncset.done @!p0 $0x0  }
0xbe: {  	[sflag:s0] =	ssyncadd.s32 @!p0 s1  }
0xbf: {  	[bflag:$0x3] =	sbarrier.arrive $0xFFFF  }
0xc0: {  	_ =	shalt  }

</sc_bundles>
